<compile_context>
chip_gen: v7x
topology: tpu7x:2x2x1
jax: 0.10.2.dev20260603
libtpu: 0.0.44.dev20260713+nightly
codegen_flags: <defaults>
</compile_context>

<pallas_src>
import functools

import jax
import jax.numpy as jnp
from jax import lax
from jax.experimental import pallas as pl
from jax.experimental.pallas import tpu as pltpu
from jax.experimental.pallas import tpu_sc as plsc

N = 10000
E = 160000
DN = 128
DE = 16
DL = 8
DH = 16
DHID = 4096
MP = 4
PS = 3

NC = 2
NS = 16
NW = NC * NS
EPW = E // NW
CH = 125
NCHUNK = EPW // CH
NPW = N // NS

@functools.cache
def _sc_mesh():
    return plsc.VectorSubcoreMesh(
        core_axis_name="c", subcore_axis_name="s", num_cores=NC, num_subcores=NS
    )


def _gather_body(x_hbm, src_hbm, out_hbm, idx_v, rows_v, sem):
    wid = lax.axis_index("s") * NC + lax.axis_index("c")
    base = wid * EPW
    pltpu.sync_copy(src_hbm.at[pl.ds(base, EPW)], idx_v)
    pltpu.async_copy(x_hbm.at[idx_v], rows_v, sem).wait()
    pltpu.sync_copy(rows_v, out_hbm.at[pl.ds(base, EPW)])


def _sc_gather(x, src):
    return pl.kernel(
        _gather_body,
        out_type=jax.ShapeDtypeStruct((E, DH), jnp.float32),
        mesh=_sc_mesh(),
        compiler_params=pltpu.CompilerParams(use_tc_tiling_on_sc=False),
        scratch_types=[
            pltpu.VMEM((EPW,), jnp.int32),
            pltpu.VMEM((EPW, DH), jnp.float32),
            pltpu.SemaphoreType.DMA,
        ],
    )(x, src)


def _scatter_body(m_hbm, dst_hbm, zeros_hbm, out_hbm, idx_v, rows_v, acc_sh, sem):
    c = lax.axis_index("c")
    s = lax.axis_index("s")
    wid = s * NC + c
    pltpu.sync_copy(zeros_hbm.at[pl.ds(s * NPW, NPW)],
                    acc_sh.at[pl.ds(s * NPW, NPW)])
    plsc.subcore_barrier()
    pltpu.sync_copy(m_hbm.at[pl.ds(wid * EPW, EPW)], rows_v)
    pltpu.sync_copy(dst_hbm.at[wid], idx_v)

    def chunk(j, carry):
        pltpu.sync_copy(rows_v.at[pl.ds(j * CH, CH)],
                        acc_sh.at[idx_v.at[j]], add=True)
        return carry

    lax.fori_loop(0, NCHUNK, chunk, 0)
    plsc.subcore_barrier()
    pltpu.sync_copy(acc_sh.at[pl.ds(s * NPW, NPW)],
                    out_hbm.at[c, pl.ds(s * NPW, NPW)])


def _sc_scatter(m, dst3, zeros_n):
    return pl.kernel(
        _scatter_body,
        out_type=jax.ShapeDtypeStruct((NC, N, DH), jnp.float32),
        mesh=_sc_mesh(),
        compiler_params=pltpu.CompilerParams(use_tc_tiling_on_sc=False),
        scratch_types=[
            pltpu.VMEM((NCHUNK, CH), jnp.int32),
            pltpu.VMEM((EPW, DH), jnp.float32),
            pltpu.VMEM_SHARED((N, DH), jnp.float32),
            pltpu.SemaphoreType.DMA,
        ],
    )(m, dst3, zeros_n)


TN0 = 1000


def _nodeproj_body(na_ref, w1_ref, b1_ref, out_ref):
    out_ref[...] = jnp.maximum(
        jnp.dot(na_ref[...], w1_ref[...],
                preferred_element_type=jnp.float32) + b1_ref[...], 0.0)


def _tc_nodeproj(node_attribute, W1, b1):
    return pl.pallas_call(
        _nodeproj_body,
        grid=(N // TN0,),
        in_specs=[
            pl.BlockSpec((TN0, DN), lambda i: (i, 0)),
            pl.BlockSpec((DN, DH), lambda i: (0, 0)),
            pl.BlockSpec((1, DH), lambda i: (0, 0)),
        ],
        out_specs=pl.BlockSpec((TN0, DH), lambda i: (i, 0)),
        out_shape=jax.ShapeDtypeStruct((N, DH), jnp.float32),
    )(node_attribute, W1, b1.reshape(1, DH))


TEB = 6400


import numpy as _np

_REP = _np.zeros((DH, DH * DH), _np.float32)
_FOLD = _np.zeros((DH * DH, DH), _np.float32)
for _i in range(DH):
    for _o in range(DH):
        _REP[_i, DH * _i + _o] = 1.0
        _FOLD[DH * _i + _o, _o] = 1.0


SUB = 640
NSUB = TEB // SUB


def _edge_body(xs_ref, ea_ref, el_ref, wba_ref, wbb_ref, bb_ref, cen_ref,
               beta_ref, rep_ref, fold_ref, m_ref):
    for sub in range(NSUB):
        sl = pl.ds(sub * SUB, SUB)
        diff = el_ref[sl, :] - cen_ref[...]
        rbf = jnp.exp(-beta_ref[...] * diff * diff)
        wf = jnp.dot(ea_ref[sl, :], wba_ref[...],
                     preferred_element_type=jnp.float32) \
            + jnp.dot(rbf, wbb_ref[...],
                      preferred_element_type=jnp.float32) + bb_ref[...]
        xr = jnp.dot(xs_ref[sl, :], rep_ref[...],
                     preferred_element_type=jnp.float32)
        m_ref[sl, :] = jnp.dot(wf * xr, fold_ref[...],
                               preferred_element_type=jnp.float32)


def _tc_edge(xs, edge_attribute, el8, Wb, bb, centers, beta):
    return pl.pallas_call(
        _edge_body,
        grid=(E // TEB,),
        in_specs=[
            pl.BlockSpec((TEB, DH), lambda i: (i, 0)),
            pl.BlockSpec((TEB, DE), lambda i: (i, 0)),
            pl.BlockSpec((TEB, DL), lambda i: (i, 0)),
            pl.BlockSpec((DE, DH * DH), lambda i: (0, 0)),
            pl.BlockSpec((DL, DH * DH), lambda i: (0, 0)),
            pl.BlockSpec((1, DH * DH), lambda i: (0, 0)),
            pl.BlockSpec((1, DL), lambda i: (0, 0)),
            pl.BlockSpec((1, DL), lambda i: (0, 0)),
            pl.BlockSpec((DH, DH * DH), lambda i: (0, 0)),
            pl.BlockSpec((DH * DH, DH), lambda i: (0, 0)),
        ],
        out_specs=pl.BlockSpec((TEB, DH), lambda i: (i, 0)),
        out_shape=jax.ShapeDtypeStruct((E, DH), jnp.float32),
    )(xs, edge_attribute, el8, Wb[:DE], Wb[DE:], bb.reshape(1, DH * DH),
      centers.reshape(1, DL), beta.reshape(1, DL),
      jnp.asarray(_REP), jnp.asarray(_FOLD))


TNG = N


def _gru_body(p_ref, h_ref, bias_ref, wih_ref, whh_ref, bih_ref, bhh_ref,
              hn_ref):
    agg = p_ref[0] + p_ref[1] + bias_ref[...]
    x = jnp.maximum(agg, 0.0)
    gi = jnp.dot(x, wih_ref[...], preferred_element_type=jnp.float32) \
        + bih_ref[...]
    gh = jnp.dot(h_ref[...], whh_ref[...],
                 preferred_element_type=jnp.float32) + bhh_ref[...]
    r = jax.nn.sigmoid(gi[:, :DH] + gh[:, :DH])
    z = jax.nn.sigmoid(gi[:, DH:2 * DH] + gh[:, DH:2 * DH])
    n = jnp.tanh(gi[:, 2 * DH:] + r * gh[:, 2 * DH:])
    hn_ref[...] = (1.0 - z) * n + z * h_ref[...]


def _tc_gru(parts, h, gnn_bias, WihT, WhhT, bih, bhh):
    return pl.pallas_call(
        _gru_body,
        grid=(1,),
        in_specs=[
            pl.BlockSpec((NC, TNG, DH), lambda i: (0, 0, 0)),
            pl.BlockSpec((TNG, DH), lambda i: (0, 0)),
            pl.BlockSpec((1, DH), lambda i: (0, 0)),
            pl.BlockSpec((DH, 3 * DH), lambda i: (0, 0)),
            pl.BlockSpec((DH, 3 * DH), lambda i: (0, 0)),
            pl.BlockSpec((1, 3 * DH), lambda i: (0, 0)),
            pl.BlockSpec((1, 3 * DH), lambda i: (0, 0)),
        ],
        out_specs=pl.BlockSpec((TNG, DH), lambda i: (0, 0)),
        out_shape=jax.ShapeDtypeStruct((N, DH), jnp.float32),
    )(parts, h, gnn_bias.reshape(1, DH), WihT, WhhT,
      bih.reshape(1, 3 * DH), bhh.reshape(1, 3 * DH))


H2 = 2 * DH


def _s2s_body(x_ref, nf_ref, wih0_ref, whh0_ref, bih0_ref, bhh0_ref,
              wih1_ref, whh1_ref, bih1_ref, bhh1_ref, ws_ref, bs_ref,
              pa_ref, out_ref):
    x = x_ref[...]
    nf = nf_ref[...]
    h0 = jnp.zeros((1, H2), jnp.float32)
    c0 = jnp.zeros((1, H2), jnp.float32)
    h1 = jnp.zeros((1, H2), jnp.float32)
    c1 = jnp.zeros((1, H2), jnp.float32)
    q_star = jnp.zeros((1, 2 * H2), jnp.float32)

    def cell(xx, hh, cc, wih, whh, bih, bhh):
        g = jnp.dot(xx, wih, preferred_element_type=jnp.float32) + bih \
            + jnp.dot(hh, whh, preferred_element_type=jnp.float32) + bhh
        i = jax.nn.sigmoid(g[:, :H2])
        f = jax.nn.sigmoid(g[:, H2:2 * H2])
        gg = jnp.tanh(g[:, 2 * H2:3 * H2])
        o = jax.nn.sigmoid(g[:, 3 * H2:])
        cc2 = f * cc + i * gg
        return o * jnp.tanh(cc2), cc2

    for _ in range(PS):
        h0, c0 = cell(q_star, h0, c0, wih0_ref[...], whh0_ref[...],
                      bih0_ref[...], bhh0_ref[...])
        h1, c1 = cell(h0, h1, c1, wih1_ref[...], whh1_ref[...],
                      bih1_ref[...], bhh1_ref[...])
        q = h1
        e = lax.dot_general(x, q[:, :DH], (((1,), (1,)), ((), ())),
                            preferred_element_type=jnp.float32) \
            + lax.dot_general(nf, q[:, DH:], (((1,), (1,)), ((), ())),
                              preferred_element_type=jnp.float32)
        p = jnp.exp(e - jnp.max(e))
        alpha = p / jnp.sum(p)
        r1 = lax.dot_general(alpha, x, (((0,), (0,)), ((), ())),
                             preferred_element_type=jnp.float32)
        r2 = lax.dot_general(alpha, nf, (((0,), (0,)), ((), ())),
                             preferred_element_type=jnp.float32)
        q_star = jnp.concatenate([q, r1, r2], axis=1)

    out = jnp.dot(q_star, ws_ref[...],
                  preferred_element_type=jnp.float32) + bs_ref[...]
    out_ref[...] = jnp.maximum(out, 0.0) + pa_ref[0, 0] * jnp.minimum(out, 0.0)


def _tc_s2s(x, nf, WihT0, WhhT0, bih0, bhh0, WihT1, WhhT1, bih1, bhh1,
            Ws, bs, prelu_a):
    full = lambda shape: pl.BlockSpec(shape, lambda: tuple(0 for _ in shape))
    return pl.pallas_call(
        _s2s_body,
        grid=(),
        in_specs=[
            full((N, DH)), full((N, DH)),
            full((2 * H2, 4 * H2)), full((H2, 4 * H2)),
            full((1, 4 * H2)), full((1, 4 * H2)),
            full((H2, 4 * H2)), full((H2, 4 * H2)),
            full((1, 4 * H2)), full((1, 4 * H2)),
            full((4 * DH, DHID)), full((1, DHID)), full((1, 1)),
        ],
        out_specs=full((1, DHID)),
        out_shape=jax.ShapeDtypeStruct((1, DHID), jnp.float32),
    )(x, nf, WihT0, WhhT0, bih0.reshape(1, -1), bhh0.reshape(1, -1),
      WihT1, WhhT1, bih1.reshape(1, -1), bhh1.reshape(1, -1),
      Ws, bs.reshape(1, DHID), prelu_a.reshape(1, 1))


def kernel(node_attribute, edge_index, edge_attribute, edge_length, W1, b1,
           rbf_centers, rbf_beta, Wb, bb, gnn_bias, gru_Wih, gru_Whh,
           gru_bih, gru_bhh, lstm_Wih0, lstm_Whh0, lstm_bih0, lstm_bhh0,
           lstm_Wih1, lstm_Whh1, lstm_bih1, lstm_bhh1, Ws, bs, prelu_a):
    src = edge_index[0]
    dst3 = edge_index[1].reshape(NW, NCHUNK, CH)
    el8 = jnp.broadcast_to(edge_length.reshape(E, 1), (E, DL))
    zeros_n = jnp.zeros((N, DH), jnp.float32)
    WihT = gru_Wih.T
    WhhT = gru_Whh.T
    WihT0 = lstm_Wih0.T
    WhhT0 = lstm_Whh0.T
    WihT1 = lstm_Wih1.T
    WhhT1 = lstm_Whh1.T

    nf = _tc_nodeproj(node_attribute, W1, b1)
    x = nf
    h = nf
    for _ in range(MP):
        xs = _sc_gather(x, src)
        m = _tc_edge(xs, edge_attribute, el8, Wb, bb, rbf_centers, rbf_beta)
        parts = _sc_scatter(m, dst3, zeros_n)
        h = _tc_gru(parts, h, gnn_bias, WihT, WhhT, gru_bih, gru_bhh)
        x = h

    return _tc_s2s(x, nf, WihT0, WhhT0, lstm_bih0, lstm_bhh0,
                   WihT1, WhhT1, lstm_bih1, lstm_bhh1, Ws, bs, prelu_a)

# --- scband reference (transcript-rebuilt; emitter-appended) ---
"""Pipeline reference for scband-reaction-nn-49014166782082 (READ-ONLY COPY).

The authoritative reference and input builder live on the scoring server;
editing this copy changes nothing except your own understanding.
"""

import jax, jax.numpy as jnp
import numpy as np

N = 10000
E = 160000
DN = 128
DE = 16
DL = 8
DH = 16
DHID = 4096
MP = 4
PS = 3


def setup_inputs(seed: int = 0) -> dict:
    key = jax.random.key(seed)
    ks = jax.random.split(key, 16)
    inp = {}
    inp["node_attribute"] = jax.random.normal(ks[0], (N, DN), jnp.float32)
    inp["edge_index"] = jax.random.randint(ks[1], (2, E), 0, N).astype(jnp.int32)
    inp["edge_attribute"] = jax.random.normal(ks[2], (E, DE), jnp.float32)
    inp["edge_length"] = jax.random.uniform(ks[3], (E,), jnp.float32)
    inp["W1"] = jax.random.normal(ks[4], (DN, DH), jnp.float32) * 0.05
    inp["b1"] = jnp.zeros((DH,), jnp.float32)
    inp["rbf_centers"] = jax.random.uniform(ks[5], (DL,), jnp.float32)
    inp["rbf_beta"] = jnp.full((DL,), 10.0, jnp.float32)
    inp["Wb"] = jax.random.normal(ks[6], (DE + DL, DH * DH), jnp.float32) * 0.02
    inp["bb"] = jnp.zeros((DH * DH,), jnp.float32)
    inp["gnn_bias"] = jnp.zeros((DH,), jnp.float32)
    inp["gru_Wih"] = jax.random.normal(ks[7], (3 * DH, DH), jnp.float32) * 0.1
    inp["gru_Whh"] = jax.random.normal(ks[8], (3 * DH, DH), jnp.float32) * 0.1
    inp["gru_bih"] = jnp.zeros((3 * DH,), jnp.float32)
    inp["gru_bhh"] = jnp.zeros((3 * DH,), jnp.float32)
    H2 = 2 * DH
    inp["lstm_Wih0"] = jax.random.normal(ks[9], (4 * H2, 2 * H2), jnp.float32) * 0.1
    inp["lstm_Whh0"] = jax.random.normal(ks[10], (4 * H2, H2), jnp.float32) * 0.1
    inp["lstm_bih0"] = jnp.zeros((4 * H2,), jnp.float32)
    inp["lstm_bhh0"] = jnp.zeros((4 * H2,), jnp.float32)
    inp["lstm_Wih1"] = jax.random.normal(ks[11], (4 * H2, H2), jnp.float32) * 0.1
    inp["lstm_Whh1"] = jax.random.normal(ks[12], (4 * H2, H2), jnp.float32) * 0.1
    inp["lstm_bih1"] = jnp.zeros((4 * H2,), jnp.float32)
    inp["lstm_bhh1"] = jnp.zeros((4 * H2,), jnp.float32)
    inp["Ws"] = jax.random.normal(ks[13], (4 * DH, DHID), jnp.float32) * 0.05
    inp["bs"] = jnp.zeros((DHID,), jnp.float32)
    inp["prelu_a"] = jnp.full((1,), 0.25, jnp.float32)
    return inp


def reference(node_attribute, edge_index, edge_attribute, edge_length, W1, b1, rbf_centers, rbf_beta, Wb, bb, gnn_bias, gru_Wih, gru_Whh, gru_bih, gru_bhh, lstm_Wih0, lstm_Whh0, lstm_bih0, lstm_bhh0, lstm_Wih1, lstm_Whh1, lstm_bih1, lstm_bhh1, Ws, bs, prelu_a):
    src = edge_index[0]
    dst = edge_index[1]
    # atom_feature_projector: Linear + ReLU
    nf = jax.nn.relu(node_attribute @ W1 + b1)
    # RBFLayer on edge lengths
    diff = edge_length.reshape(-1, 1) - rbf_centers.reshape(1, -1)
    rbf = jnp.exp(-rbf_beta * jnp.square(diff))
    ef = jnp.concatenate([edge_attribute, rbf], axis=-1)
    # bond_function: per-edge weight matrix for NNConv
    Wedge = (ef @ Wb + bb).reshape(-1, DH, DH)
    h = nf
    na0 = nf
    x = nf
    for _ in range(MP):
        # NNConv with sum aggregation: gather src feats, per-edge matmul, scatter-add to dst
        m = jnp.einsum('ei,eio->eo', x[src], Wedge)
        agg = jnp.zeros((nf.shape[0], DH), nf.dtype).at[dst].add(m) + gnn_bias
        x = jax.nn.relu(agg)
        # single-layer GRU step (batch dim = nodes)
        gi = x @ gru_Wih.T + gru_bih
        gh = h @ gru_Whh.T + gru_bhh
        r = jax.nn.sigmoid(gi[:, :DH] + gh[:, :DH])
        z = jax.nn.sigmoid(gi[:, DH:2 * DH] + gh[:, DH:2 * DH])
        n = jnp.tanh(gi[:, 2 * DH:] + r * gh[:, 2 * DH:])
        h = (1.0 - z) * n + z * h
        x = h
    na = jnp.concatenate([x, na0], axis=-1)
    # Set2Set pooling (single graph in batch), 2-layer LSTM
    H2 = 2 * DH
    h0 = jnp.zeros((1, H2), nf.dtype)
    c0 = jnp.zeros((1, H2), nf.dtype)
    h1 = jnp.zeros((1, H2), nf.dtype)
    c1 = jnp.zeros((1, H2), nf.dtype)
    q_star = jnp.zeros((1, 2 * H2), nf.dtype)

    def lstm_cell(xx, hh, cc, Wih, Whh, bih, bhh):
        g = xx @ Wih.T + bih + hh @ Whh.T + bhh
        i = jax.nn.sigmoid(g[:, :H2])
        f = jax.nn.sigmoid(g[:, H2:2 * H2])
        gg = jnp.tanh(g[:, 2 * H2:3 * H2])
        o = jax.nn.sigmoid(g[:, 3 * H2:])
        cc2 = f * cc + i * gg
        return o * jnp.tanh(cc2), cc2

    for _ in range(PS):
        h0, c0 = lstm_cell(q_star, h0, c0, lstm_Wih0, lstm_Whh0, lstm_bih0, lstm_bhh0)
        h1, c1 = lstm_cell(h0, h1, c1, lstm_Wih1, lstm_Whh1, lstm_bih1, lstm_bhh1)
        q = h1
        e = jnp.sum(na * q, axis=-1, keepdims=True)
        alpha = jax.nn.softmax(e, axis=0)
        readout = jnp.sum(na * alpha, axis=0, keepdims=True)
        q_star = jnp.concatenate([q, readout], axis=-1)
    # sparsify: Linear + PReLU
    out = q_star @ Ws + bs
    out = jnp.maximum(out, 0.0) + prelu_a * jnp.minimum(out, 0.0)
    return out

if __name__ == "__main__":
    import jax
    _d = setup_inputs()
    print(jax.jit(kernel)(*tuple(_d.values())))

</pallas_src>

<mosaic_0001>
#map = affine_map<(d0, d1) -> (0, 0)>
#map1 = affine_map<(d0, d1) -> (0)>
module attributes {stable_mosaic.version = 14 : i64} {
  func.func @_gather_body(%arg0: i32, %arg1: i32, %arg2: memref<10000x16xf32, #tpu.memory_space<hbm>>, %arg3: memref<160000xi32, #tpu.memory_space<hbm>>, %arg4: memref<160000x16xf32, #tpu.memory_space<hbm>>, %arg5: memref<5000xi32, #tpu.memory_space<vmem>>, %arg6: memref<5000x16xf32, #tpu.memory_space<vmem>>, %arg7: memref<!tpu.dma_semaphore, #tpu.memory_space<semaphore_mem>>) attributes {dimension_semantics = [#tpu.dimension_semantics<core_parallel>, #tpu.dimension_semantics<subcore_parallel>], iteration_bounds = array<i64: 2, 16>, scalar_prefetch = 0 : i64, scratch_operands = 3 : i64, tpu.core_type = #tpu.core_type<sc_vector_subcore>, window_params = [{transform_indices = #map}, {transform_indices = #map1}, {transform_indices = #map}]} {
    %mul3A = arith.constant 2 : i32
    %mul3A_0 = arith.muli %arg1, %mul3A : i32
    %add3A = arith.addi %mul3A_0, %arg0 : i32
    %mul3A_1 = arith.constant 5000 : i32
    %mul3A_2 = arith.muli %add3A, %mul3A_1 : i32
    "tpu.region"() ({
      %run_scoped3A = tpu.sem_alloc : memref<!tpu.dma_semaphore, #tpu.memory_space<semaphore_mem>>
      %dma_start3A_7 = tpu.memref_slice %arg3[%mul3A_2] : memref<160000xi32, #tpu.memory_space<hbm>> -> memref<5000xi32, #tpu.memory_space<hbm>>
      %dma_start3A_8 = tpu.memref_slice %arg3[%mul3A_2] : memref<160000xi32, #tpu.memory_space<hbm>> -> memref<5000xi32, #tpu.memory_space<hbm>>
      tpu.enqueue_dma source(%dma_start3A_8 : memref<5000xi32, #tpu.memory_space<hbm>>) target(%arg5 : memref<5000xi32, #tpu.memory_space<vmem>>) target_semaphore(%run_scoped3A : memref<!tpu.dma_semaphore, #tpu.memory_space<semaphore_mem>>)
      %dma_wait3A_9 = tpu.memref_slice %arg3[%mul3A_2] : memref<160000xi32, #tpu.memory_space<hbm>> -> memref<5000xi32, #tpu.memory_space<hbm>>
      %dma_wait3A_10 = tpu.memref_slice %arg3[%mul3A_2] : memref<160000xi32, #tpu.memory_space<hbm>> -> memref<5000xi32, #tpu.memory_space<hbm>>
      tpu.wait_dma2 semaphore(%run_scoped3A : memref<!tpu.dma_semaphore, #tpu.memory_space<semaphore_mem>>) src(%dma_wait3A_10 : memref<5000xi32, #tpu.memory_space<hbm>>) dst(%arg5 : memref<5000xi32, #tpu.memory_space<vmem>>)
      tpu.yield
    }) : () -> ()
    %dma_start3A = arith.constant 0 : i32
    %dma_start3A_3 = arith.constant 0 : i32
    %dma_start3A_4 = tpu.memref_slice %arg2[%dma_start3A, %dma_start3A_3] : memref<10000x16xf32, #tpu.memory_space<hbm>> -> memref<10000x16xf32, #tpu.memory_space<hbm>>
    tpu.enqueue_indirect_dma source(%dma_start3A_4 : memref<10000x16xf32, #tpu.memory_space<hbm>>) target(%arg6 : memref<5000x16xf32, #tpu.memory_space<vmem>>) offsets(%arg5 : memref<5000xi32, #tpu.memory_space<vmem>>) semaphore(%arg7 : memref<!tpu.dma_semaphore, #tpu.memory_space<semaphore_mem>>)
    %dma_wait3A = arith.constant 0 : i32
    %dma_wait3A_5 = arith.constant 0 : i32
    %dma_wait3A_6 = tpu.memref_slice %arg2[%dma_wait3A, %dma_wait3A_5] : memref<10000x16xf32, #tpu.memory_space<hbm>> -> memref<10000x16xf32, #tpu.memory_space<hbm>>
    tpu.wait_indirect_dma semaphore(%arg7 : memref<!tpu.dma_semaphore, #tpu.memory_space<semaphore_mem>>) src(%dma_wait3A_6 : memref<10000x16xf32, #tpu.memory_space<hbm>>) dst(%arg6 : memref<5000x16xf32, #tpu.memory_space<vmem>>)
    "tpu.region"() ({
      %run_scoped3A = tpu.sem_alloc : memref<!tpu.dma_semaphore, #tpu.memory_space<semaphore_mem>>
      %dma_start3A_7 = arith.constant 0 : i32
      %dma_start3A_8 = tpu.memref_slice %arg4[%mul3A_2, %dma_start3A_7] : memref<160000x16xf32, #tpu.memory_space<hbm>> -> memref<5000x16xf32, #tpu.memory_space<hbm>>
      %dma_start3A_9 = arith.constant 0 : i32
      %dma_start3A_10 = tpu.memref_slice %arg4[%mul3A_2, %dma_start3A_9] : memref<160000x16xf32, #tpu.memory_space<hbm>> -> memref<5000x16xf32, #tpu.memory_space<hbm>>
      tpu.enqueue_dma source(%arg6 : memref<5000x16xf32, #tpu.memory_space<vmem>>) target(%dma_start3A_10 : memref<5000x16xf32, #tpu.memory_space<hbm>>) target_semaphore(%run_scoped3A : memref<!tpu.dma_semaphore, #tpu.memory_space<semaphore_mem>>)
      %dma_wait3A_11 = arith.constant 0 : i32
      %dma_wait3A_12 = tpu.memref_slice %arg4[%mul3A_2, %dma_wait3A_11] : memref<160000x16xf32, #tpu.memory_space<hbm>> -> memref<5000x16xf32, #tpu.memory_space<hbm>>
      %dma_wait3A_13 = arith.constant 0 : i32
      %dma_wait3A_14 = tpu.memref_slice %arg4[%mul3A_2, %dma_wait3A_13] : memref<160000x16xf32, #tpu.memory_space<hbm>> -> memref<5000x16xf32, #tpu.memory_space<hbm>>
      tpu.wait_dma2 semaphore(%run_scoped3A : memref<!tpu.dma_semaphore, #tpu.memory_space<semaphore_mem>>) src(%arg6 : memref<5000x16xf32, #tpu.memory_space<vmem>>) dst(%dma_wait3A_14 : memref<5000x16xf32, #tpu.memory_space<hbm>>)
      tpu.yield
    }) : () -> ()
    return
  }
}

#map = affine_map<(d0, d1) -> (0, 0)>
#map1 = affine_map<(d0, d1) -> (0)>
module attributes {stable_mosaic.version = 14 : i64} {
  func.func @_gather_body(%arg0: i32, %arg1: i32, %arg2: memref<10000x16xf32, #tpu.memory_space<hbm>>, %arg3: memref<160000xi32, #tpu.memory_space<hbm>>, %arg4: memref<160000x16xf32, #tpu.memory_space<hbm>>, %arg5: memref<5000xi32, #tpu.memory_space<vmem>>, %arg6: memref<5000x16xf32, #tpu.memory_space<vmem>>, %arg7: memref<!tpu.dma_semaphore, #tpu.memory_space<semaphore_mem>>) attributes {dimension_semantics = [#tpu.dimension_semantics<core_parallel>, #tpu.dimension_semantics<subcore_parallel>], iteration_bounds = array<i64: 2, 16>, scalar_prefetch = 0 : i64, scratch_operands = 3 : i64, tpu.core_type = #tpu.core_type<sc_vector_subcore>, window_params = [{transform_indices = #map}, {transform_indices = #map1}, {transform_indices = #map}]} {
    %mul3A = arith.constant 2 : i32
    %mul3A_0 = arith.muli %arg1, %mul3A : i32
    %add3A = arith.addi %mul3A_0, %arg0 : i32
    %mul3A_1 = arith.constant 5000 : i32
    %mul3A_2 = arith.muli %add3A, %mul3A_1 : i32
    "tpu.region"() ({
      %run_scoped3A = tpu.sem_alloc : memref<!tpu.dma_semaphore, #tpu.memory_space<semaphore_mem>>
      %dma_start3A_7 = tpu.memref_slice %arg3[%mul3A_2] : memref<160000xi32, #tpu.memory_space<hbm>> -> memref<5000xi32, #tpu.memory_space<hbm>>
      %dma_start3A_8 = tpu.memref_slice %arg3[%mul3A_2] : memref<160000xi32, #tpu.memory_space<hbm>> -> memref<5000xi32, #tpu.memory_space<hbm>>
      tpu.enqueue_dma source(%dma_start3A_8 : memref<5000xi32, #tpu.memory_space<hbm>>) target(%arg5 : memref<5000xi32, #tpu.memory_space<vmem>>) target_semaphore(%run_scoped3A : memref<!tpu.dma_semaphore, #tpu.memory_space<semaphore_mem>>)
      %dma_wait3A_9 = tpu.memref_slice %arg3[%mul3A_2] : memref<160000xi32, #tpu.memory_space<hbm>> -> memref<5000xi32, #tpu.memory_space<hbm>>
      %dma_wait3A_10 = tpu.memref_slice %arg3[%mul3A_2] : memref<160000xi32, #tpu.memory_space<hbm>> -> memref<5000xi32, #tpu.memory_space<hbm>>
      tpu.wait_dma2 semaphore(%run_scoped3A : memref<!tpu.dma_semaphore, #tpu.memory_space<semaphore_mem>>) src(%dma_wait3A_10 : memref<5000xi32, #tpu.memory_space<hbm>>) dst(%arg5 : memref<5000xi32, #tpu.memory_space<vmem>>)
      tpu.yield
    }) : () -> ()
    %dma_start3A = arith.constant 0 : i32
    %dma_start3A_3 = arith.constant 0 : i32
    %dma_start3A_4 = tpu.memref_slice %arg2[%dma_start3A, %dma_start3A_3] : memref<10000x16xf32, #tpu.memory_space<hbm>> -> memref<10000x16xf32, #tpu.memory_space<hbm>>
    tpu.enqueue_indirect_dma source(%dma_start3A_4 : memref<10000x16xf32, #tpu.memory_space<hbm>>) target(%arg6 : memref<5000x16xf32, #tpu.memory_space<vmem>>) offsets(%arg5 : memref<5000xi32, #tpu.memory_space<vmem>>) semaphore(%arg7 : memref<!tpu.dma_semaphore, #tpu.memory_space<semaphore_mem>>)
    %dma_wait3A = arith.constant 0 : i32
    %dma_wait3A_5 = arith.constant 0 : i32
    %dma_wait3A_6 = tpu.memref_slice %arg2[%dma_wait3A, %dma_wait3A_5] : memref<10000x16xf32, #tpu.memory_space<hbm>> -> memref<10000x16xf32, #tpu.memory_space<hbm>>
    tpu.wait_indirect_dma semaphore(%arg7 : memref<!tpu.dma_semaphore, #tpu.memory_space<semaphore_mem>>) src(%dma_wait3A_6 : memref<10000x16xf32, #tpu.memory_space<hbm>>) dst(%arg6 : memref<5000x16xf32, #tpu.memory_space<vmem>>)
    "tpu.region"() ({
      %run_scoped3A = tpu.sem_alloc : memref<!tpu.dma_semaphore, #tpu.memory_space<semaphore_mem>>
      %dma_start3A_7 = arith.constant 0 : i32
      %dma_start3A_8 = tpu.memref_slice %arg4[%mul3A_2, %dma_start3A_7] : memref<160000x16xf32, #tpu.memory_space<hbm>> -> memref<5000x16xf32, #tpu.memory_space<hbm>>
      %dma_start3A_9 = arith.constant 0 : i32
      %dma_start3A_10 = tpu.memref_slice %arg4[%mul3A_2, %dma_start3A_9] : memref<160000x16xf32, #tpu.memory_space<hbm>> -> memref<5000x16xf32, #tpu.memory_space<hbm>>
      tpu.enqueue_dma source(%arg6 : memref<5000x16xf32, #tpu.memory_space<vmem>>) target(%dma_start3A_10 : memref<5000x16xf32, #tpu.memory_space<hbm>>) target_semaphore(%run_scoped3A : memref<!tpu.dma_semaphore, #tpu.memory_space<semaphore_mem>>)
      %dma_wait3A_11 = arith.constant 0 : i32
      %dma_wait3A_12 = tpu.memref_slice %arg4[%mul3A_2, %dma_wait3A_11] : memref<160000x16xf32, #tpu.memory_space<hbm>> -> memref<5000x16xf32, #tpu.memory_space<hbm>>
      %dma_wait3A_13 = arith.constant 0 : i32
      %dma_wait3A_14 = tpu.memref_slice %arg4[%mul3A_2, %dma_wait3A_13] : memref<160000x16xf32, #tpu.memory_space<hbm>> -> memref<5000x16xf32, #tpu.memory_space<hbm>>
      tpu.wait_dma2 semaphore(%run_scoped3A : memref<!tpu.dma_semaphore, #tpu.memory_space<semaphore_mem>>) src(%arg6 : memref<5000x16xf32, #tpu.memory_space<vmem>>) dst(%dma_wait3A_14 : memref<5000x16xf32, #tpu.memory_space<hbm>>)
      tpu.yield
    }) : () -> ()
    return
  }
}

#map = affine_map<(d0, d1) -> (0, 0)>
#map1 = affine_map<(d0, d1) -> (0, 0, 0)>
module attributes {stable_mosaic.version = 14 : i64} {
  func.func @_scatter_body(%arg0: i32, %arg1: i32, %arg2: memref<160000x16xf32, #tpu.memory_space<hbm>>, %arg3: memref<32x40x125xi32, #tpu.memory_space<hbm>>, %arg4: memref<10000x16xf32, #tpu.memory_space<hbm>>, %arg5: memref<2x10000x16xf32, #tpu.memory_space<hbm>>, %arg6: memref<40x125xi32, #tpu.memory_space<vmem>>, %arg7: memref<5000x16xf32, #tpu.memory_space<vmem>>, %arg8: memref<10000x16xf32, #tpu.memory_space<vmem_shared>>, %arg9: memref<!tpu.dma_semaphore, #tpu.memory_space<semaphore_mem>>) attributes {dimension_semantics = [#tpu.dimension_semantics<core_parallel>, #tpu.dimension_semantics<subcore_parallel>], iteration_bounds = array<i64: 2, 16>, scalar_prefetch = 0 : i64, scratch_operands = 4 : i64, tpu.core_type = #tpu.core_type<sc_vector_subcore>, window_params = [{transform_indices = #map}, {transform_indices = #map1}, {transform_indices = #map}, {transform_indices = #map1}]} {
    %mul3A = arith.constant 2 : i32
    %mul3A_0 = arith.muli %arg1, %mul3A : i32
    %add3A = arith.addi %mul3A_0, %arg0 : i32
    %mul3A_1 = arith.constant 625 : i32
    %mul3A_2 = arith.muli %arg1, %mul3A_1 : i32
    %mul3A_3 = arith.constant 625 : i32
    %mul3A_4 = arith.muli %arg1, %mul3A_3 : i32
    "tpu.region"() ({
      %run_scoped3A = tpu.sem_alloc : memref<!tpu.dma_semaphore, #tpu.memory_space<semaphore_mem>>
      %dma_start3A = arith.constant 0 : i32
      %dma_start3A_17 = tpu.memref_slice %arg8[%mul3A_4, %dma_start3A] : memref<10000x16xf32, #tpu.memory_space<vmem_shared>> -> memref<625x16xf32, #tpu.memory_space<vmem_shared>>
      %dma_start3A_18 = arith.constant 0 : i32
      %dma_start3A_19 = tpu.memref_slice %arg4[%mul3A_2, %dma_start3A_18] : memref<10000x16xf32, #tpu.memory_space<hbm>> -> memref<625x16xf32, #tpu.memory_space<hbm>>
      tpu.enqueue_dma source(%dma_start3A_19 : memref<625x16xf32, #tpu.memory_space<hbm>>) target(%dma_start3A_17 : memref<625x16xf32, #tpu.memory_space<vmem_shared>>) target_semaphore(%run_scoped3A : memref<!tpu.dma_semaphore, #tpu.memory_space<semaphore_mem>>)
      %dma_wait3A = arith.constant 0 : i32
      %dma_wait3A_20 = tpu.memref_slice %arg8[%mul3A_4, %dma_wait3A] : memref<10000x16xf32, #tpu.memory_space<vmem_shared>> -> memref<625x16xf32, #tpu.memory_space<vmem_shared>>
      %dma_wait3A_21 = arith.constant 0 : i32
      %dma_wait3A_22 = tpu.memref_slice %arg4[%mul3A_2, %dma_wait3A_21] : memref<10000x16xf32, #tpu.memory_space<hbm>> -> memref<625x16xf32, #tpu.memory_space<hbm>>
      tpu.wait_dma2 semaphore(%run_scoped3A : memref<!tpu.dma_semaphore, #tpu.memory_space<semaphore_mem>>) src(%dma_wait3A_22 : memref<625x16xf32, #tpu.memory_space<hbm>>) dst(%dma_wait3A_20 : memref<625x16xf32, #tpu.memory_space<vmem_shared>>)
      tpu.yield
    }) : () -> ()
    %barrier3A = arith.constant 0 : index
    tpu.barrier barrier_id(%barrier3A)
    %mul3A_5 = arith.constant 5000 : i32
    %mul3A_6 = arith.muli %add3A, %mul3A_5 : i32
    "tpu.region"() ({
      %run_scoped3A = tpu.sem_alloc : memref<!tpu.dma_semaphore, #tpu.memory_space<semaphore_mem>>
      %dma_start3A = arith.constant 0 : i32
      %dma_start3A_17 = tpu.memref_slice %arg2[%mul3A_6, %dma_start3A] : memref<160000x16xf32, #tpu.memory_space<hbm>> -> memref<5000x16xf32, #tpu.memory_space<hbm>>
      %dma_start3A_18 = arith.constant 0 : i32
      %dma_start3A_19 = tpu.memref_slice %arg2[%mul3A_6, %dma_start3A_18] : memref<160000x16xf32, #tpu.memory_space<hbm>> -> memref<5000x16xf32, #tpu.memory_space<hbm>>
      tpu.enqueue_dma source(%dma_start3A_19 : memref<5000x16xf32, #tpu.memory_space<hbm>>) target(%arg7 : memref<5000x16xf32, #tpu.memory_space<vmem>>) target_semaphore(%run_scoped3A : memref<!tpu.dma_semaphore, #tpu.memory_space<semaphore_mem>>)
      %dma_wait3A = arith.constant 0 : i32
      %dma_wait3A_20 = tpu.memref_slice %arg2[%mul3A_6, %dma_wait3A] : memref<160000x16xf32, #tpu.memory_space<hbm>> -> memref<5000x16xf32, #tpu.memory_space<hbm>>
      %dma_wait3A_21 = arith.constant 0 : i32
      %dma_wait3A_22 = tpu.memref_slice %arg2[%mul3A_6, %dma_wait3A_21] : memref<160000x16xf32, #tpu.memory_space<hbm>> -> memref<5000x16xf32, #tpu.memory_space<hbm>>
      tpu.wait_dma2 semaphore(%run_scoped3A : memref<!tpu.dma_semaphore, #tpu.memory_space<semaphore_mem>>) src(%dma_wait3A_22 : memref<5000x16xf32, #tpu.memory_space<hbm>>) dst(%arg7 : memref<5000x16xf32, #tpu.memory_space<vmem>>)
      tpu.yield
    }) : () -> ()
    "tpu.region"() ({
      %run_scoped3A = tpu.sem_alloc : memref<!tpu.dma_semaphore, #tpu.memory_space<semaphore_mem>>
      %dma_start3A = arith.constant 0 : i32
      %dma_start3A_17 = arith.constant 0 : i32
      %dma_start3A_18 = tpu.memref_slice %arg3[%add3A, %dma_start3A, %dma_start3A_17] : memref<32x40x125xi32, #tpu.memory_space<hbm>> -> memref<1x40x125xi32, #tpu.memory_space<hbm>>
      %dma_start3A_19 = tpu.memref_squeeze %dma_start3A_18 : memref<1x40x125xi32, #tpu.memory_space<hbm>> -> memref<40x125xi32, #tpu.memory_space<hbm>>
      %dma_start3A_20 = arith.constant 0 : i32
      %dma_start3A_21 = arith.constant 0 : i32
      %dma_start3A_22 = tpu.memref_slice %arg3[%add3A, %dma_start3A_20, %dma_start3A_21] : memref<32x40x125xi32, #tpu.memory_space<hbm>> -> memref<1x40x125xi32, #tpu.memory_space<hbm>>
      %dma_start3A_23 = tpu.memref_squeeze %dma_start3A_22 : memref<1x40x125xi32, #tpu.memory_space<hbm>> -> memref<40x125xi32, #tpu.memory_space<hbm>>
      tpu.enqueue_dma source(%dma_start3A_23 : memref<40x125xi32, #tpu.memory_space<hbm>>) target(%arg6 : memref<40x125xi32, #tpu.memory_space<vmem>>) target_semaphore(%run_scoped3A : memref<!tpu.dma_semaphore, #tpu.memory_space<semaphore_mem>>)
      %dma_wait3A = arith.constant 0 : i32
      %dma_wait3A_24 = arith.constant 0 : i32
      %dma_wait3A_25 = tpu.memref_slice %arg3[%add3A, %dma_wait3A, %dma_wait3A_24] : memref<32x40x125xi32, #tpu.memory_space<hbm>> -> memref<1x40x125xi32, #tpu.memory_space<hbm>>
      %dma_wait3A_26 = tpu.memref_squeeze %dma_wait3A_25 : memref<1x40x125xi32, #tpu.memory_space<hbm>> -> memref<40x125xi32, #tpu.memory_space<hbm>>
      %dma_wait3A_27 = arith.constant 0 : i32
      %dma_wait3A_28 = arith.constant 0 : i32
      %dma_wait3A_29 = tpu.memref_slice %arg3[%add3A, %dma_wait3A_27, %dma_wait3A_28] : memref<32x40x125xi32, #tpu.memory_space<hbm>> -> memref<1x40x125xi32, #tpu.memory_space<hbm>>
      %dma_wait3A_30 = tpu.memref_squeeze %dma_wait3A_29 : memref<1x40x125xi32, #tpu.memory_space<hbm>> -> memref<40x125xi32, #tpu.memory_space<hbm>>
      tpu.wait_dma2 semaphore(%run_scoped3A : memref<!tpu.dma_semaphore, #tpu.memory_space<semaphore_mem>>) src(%dma_wait3A_30 : memref<40x125xi32, #tpu.memory_space<hbm>>) dst(%arg6 : memref<40x125xi32, #tpu.memory_space<vmem>>)
      tpu.yield
    }) : () -> ()
    %scan3A = arith.constant 0 : i32
    %scan3A_7 = arith.constant 0 : i32
    %scan3A_8 = arith.constant 40 : i32
    %scan3A_9 = arith.addi %scan3A_7, %scan3A_8 : i32
    %scan3A_10 = arith.constant 1 : i32
    scf.for %scan3A_17 = %scan3A_7 to %scan3A_9 step %scan3A_10  : i32 {
      %mul3A_18 = arith.constant 125 : i32
      %mul3A_19 = arith.muli %scan3A_17, %mul3A_18 : i32
      "tpu.region"() ({
        %run_scoped3A = tpu.sem_alloc : memref<!tpu.dma_semaphore, #tpu.memory_space<semaphore_mem>>
        %dma_start3A = arith.constant 0 : i32
        %dma_start3A_20 = tpu.memref_slice %arg7[%mul3A_19, %dma_start3A] : memref<5000x16xf32, #tpu.memory_space<vmem>> -> memref<125x16xf32, #tpu.memory_space<vmem>>
        %dma_start3A_21 = arith.constant 0 : i32
        %dma_start3A_22 = tpu.memref_slice %arg6[%scan3A_17, %dma_start3A_21] : memref<40x125xi32, #tpu.memory_space<vmem>> -> memref<1x125xi32, #tpu.memory_space<vmem>>
        %dma_start3A_23 = tpu.memref_squeeze %dma_start3A_22 : memref<1x125xi32, #tpu.memory_space<vmem>> -> memref<125xi32, #tpu.memory_space<vmem>>
        %dma_start3A_24 = arith.constant 0 : i32
        %dma_start3A_25 = arith.constant 0 : i32
        %dma_start3A_26 = tpu.memref_slice %arg8[%dma_start3A_24, %dma_start3A_25] : memref<10000x16xf32, #tpu.memory_space<vmem_shared>> -> memref<10000x16xf32, #tpu.memory_space<vmem_shared>>
        tpu.enqueue_indirect_dma source(%dma_start3A_20 : memref<125x16xf32, #tpu.memory_space<vmem>>) target(%dma_start3A_26 : memref<10000x16xf32, #tpu.memory_space<vmem_shared>>) offsets(%dma_start3A_23 : memref<125xi32, #tpu.memory_space<vmem>>) semaphore(%run_scoped3A : memref<!tpu.dma_semaphore, #tpu.memory_space<semaphore_mem>>) {add = true}
        %dma_wait3A = arith.constant 0 : i32
        %dma_wait3A_27 = tpu.memref_slice %arg7[%mul3A_19, %dma_wait3A] : memref<5000x16xf32, #tpu.memory_space<vmem>> -> memref<125x16xf32, #tpu.memory_space<vmem>>
        %dma_wait3A_28 = arith.constant 0 : i32
        %dma_wait3A_29 = tpu.memref_slice %arg6[%scan3A_17, %dma_wait3A_28] : memref<40x125xi32, #tpu.memory_space<vmem>> -> memref<1x125xi32, #tpu.memory_space<vmem>>
        %dma_wait3A_30 = tpu.memref_squeeze %dma_wait3A_29 : memref<1x125xi32, #tpu.memory_space<vmem>> -> memref<125xi32, #tpu.memory_space<vmem>>
        %dma_wait3A_31 = arith.constant 0 : i32
        %dma_wait3A_32 = arith.constant 0 : i32
        %dma_wait3A_33 = tpu.memref_slice %arg8[%dma_wait3A_31, %dma_wait3A_32] : memref<10000x16xf32, #tpu.memory_space<vmem_shared>> -> memref<10000x16xf32, #tpu.memory_space<vmem_shared>>
        tpu.wait_indirect_dma semaphore(%run_scoped3A : memref<!tpu.dma_semaphore, #tpu.memory_space<semaphore_mem>>) src(%dma_wait3A_27 : memref<125x16xf32, #tpu.memory_space<vmem>>) dst(%dma_wait3A_33 : memref<10000x16xf32, #tpu.memory_space<vmem_shared>>)
        tpu.yield
      }) : () -> ()
    }
    %scan3A_11 = arith.constant 40 : i32
    %barrier3A_12 = arith.constant 0 : index
    tpu.barrier barrier_id(%barrier3A_12)
    %mul3A_13 = arith.constant 625 : i32
    %mul3A_14 = arith.muli %arg1, %mul3A_13 : i32
    %mul3A_15 = arith.constant 625 : i32
    %mul3A_16 = arith.muli %arg1, %mul3A_15 : i32
    "tpu.region"() ({
      %run_scoped3A = tpu.sem_alloc : memref<!tpu.dma_semaphore, #tpu.memory_space<semaphore_mem>>
      %dma_start3A = arith.constant 0 : i32
      %dma_start3A_17 = tpu.memref_slice %arg5[%arg0, %mul3A_16, %dma_start3A] : memref<2x10000x16xf32, #tpu.memory_space<hbm>> -> memref<1x625x16xf32, #tpu.memory_space<hbm>>
      %dma_start3A_18 = tpu.memref_squeeze %dma_start3A_17 : memref<1x625x16xf32, #tpu.memory_space<hbm>> -> memref<625x16xf32, #tpu.memory_space<hbm>>
      %dma_start3A_19 = arith.constant 0 : i32
      %dma_start3A_20 = tpu.memref_slice %arg8[%mul3A_14, %dma_start3A_19] : memref<10000x16xf32, #tpu.memory_space<vmem_shared>> -> memref<625x16xf32, #tpu.memory_space<vmem_shared>>
      tpu.enqueue_dma source(%dma_start3A_20 : memref<625x16xf32, #tpu.memory_space<vmem_shared>>) target(%dma_start3A_18 : memref<625x16xf32, #tpu.memory_space<hbm>>) target_semaphore(%run_scoped3A : memref<!tpu.dma_semaphore, #tpu.memory_space<semaphore_mem>>)
      %dma_wait3A = arith.constant 0 : i32
      %dma_wait3A_21 = tpu.memref_slice %arg5[%arg0, %mul3A_16, %dma_wait3A] : memref<2x10000x16xf32, #tpu.memory_space<hbm>> -> memref<1x625x16xf32, #tpu.memory_space<hbm>>
      %dma_wait3A_22 = tpu.memref_squeeze %dma_wait3A_21 : memref<1x625x16xf32, #tpu.memory_space<hbm>> -> memref<625x16xf32, #tpu.memory_space<hbm>>
      %dma_wait3A_23 = arith.constant 0 : i32
      %dma_wait3A_24 = tpu.memref_slice %arg8[%mul3A_14, %dma_wait3A_23] : memref<10000x16xf32, #tpu.memory_space<vmem_shared>> -> memref<625x16xf32, #tpu.memory_space<vmem_shared>>
      tpu.wait_dma2 semaphore(%run_scoped3A : memref<!tpu.dma_semaphore, #tpu.memory_space<semaphore_mem>>) src(%dma_wait3A_24 : memref<625x16xf32, #tpu.memory_space<vmem_shared>>) dst(%dma_wait3A_22 : memref<625x16xf32, #tpu.memory_space<hbm>>)
      tpu.yield
    }) : () -> ()
    return
  }
}

#map = affine_map<(d0, d1) -> (0, 0)>
#map1 = affine_map<(d0, d1) -> (0, 0, 0)>
module attributes {stable_mosaic.version = 14 : i64} {
  func.func @_scatter_body(%arg0: i32, %arg1: i32, %arg2: memref<160000x16xf32, #tpu.memory_space<hbm>>, %arg3: memref<32x40x125xi32, #tpu.memory_space<hbm>>, %arg4: memref<10000x16xf32, #tpu.memory_space<hbm>>, %arg5: memref<2x10000x16xf32, #tpu.memory_space<hbm>>, %arg6: memref<40x125xi32, #tpu.memory_space<vmem>>, %arg7: memref<5000x16xf32, #tpu.memory_space<vmem>>, %arg8: memref<10000x16xf32, #tpu.memory_space<vmem_shared>>, %arg9: memref<!tpu.dma_semaphore, #tpu.memory_space<semaphore_mem>>) attributes {dimension_semantics = [#tpu.dimension_semantics<core_parallel>, #tpu.dimension_semantics<subcore_parallel>], iteration_bounds = array<i64: 2, 16>, scalar_prefetch = 0 : i64, scratch_operands = 4 : i64, tpu.core_type = #tpu.core_type<sc_vector_subcore>, window_params = [{transform_indices = #map}, {transform_indices = #map1}, {transform_indices = #map}, {transform_indices = #map1}]} {
    %mul3A = arith.constant 2 : i32
    %mul3A_0 = arith.muli %arg1, %mul3A : i32
    %add3A = arith.addi %mul3A_0, %arg0 : i32
    %mul3A_1 = arith.constant 625 : i32
    %mul3A_2 = arith.muli %arg1, %mul3A_1 : i32
    %mul3A_3 = arith.constant 625 : i32
    %mul3A_4 = arith.muli %arg1, %mul3A_3 : i32
    "tpu.region"() ({
      %run_scoped3A = tpu.sem_alloc : memref<!tpu.dma_semaphore, #tpu.memory_space<semaphore_mem>>
      %dma_start3A = arith.constant 0 : i32
      %dma_start3A_17 = tpu.memref_slice %arg8[%mul3A_4, %dma_start3A] : memref<10000x16xf32, #tpu.memory_space<vmem_shared>> -> memref<625x16xf32, #tpu.memory_space<vmem_shared>>
      %dma_start3A_18 = arith.constant 0 : i32
      %dma_start3A_19 = tpu.memref_slice %arg4[%mul3A_2, %dma_start3A_18] : memref<10000x16xf32, #tpu.memory_space<hbm>> -> memref<625x16xf32, #tpu.memory_space<hbm>>
      tpu.enqueue_dma source(%dma_start3A_19 : memref<625x16xf32, #tpu.memory_space<hbm>>) target(%dma_start3A_17 : memref<625x16xf32, #tpu.memory_space<vmem_shared>>) target_semaphore(%run_scoped3A : memref<!tpu.dma_semaphore, #tpu.memory_space<semaphore_mem>>)
      %dma_wait3A = arith.constant 0 : i32
      %dma_wait3A_20 = tpu.memref_slice %arg8[%mul3A_4, %dma_wait3A] : memref<10000x16xf32, #tpu.memory_space<vmem_shared>> -> memref<625x16xf32, #tpu.memory_space<vmem_shared>>
      %dma_wait3A_21 = arith.constant 0 : i32
      %dma_wait3A_22 = tpu.memref_slice %arg4[%mul3A_2, %dma_wait3A_21] : memref<10000x16xf32, #tpu.memory_space<hbm>> -> memref<625x16xf32, #tpu.memory_space<hbm>>
      tpu.wait_dma2 semaphore(%run_scoped3A : memref<!tpu.dma_semaphore, #tpu.memory_space<semaphore_mem>>) src(%dma_wait3A_22 : memref<625x16xf32, #tpu.memory_space<hbm>>) dst(%dma_wait3A_20 : memref<625x16xf32, #tpu.memory_space<vmem_shared>>)
      tpu.yield
    }) : () -> ()
    %barrier3A = arith.constant 0 : index
    tpu.barrier barrier_id(%barrier3A)
    %mul3A_5 = arith.constant 5000 : i32
    %mul3A_6 = arith.muli %add3A, %mul3A_5 : i32
    "tpu.region"() ({
      %run_scoped3A = tpu.sem_alloc : memref<!tpu.dma_semaphore, #tpu.memory_space<semaphore_mem>>
      %dma_start3A = arith.constant 0 : i32
      %dma_start3A_17 = tpu.memref_slice %arg2[%mul3A_6, %dma_start3A] : memref<160000x16xf32, #tpu.memory_space<hbm>> -> memref<5000x16xf32, #tpu.memory_space<hbm>>
      %dma_start3A_18 = arith.constant 0 : i32
      %dma_start3A_19 = tpu.memref_slice %arg2[%mul3A_6, %dma_start3A_18] : memref<160000x16xf32, #tpu.memory_space<hbm>> -> memref<5000x16xf32, #tpu.memory_space<hbm>>
      tpu.enqueue_dma source(%dma_start3A_19 : memref<5000x16xf32, #tpu.memory_space<hbm>>) target(%arg7 : memref<5000x16xf32, #tpu.memory_space<vmem>>) target_semaphore(%run_scoped3A : memref<!tpu.dma_semaphore, #tpu.memory_space<semaphore_mem>>)
      %dma_wait3A = arith.constant 0 : i32
      %dma_wait3A_20 = tpu.memref_slice %arg2[%mul3A_6, %dma_wait3A] : memref<160000x16xf32, #tpu.memory_space<hbm>> -> memref<5000x16xf32, #tpu.memory_space<hbm>>
      %dma_wait3A_21 = arith.constant 0 : i32
      %dma_wait3A_22 = tpu.memref_slice %arg2[%mul3A_6, %dma_wait3A_21] : memref<160000x16xf32, #tpu.memory_space<hbm>> -> memref<5000x16xf32, #tpu.memory_space<hbm>>
      tpu.wait_dma2 semaphore(%run_scoped3A : memref<!tpu.dma_semaphore, #tpu.memory_space<semaphore_mem>>) src(%dma_wait3A_22 : memref<5000x16xf32, #tpu.memory_space<hbm>>) dst(%arg7 : memref<5000x16xf32, #tpu.memory_space<vmem>>)
      tpu.yield
    }) : () -> ()
    "tpu.region"() ({
      %run_scoped3A = tpu.sem_alloc : memref<!tpu.dma_semaphore, #tpu.memory_space<semaphore_mem>>
      %dma_start3A = arith.constant 0 : i32
      %dma_start3A_17 = arith.constant 0 : i32
      %dma_start3A_18 = tpu.memref_slice %arg3[%add3A, %dma_start3A, %dma_start3A_17] : memref<32x40x125xi32, #tpu.memory_space<hbm>> -> memref<1x40x125xi32, #tpu.memory_space<hbm>>
      %dma_start3A_19 = tpu.memref_squeeze %dma_start3A_18 : memref<1x40x125xi32, #tpu.memory_space<hbm>> -> memref<40x125xi32, #tpu.memory_space<hbm>>
      %dma_start3A_20 = arith.constant 0 : i32
      %dma_start3A_21 = arith.constant 0 : i32
      %dma_start3A_22 = tpu.memref_slice %arg3[%add3A, %dma_start3A_20, %dma_start3A_21] : memref<32x40x125xi32, #tpu.memory_space<hbm>> -> memref<1x40x125xi32, #tpu.memory_space<hbm>>
      %dma_start3A_23 = tpu.memref_squeeze %dma_start3A_22 : memref<1x40x125xi32, #tpu.memory_space<hbm>> -> memref<40x125xi32, #tpu.memory_space<hbm>>
      tpu.enqueue_dma source(%dma_start3A_23 : memref<40x125xi32, #tpu.memory_space<hbm>>) target(%arg6 : memref<40x125xi32, #tpu.memory_space<vmem>>) target_semaphore(%run_scoped3A : memref<!tpu.dma_semaphore, #tpu.memory_space<semaphore_mem>>)
      %dma_wait3A = arith.constant 0 : i32
      %dma_wait3A_24 = arith.constant 0 : i32
      %dma_wait3A_25 = tpu.memref_slice %arg3[%add3A, %dma_wait3A, %dma_wait3A_24] : memref<32x40x125xi32, #tpu.memory_space<hbm>> -> memref<1x40x125xi32, #tpu.memory_space<hbm>>
      %dma_wait3A_26 = tpu.memref_squeeze %dma_wait3A_25 : memref<1x40x125xi32, #tpu.memory_space<hbm>> -> memref<40x125xi32, #tpu.memory_space<hbm>>
      %dma_wait3A_27 = arith.constant 0 : i32
      %dma_wait3A_28 = arith.constant 0 : i32
      %dma_wait3A_29 = tpu.memref_slice %arg3[%add3A, %dma_wait3A_27, %dma_wait3A_28] : memref<32x40x125xi32, #tpu.memory_space<hbm>> -> memref<1x40x125xi32, #tpu.memory_space<hbm>>
      %dma_wait3A_30 = tpu.memref_squeeze %dma_wait3A_29 : memref<1x40x125xi32, #tpu.memory_space<hbm>> -> memref<40x125xi32, #tpu.memory_space<hbm>>
      tpu.wait_dma2 semaphore(%run_scoped3A : memref<!tpu.dma_semaphore, #tpu.memory_space<semaphore_mem>>) src(%dma_wait3A_30 : memref<40x125xi32, #tpu.memory_space<hbm>>) dst(%arg6 : memref<40x125xi32, #tpu.memory_space<vmem>>)
      tpu.yield
    }) : () -> ()
    %scan3A = arith.constant 0 : i32
    %scan3A_7 = arith.constant 0 : i32
    %scan3A_8 = arith.constant 40 : i32
    %scan3A_9 = arith.addi %scan3A_7, %scan3A_8 : i32
    %scan3A_10 = arith.constant 1 : i32
    scf.for %scan3A_17 = %scan3A_7 to %scan3A_9 step %scan3A_10  : i32 {
      %mul3A_18 = arith.constant 125 : i32
      %mul3A_19 = arith.muli %scan3A_17, %mul3A_18 : i32
      "tpu.region"() ({
        %run_scoped3A = tpu.sem_alloc : memref<!tpu.dma_semaphore, #tpu.memory_space<semaphore_mem>>
        %dma_start3A = arith.constant 0 : i32
        %dma_start3A_20 = tpu.memref_slice %arg7[%mul3A_19, %dma_start3A] : memref<5000x16xf32, #tpu.memory_space<vmem>> -> memref<125x16xf32, #tpu.memory_space<vmem>>
        %dma_start3A_21 = arith.constant 0 : i32
        %dma_start3A_22 = tpu.memref_slice %arg6[%scan3A_17, %dma_start3A_21] : memref<40x125xi32, #tpu.memory_space<vmem>> -> memref<1x125xi32, #tpu.memory_space<vmem>>
        %dma_start3A_23 = tpu.memref_squeeze %dma_start3A_22 : memref<1x125xi32, #tpu.memory_space<vmem>> -> memref<125xi32, #tpu.memory_space<vmem>>
        %dma_start3A_24 = arith.constant 0 : i32
        %dma_start3A_25 = arith.constant 0 : i32
        %dma_start3A_26 = tpu.memref_slice %arg8[%dma_start3A_24, %dma_start3A_25] : memref<10000x16xf32, #tpu.memory_space<vmem_shared>> -> memref<10000x16xf32, #tpu.memory_space<vmem_shared>>
        tpu.enqueue_indirect_dma source(%dma_start3A_20 : memref<125x16xf32, #tpu.memory_space<vmem>>) target(%dma_start3A_26 : memref<10000x16xf32, #tpu.memory_space<vmem_shared>>) offsets(%dma_start3A_23 : memref<125xi32, #tpu.memory_space<vmem>>) semaphore(%run_scoped3A : memref<!tpu.dma_semaphore, #tpu.memory_space<semaphore_mem>>) {add = true}
        %dma_wait3A = arith.constant 0 : i32
        %dma_wait3A_27 = tpu.memref_slice %arg7[%mul3A_19, %dma_wait3A] : memref<5000x16xf32, #tpu.memory_space<vmem>> -> memref<125x16xf32, #tpu.memory_space<vmem>>
        %dma_wait3A_28 = arith.constant 0 : i32
        %dma_wait3A_29 = tpu.memref_slice %arg6[%scan3A_17, %dma_wait3A_28] : memref<40x125xi32, #tpu.memory_space<vmem>> -> memref<1x125xi32, #tpu.memory_space<vmem>>
        %dma_wait3A_30 = tpu.memref_squeeze %dma_wait3A_29 : memref<1x125xi32, #tpu.memory_space<vmem>> -> memref<125xi32, #tpu.memory_space<vmem>>
        %dma_wait3A_31 = arith.constant 0 : i32
        %dma_wait3A_32 = arith.constant 0 : i32
        %dma_wait3A_33 = tpu.memref_slice %arg8[%dma_wait3A_31, %dma_wait3A_32] : memref<10000x16xf32, #tpu.memory_space<vmem_shared>> -> memref<10000x16xf32, #tpu.memory_space<vmem_shared>>
        tpu.wait_indirect_dma semaphore(%run_scoped3A : memref<!tpu.dma_semaphore, #tpu.memory_space<semaphore_mem>>) src(%dma_wait3A_27 : memref<125x16xf32, #tpu.memory_space<vmem>>) dst(%dma_wait3A_33 : memref<10000x16xf32, #tpu.memory_space<vmem_shared>>)
        tpu.yield
      }) : () -> ()
    }
    %scan3A_11 = arith.constant 40 : i32
    %barrier3A_12 = arith.constant 0 : index
    tpu.barrier barrier_id(%barrier3A_12)
    %mul3A_13 = arith.constant 625 : i32
    %mul3A_14 = arith.muli %arg1, %mul3A_13 : i32
    %mul3A_15 = arith.constant 625 : i32
    %mul3A_16 = arith.muli %arg1, %mul3A_15 : i32
    "tpu.region"() ({
      %run_scoped3A = tpu.sem_alloc : memref<!tpu.dma_semaphore, #tpu.memory_space<semaphore_mem>>
      %dma_start3A = arith.constant 0 : i32
      %dma_start3A_17 = tpu.memref_slice %arg5[%arg0, %mul3A_16, %dma_start3A] : memref<2x10000x16xf32, #tpu.memory_space<hbm>> -> memref<1x625x16xf32, #tpu.memory_space<hbm>>
      %dma_start3A_18 = tpu.memref_squeeze %dma_start3A_17 : memref<1x625x16xf32, #tpu.memory_space<hbm>> -> memref<625x16xf32, #tpu.memory_space<hbm>>
      %dma_start3A_19 = arith.constant 0 : i32
      %dma_start3A_20 = tpu.memref_slice %arg8[%mul3A_14, %dma_start3A_19] : memref<10000x16xf32, #tpu.memory_space<vmem_shared>> -> memref<625x16xf32, #tpu.memory_space<vmem_shared>>
      tpu.enqueue_dma source(%dma_start3A_20 : memref<625x16xf32, #tpu.memory_space<vmem_shared>>) target(%dma_start3A_18 : memref<625x16xf32, #tpu.memory_space<hbm>>) target_semaphore(%run_scoped3A : memref<!tpu.dma_semaphore, #tpu.memory_space<semaphore_mem>>)
      %dma_wait3A = arith.constant 0 : i32
      %dma_wait3A_21 = tpu.memref_slice %arg5[%arg0, %mul3A_16, %dma_wait3A] : memref<2x10000x16xf32, #tpu.memory_space<hbm>> -> memref<1x625x16xf32, #tpu.memory_space<hbm>>
      %dma_wait3A_22 = tpu.memref_squeeze %dma_wait3A_21 : memref<1x625x16xf32, #tpu.memory_space<hbm>> -> memref<625x16xf32, #tpu.memory_space<hbm>>
      %dma_wait3A_23 = arith.constant 0 : i32
      %dma_wait3A_24 = tpu.memref_slice %arg8[%mul3A_14, %dma_wait3A_23] : memref<10000x16xf32, #tpu.memory_space<vmem_shared>> -> memref<625x16xf32, #tpu.memory_space<vmem_shared>>
      tpu.wait_dma2 semaphore(%run_scoped3A : memref<!tpu.dma_semaphore, #tpu.memory_space<semaphore_mem>>) src(%dma_wait3A_24 : memref<625x16xf32, #tpu.memory_space<vmem_shared>>) dst(%dma_wait3A_22 : memref<625x16xf32, #tpu.memory_space<hbm>>)
      tpu.yield
    }) : () -> ()
    return
  }
}

#map = affine_map<(d0, d1) -> (0, 0)>
#map1 = affine_map<(d0, d1) -> (0)>
module attributes {stable_mosaic.version = 14 : i64} {
  func.func @_gather_body(%arg0: i32, %arg1: i32, %arg2: memref<10000x16xf32, #tpu.memory_space<hbm>>, %arg3: memref<160000xi32, #tpu.memory_space<hbm>>, %arg4: memref<160000x16xf32, #tpu.memory_space<hbm>>, %arg5: memref<5000xi32, #tpu.memory_space<vmem>>, %arg6: memref<5000x16xf32, #tpu.memory_space<vmem>>, %arg7: memref<!tpu.dma_semaphore, #tpu.memory_space<semaphore_mem>>) attributes {dimension_semantics = [#tpu.dimension_semantics<core_parallel>, #tpu.dimension_semantics<subcore_parallel>], iteration_bounds = array<i64: 2, 16>, scalar_prefetch = 0 : i64, scratch_operands = 3 : i64, tpu.core_type = #tpu.core_type<sc_vector_subcore>, window_params = [{transform_indices = #map}, {transform_indices = #map1}, {transform_indices = #map}]} {
    %mul3A = arith.constant 2 : i32
    %mul3A_0 = arith.muli %arg1, %mul3A : i32
    %add3A = arith.addi %mul3A_0, %arg0 : i32
    %mul3A_1 = arith.constant 5000 : i32
    %mul3A_2 = arith.muli %add3A, %mul3A_1 : i32
    "tpu.region"() ({
      %run_scoped3A = tpu.sem_alloc : memref<!tpu.dma_semaphore, #tpu.memory_space<semaphore_mem>>
      %dma_start3A_7 = tpu.memref_slice %arg3[%mul3A_2] : memref<160000xi32, #tpu.memory_space<hbm>> -> memref<5000xi32, #tpu.memory_space<hbm>>
      %dma_start3A_8 = tpu.memref_slice %arg3[%mul3A_2] : memref<160000xi32, #tpu.memory_space<hbm>> -> memref<5000xi32, #tpu.memory_space<hbm>>
      tpu.enqueue_dma source(%dma_start3A_8 : memref<5000xi32, #tpu.memory_space<hbm>>) target(%arg5 : memref<5000xi32, #tpu.memory_space<vmem>>) target_semaphore(%run_scoped3A : memref<!tpu.dma_semaphore, #tpu.memory_space<semaphore_mem>>)
      %dma_wait3A_9 = tpu.memref_slice %arg3[%mul3A_2] : memref<160000xi32, #tpu.memory_space<hbm>> -> memref<5000xi32, #tpu.memory_space<hbm>>
      %dma_wait3A_10 = tpu.memref_slice %arg3[%mul3A_2] : memref<160000xi32, #tpu.memory_space<hbm>> -> memref<5000xi32, #tpu.memory_space<hbm>>
      tpu.wait_dma2 semaphore(%run_scoped3A : memref<!tpu.dma_semaphore, #tpu.memory_space<semaphore_mem>>) src(%dma_wait3A_10 : memref<5000xi32, #tpu.memory_space<hbm>>) dst(%arg5 : memref<5000xi32, #tpu.memory_space<vmem>>)
      tpu.yield
    }) : () -> ()
    %dma_start3A = arith.constant 0 : i32
    %dma_start3A_3 = arith.constant 0 : i32
    %dma_start3A_4 = tpu.memref_slice %arg2[%dma_start3A, %dma_start3A_3] : memref<10000x16xf32, #tpu.memory_space<hbm>> -> memref<10000x16xf32, #tpu.memory_space<hbm>>
    tpu.enqueue_indirect_dma source(%dma_start3A_4 : memref<10000x16xf32, #tpu.memory_space<hbm>>) target(%arg6 : memref<5000x16xf32, #tpu.memory_space<vmem>>) offsets(%arg5 : memref<5000xi32, #tpu.memory_space<vmem>>) semaphore(%arg7 : memref<!tpu.dma_semaphore, #tpu.memory_space<semaphore_mem>>)
    %dma_wait3A = arith.constant 0 : i32
    %dma_wait3A_5 = arith.constant 0 : i32
    %dma_wait3A_6 = tpu.memref_slice %arg2[%dma_wait3A, %dma_wait3A_5] : memref<10000x16xf32, #tpu.memory_space<hbm>> -> memref<10000x16xf32, #tpu.memory_space<hbm>>
    tpu.wait_indirect_dma semaphore(%arg7 : memref<!tpu.dma_semaphore, #tpu.memory_space<semaphore_mem>>) src(%dma_wait3A_6 : memref<10000x16xf32, #tpu.memory_space<hbm>>) dst(%arg6 : memref<5000x16xf32, #tpu.memory_space<vmem>>)
    "tpu.region"() ({
      %run_scoped3A = tpu.sem_alloc : memref<!tpu.dma_semaphore, #tpu.memory_space<semaphore_mem>>
      %dma_start3A_7 = arith.constant 0 : i32
      %dma_start3A_8 = tpu.memref_slice %arg4[%mul3A_2, %dma_start3A_7] : memref<160000x16xf32, #tpu.memory_space<hbm>> -> memref<5000x16xf32, #tpu.memory_space<hbm>>
      %dma_start3A_9 = arith.constant 0 : i32
      %dma_start3A_10 = tpu.memref_slice %arg4[%mul3A_2, %dma_start3A_9] : memref<160000x16xf32, #tpu.memory_space<hbm>> -> memref<5000x16xf32, #tpu.memory_space<hbm>>
      tpu.enqueue_dma source(%arg6 : memref<5000x16xf32, #tpu.memory_space<vmem>>) target(%dma_start3A_10 : memref<5000x16xf32, #tpu.memory_space<hbm>>) target_semaphore(%run_scoped3A : memref<!tpu.dma_semaphore, #tpu.memory_space<semaphore_mem>>)
      %dma_wait3A_11 = arith.constant 0 : i32
      %dma_wait3A_12 = tpu.memref_slice %arg4[%mul3A_2, %dma_wait3A_11] : memref<160000x16xf32, #tpu.memory_space<hbm>> -> memref<5000x16xf32, #tpu.memory_space<hbm>>
      %dma_wait3A_13 = arith.constant 0 : i32
      %dma_wait3A_14 = tpu.memref_slice %arg4[%mul3A_2, %dma_wait3A_13] : memref<160000x16xf32, #tpu.memory_space<hbm>> -> memref<5000x16xf32, #tpu.memory_space<hbm>>
      tpu.wait_dma2 semaphore(%run_scoped3A : memref<!tpu.dma_semaphore, #tpu.memory_space<semaphore_mem>>) src(%arg6 : memref<5000x16xf32, #tpu.memory_space<vmem>>) dst(%dma_wait3A_14 : memref<5000x16xf32, #tpu.memory_space<hbm>>)
      tpu.yield
    }) : () -> ()
    return
  }
}

#map = affine_map<(d0, d1) -> (0, 0)>
#map1 = affine_map<(d0, d1) -> (0, 0, 0)>
module attributes {stable_mosaic.version = 14 : i64} {
  func.func @_scatter_body(%arg0: i32, %arg1: i32, %arg2: memref<160000x16xf32, #tpu.memory_space<hbm>>, %arg3: memref<32x40x125xi32, #tpu.memory_space<hbm>>, %arg4: memref<10000x16xf32, #tpu.memory_space<hbm>>, %arg5: memref<2x10000x16xf32, #tpu.memory_space<hbm>>, %arg6: memref<40x125xi32, #tpu.memory_space<vmem>>, %arg7: memref<5000x16xf32, #tpu.memory_space<vmem>>, %arg8: memref<10000x16xf32, #tpu.memory_space<vmem_shared>>, %arg9: memref<!tpu.dma_semaphore, #tpu.memory_space<semaphore_mem>>) attributes {dimension_semantics = [#tpu.dimension_semantics<core_parallel>, #tpu.dimension_semantics<subcore_parallel>], iteration_bounds = array<i64: 2, 16>, scalar_prefetch = 0 : i64, scratch_operands = 4 : i64, tpu.core_type = #tpu.core_type<sc_vector_subcore>, window_params = [{transform_indices = #map}, {transform_indices = #map1}, {transform_indices = #map}, {transform_indices = #map1}]} {
    %mul3A = arith.constant 2 : i32
    %mul3A_0 = arith.muli %arg1, %mul3A : i32
    %add3A = arith.addi %mul3A_0, %arg0 : i32
    %mul3A_1 = arith.constant 625 : i32
    %mul3A_2 = arith.muli %arg1, %mul3A_1 : i32
    %mul3A_3 = arith.constant 625 : i32
    %mul3A_4 = arith.muli %arg1, %mul3A_3 : i32
    "tpu.region"() ({
      %run_scoped3A = tpu.sem_alloc : memref<!tpu.dma_semaphore, #tpu.memory_space<semaphore_mem>>
      %dma_start3A = arith.constant 0 : i32
      %dma_start3A_17 = tpu.memref_slice %arg8[%mul3A_4, %dma_start3A] : memref<10000x16xf32, #tpu.memory_space<vmem_shared>> -> memref<625x16xf32, #tpu.memory_space<vmem_shared>>
      %dma_start3A_18 = arith.constant 0 : i32
      %dma_start3A_19 = tpu.memref_slice %arg4[%mul3A_2, %dma_start3A_18] : memref<10000x16xf32, #tpu.memory_space<hbm>> -> memref<625x16xf32, #tpu.memory_space<hbm>>
      tpu.enqueue_dma source(%dma_start3A_19 : memref<625x16xf32, #tpu.memory_space<hbm>>) target(%dma_start3A_17 : memref<625x16xf32, #tpu.memory_space<vmem_shared>>) target_semaphore(%run_scoped3A : memref<!tpu.dma_semaphore, #tpu.memory_space<semaphore_mem>>)
      %dma_wait3A = arith.constant 0 : i32
      %dma_wait3A_20 = tpu.memref_slice %arg8[%mul3A_4, %dma_wait3A] : memref<10000x16xf32, #tpu.memory_space<vmem_shared>> -> memref<625x16xf32, #tpu.memory_space<vmem_shared>>
      %dma_wait3A_21 = arith.constant 0 : i32
      %dma_wait3A_22 = tpu.memref_slice %arg4[%mul3A_2, %dma_wait3A_21] : memref<10000x16xf32, #tpu.memory_space<hbm>> -> memref<625x16xf32, #tpu.memory_space<hbm>>
      tpu.wait_dma2 semaphore(%run_scoped3A : memref<!tpu.dma_semaphore, #tpu.memory_space<semaphore_mem>>) src(%dma_wait3A_22 : memref<625x16xf32, #tpu.memory_space<hbm>>) dst(%dma_wait3A_20 : memref<625x16xf32, #tpu.memory_space<vmem_shared>>)
      tpu.yield
    }) : () -> ()
    %barrier3A = arith.constant 0 : index
    tpu.barrier barrier_id(%barrier3A)
    %mul3A_5 = arith.constant 5000 : i32
    %mul3A_6 = arith.muli %add3A, %mul3A_5 : i32
    "tpu.region"() ({
      %run_scoped3A = tpu.sem_alloc : memref<!tpu.dma_semaphore, #tpu.memory_space<semaphore_mem>>
      %dma_start3A = arith.constant 0 : i32
      %dma_start3A_17 = tpu.memref_slice %arg2[%mul3A_6, %dma_start3A] : memref<160000x16xf32, #tpu.memory_space<hbm>> -> memref<5000x16xf32, #tpu.memory_space<hbm>>
      %dma_start3A_18 = arith.constant 0 : i32
      %dma_start3A_19 = tpu.memref_slice %arg2[%mul3A_6, %dma_start3A_18] : memref<160000x16xf32, #tpu.memory_space<hbm>> -> memref<5000x16xf32, #tpu.memory_space<hbm>>
      tpu.enqueue_dma source(%dma_start3A_19 : memref<5000x16xf32, #tpu.memory_space<hbm>>) target(%arg7 : memref<5000x16xf32, #tpu.memory_space<vmem>>) target_semaphore(%run_scoped3A : memref<!tpu.dma_semaphore, #tpu.memory_space<semaphore_mem>>)
      %dma_wait3A = arith.constant 0 : i32
      %dma_wait3A_20 = tpu.memref_slice %arg2[%mul3A_6, %dma_wait3A] : memref<160000x16xf32, #tpu.memory_space<hbm>> -> memref<5000x16xf32, #tpu.memory_space<hbm>>
      %dma_wait3A_21 = arith.constant 0 : i32
      %dma_wait3A_22 = tpu.memref_slice %arg2[%mul3A_6, %dma_wait3A_21] : memref<160000x16xf32, #tpu.memory_space<hbm>> -> memref<5000x16xf32, #tpu.memory_space<hbm>>
      tpu.wait_dma2 semaphore(%run_scoped3A : memref<!tpu.dma_semaphore, #tpu.memory_space<semaphore_mem>>) src(%dma_wait3A_22 : memref<5000x16xf32, #tpu.memory_space<hbm>>) dst(%arg7 : memref<5000x16xf32, #tpu.memory_space<vmem>>)
      tpu.yield
    }) : () -> ()
    "tpu.region"() ({
      %run_scoped3A = tpu.sem_alloc : memref<!tpu.dma_semaphore, #tpu.memory_space<semaphore_mem>>
      %dma_start3A = arith.constant 0 : i32
      %dma_start3A_17 = arith.constant 0 : i32
      %dma_start3A_18 = tpu.memref_slice %arg3[%add3A, %dma_start3A, %dma_start3A_17] : memref<32x40x125xi32, #tpu.memory_space<hbm>> -> memref<1x40x125xi32, #tpu.memory_space<hbm>>
      %dma_start3A_19 = tpu.memref_squeeze %dma_start3A_18 : memref<1x40x125xi32, #tpu.memory_space<hbm>> -> memref<40x125xi32, #tpu.memory_space<hbm>>
      %dma_start3A_20 = arith.constant 0 : i32
      %dma_start3A_21 = arith.constant 0 : i32
      %dma_start3A_22 = tpu.memref_slice %arg3[%add3A, %dma_start3A_20, %dma_start3A_21] : memref<32x40x125xi32, #tpu.memory_space<hbm>> -> memref<1x40x125xi32, #tpu.memory_space<hbm>>
      %dma_start3A_23 = tpu.memref_squeeze %dma_start3A_22 : memref<1x40x125xi32, #tpu.memory_space<hbm>> -> memref<40x125xi32, #tpu.memory_space<hbm>>
      tpu.enqueue_dma source(%dma_start3A_23 : memref<40x125xi32, #tpu.memory_space<hbm>>) target(%arg6 : memref<40x125xi32, #tpu.memory_space<vmem>>) target_semaphore(%run_scoped3A : memref<!tpu.dma_semaphore, #tpu.memory_space<semaphore_mem>>)
      %dma_wait3A = arith.constant 0 : i32
      %dma_wait3A_24 = arith.constant 0 : i32
      %dma_wait3A_25 = tpu.memref_slice %arg3[%add3A, %dma_wait3A, %dma_wait3A_24] : memref<32x40x125xi32, #tpu.memory_space<hbm>> -> memref<1x40x125xi32, #tpu.memory_space<hbm>>
      %dma_wait3A_26 = tpu.memref_squeeze %dma_wait3A_25 : memref<1x40x125xi32, #tpu.memory_space<hbm>> -> memref<40x125xi32, #tpu.memory_space<hbm>>
      %dma_wait3A_27 = arith.constant 0 : i32
      %dma_wait3A_28 = arith.constant 0 : i32
      %dma_wait3A_29 = tpu.memref_slice %arg3[%add3A, %dma_wait3A_27, %dma_wait3A_28] : memref<32x40x125xi32, #tpu.memory_space<hbm>> -> memref<1x40x125xi32, #tpu.memory_space<hbm>>
      %dma_wait3A_30 = tpu.memref_squeeze %dma_wait3A_29 : memref<1x40x125xi32, #tpu.memory_space<hbm>> -> memref<40x125xi32, #tpu.memory_space<hbm>>
      tpu.wait_dma2 semaphore(%run_scoped3A : memref<!tpu.dma_semaphore, #tpu.memory_space<semaphore_mem>>) src(%dma_wait3A_30 : memref<40x125xi32, #tpu.memory_space<hbm>>) dst(%arg6 : memref<40x125xi32, #tpu.memory_space<vmem>>)
      tpu.yield
    }) : () -> ()
    %scan3A = arith.constant 0 : i32
    %scan3A_7 = arith.constant 0 : i32
    %scan3A_8 = arith.constant 40 : i32
    %scan3A_9 = arith.addi %scan3A_7, %scan3A_8 : i32
    %scan3A_10 = arith.constant 1 : i32
    scf.for %scan3A_17 = %scan3A_7 to %scan3A_9 step %scan3A_10  : i32 {
      %mul3A_18 = arith.constant 125 : i32
      %mul3A_19 = arith.muli %scan3A_17, %mul3A_18 : i32
      "tpu.region"() ({
        %run_scoped3A = tpu.sem_alloc : memref<!tpu.dma_semaphore, #tpu.memory_space<semaphore_mem>>
        %dma_start3A = arith.constant 0 : i32
        %dma_start3A_20 = tpu.memref_slice %arg7[%mul3A_19, %dma_start3A] : memref<5000x16xf32, #tpu.memory_space<vmem>> -> memref<125x16xf32, #tpu.memory_space<vmem>>
        %dma_start3A_21 = arith.constant 0 : i32
        %dma_start3A_22 = tpu.memref_slice %arg6[%scan3A_17, %dma_start3A_21] : memref<40x125xi32, #tpu.memory_space<vmem>> -> memref<1x125xi32, #tpu.memory_space<vmem>>
        %dma_start3A_23 = tpu.memref_squeeze %dma_start3A_22 : memref<1x125xi32, #tpu.memory_space<vmem>> -> memref<125xi32, #tpu.memory_space<vmem>>
        %dma_start3A_24 = arith.constant 0 : i32
        %dma_start3A_25 = arith.constant 0 : i32
        %dma_start3A_26 = tpu.memref_slice %arg8[%dma_start3A_24, %dma_start3A_25] : memref<10000x16xf32, #tpu.memory_space<vmem_shared>> -> memref<10000x16xf32, #tpu.memory_space<vmem_shared>>
        tpu.enqueue_indirect_dma source(%dma_start3A_20 : memref<125x16xf32, #tpu.memory_space<vmem>>) target(%dma_start3A_26 : memref<10000x16xf32, #tpu.memory_space<vmem_shared>>) offsets(%dma_start3A_23 : memref<125xi32, #tpu.memory_space<vmem>>) semaphore(%run_scoped3A : memref<!tpu.dma_semaphore, #tpu.memory_space<semaphore_mem>>) {add = true}
        %dma_wait3A = arith.constant 0 : i32
        %dma_wait3A_27 = tpu.memref_slice %arg7[%mul3A_19, %dma_wait3A] : memref<5000x16xf32, #tpu.memory_space<vmem>> -> memref<125x16xf32, #tpu.memory_space<vmem>>
        %dma_wait3A_28 = arith.constant 0 : i32
        %dma_wait3A_29 = tpu.memref_slice %arg6[%scan3A_17, %dma_wait3A_28] : memref<40x125xi32, #tpu.memory_space<vmem>> -> memref<1x125xi32, #tpu.memory_space<vmem>>
        %dma_wait3A_30 = tpu.memref_squeeze %dma_wait3A_29 : memref<1x125xi32, #tpu.memory_space<vmem>> -> memref<125xi32, #tpu.memory_space<vmem>>
        %dma_wait3A_31 = arith.constant 0 : i32
        %dma_wait3A_32 = arith.constant 0 : i32
        %dma_wait3A_33 = tpu.memref_slice %arg8[%dma_wait3A_31, %dma_wait3A_32] : memref<10000x16xf32, #tpu.memory_space<vmem_shared>> -> memref<10000x16xf32, #tpu.memory_space<vmem_shared>>
        tpu.wait_indirect_dma semaphore(%run_scoped3A : memref<!tpu.dma_semaphore, #tpu.memory_space<semaphore_mem>>) src(%dma_wait3A_27 : memref<125x16xf32, #tpu.memory_space<vmem>>) dst(%dma_wait3A_33 : memref<10000x16xf32, #tpu.memory_space<vmem_shared>>)
        tpu.yield
      }) : () -> ()
    }
    %scan3A_11 = arith.constant 40 : i32
    %barrier3A_12 = arith.constant 0 : index
    tpu.barrier barrier_id(%barrier3A_12)
    %mul3A_13 = arith.constant 625 : i32
    %mul3A_14 = arith.muli %arg1, %mul3A_13 : i32
    %mul3A_15 = arith.constant 625 : i32
    %mul3A_16 = arith.muli %arg1, %mul3A_15 : i32
    "tpu.region"() ({
      %run_scoped3A = tpu.sem_alloc : memref<!tpu.dma_semaphore, #tpu.memory_space<semaphore_mem>>
      %dma_start3A = arith.constant 0 : i32
      %dma_start3A_17 = tpu.memref_slice %arg5[%arg0, %mul3A_16, %dma_start3A] : memref<2x10000x16xf32, #tpu.memory_space<hbm>> -> memref<1x625x16xf32, #tpu.memory_space<hbm>>
      %dma_start3A_18 = tpu.memref_squeeze %dma_start3A_17 : memref<1x625x16xf32, #tpu.memory_space<hbm>> -> memref<625x16xf32, #tpu.memory_space<hbm>>
      %dma_start3A_19 = arith.constant 0 : i32
      %dma_start3A_20 = tpu.memref_slice %arg8[%mul3A_14, %dma_start3A_19] : memref<10000x16xf32, #tpu.memory_space<vmem_shared>> -> memref<625x16xf32, #tpu.memory_space<vmem_shared>>
      tpu.enqueue_dma source(%dma_start3A_20 : memref<625x16xf32, #tpu.memory_space<vmem_shared>>) target(%dma_start3A_18 : memref<625x16xf32, #tpu.memory_space<hbm>>) target_semaphore(%run_scoped3A : memref<!tpu.dma_semaphore, #tpu.memory_space<semaphore_mem>>)
      %dma_wait3A = arith.constant 0 : i32
      %dma_wait3A_21 = tpu.memref_slice %arg5[%arg0, %mul3A_16, %dma_wait3A] : memref<2x10000x16xf32, #tpu.memory_space<hbm>> -> memref<1x625x16xf32, #tpu.memory_space<hbm>>
      %dma_wait3A_22 = tpu.memref_squeeze %dma_wait3A_21 : memref<1x625x16xf32, #tpu.memory_space<hbm>> -> memref<625x16xf32, #tpu.memory_space<hbm>>
      %dma_wait3A_23 = arith.constant 0 : i32
      %dma_wait3A_24 = tpu.memref_slice %arg8[%mul3A_14, %dma_wait3A_23] : memref<10000x16xf32, #tpu.memory_space<vmem_shared>> -> memref<625x16xf32, #tpu.memory_space<vmem_shared>>
      tpu.wait_dma2 semaphore(%run_scoped3A : memref<!tpu.dma_semaphore, #tpu.memory_space<semaphore_mem>>) src(%dma_wait3A_24 : memref<625x16xf32, #tpu.memory_space<vmem_shared>>) dst(%dma_wait3A_22 : memref<625x16xf32, #tpu.memory_space<hbm>>)
      tpu.yield
    }) : () -> ()
    return
  }
}

#map = affine_map<(d0, d1) -> (0, 0)>
#map1 = affine_map<(d0, d1) -> (0)>
module attributes {stable_mosaic.version = 14 : i64} {
  func.func @_gather_body(%arg0: i32, %arg1: i32, %arg2: memref<10000x16xf32, #tpu.memory_space<hbm>>, %arg3: memref<160000xi32, #tpu.memory_space<hbm>>, %arg4: memref<160000x16xf32, #tpu.memory_space<hbm>>, %arg5: memref<5000xi32, #tpu.memory_space<vmem>>, %arg6: memref<5000x16xf32, #tpu.memory_space<vmem>>, %arg7: memref<!tpu.dma_semaphore, #tpu.memory_space<semaphore_mem>>) attributes {dimension_semantics = [#tpu.dimension_semantics<core_parallel>, #tpu.dimension_semantics<subcore_parallel>], iteration_bounds = array<i64: 2, 16>, scalar_prefetch = 0 : i64, scratch_operands = 3 : i64, tpu.core_type = #tpu.core_type<sc_vector_subcore>, window_params = [{transform_indices = #map}, {transform_indices = #map1}, {transform_indices = #map}]} {
    %mul3A = arith.constant 2 : i32
    %mul3A_0 = arith.muli %arg1, %mul3A : i32
    %add3A = arith.addi %mul3A_0, %arg0 : i32
    %mul3A_1 = arith.constant 5000 : i32
    %mul3A_2 = arith.muli %add3A, %mul3A_1 : i32
    "tpu.region"() ({
      %run_scoped3A = tpu.sem_alloc : memref<!tpu.dma_semaphore, #tpu.memory_space<semaphore_mem>>
      %dma_start3A_7 = tpu.memref_slice %arg3[%mul3A_2] : memref<160000xi32, #tpu.memory_space<hbm>> -> memref<5000xi32, #tpu.memory_space<hbm>>
      %dma_start3A_8 = tpu.memref_slice %arg3[%mul3A_2] : memref<160000xi32, #tpu.memory_space<hbm>> -> memref<5000xi32, #tpu.memory_space<hbm>>
      tpu.enqueue_dma source(%dma_start3A_8 : memref<5000xi32, #tpu.memory_space<hbm>>) target(%arg5 : memref<5000xi32, #tpu.memory_space<vmem>>) target_semaphore(%run_scoped3A : memref<!tpu.dma_semaphore, #tpu.memory_space<semaphore_mem>>)
      %dma_wait3A_9 = tpu.memref_slice %arg3[%mul3A_2] : memref<160000xi32, #tpu.memory_space<hbm>> -> memref<5000xi32, #tpu.memory_space<hbm>>
      %dma_wait3A_10 = tpu.memref_slice %arg3[%mul3A_2] : memref<160000xi32, #tpu.memory_space<hbm>> -> memref<5000xi32, #tpu.memory_space<hbm>>
      tpu.wait_dma2 semaphore(%run_scoped3A : memref<!tpu.dma_semaphore, #tpu.memory_space<semaphore_mem>>) src(%dma_wait3A_10 : memref<5000xi32, #tpu.memory_space<hbm>>) dst(%arg5 : memref<5000xi32, #tpu.memory_space<vmem>>)
      tpu.yield
    }) : () -> ()
    %dma_start3A = arith.constant 0 : i32
    %dma_start3A_3 = arith.constant 0 : i32
    %dma_start3A_4 = tpu.memref_slice %arg2[%dma_start3A, %dma_start3A_3] : memref<10000x16xf32, #tpu.memory_space<hbm>> -> memref<10000x16xf32, #tpu.memory_space<hbm>>
    tpu.enqueue_indirect_dma source(%dma_start3A_4 : memref<10000x16xf32, #tpu.memory_space<hbm>>) target(%arg6 : memref<5000x16xf32, #tpu.memory_space<vmem>>) offsets(%arg5 : memref<5000xi32, #tpu.memory_space<vmem>>) semaphore(%arg7 : memref<!tpu.dma_semaphore, #tpu.memory_space<semaphore_mem>>)
    %dma_wait3A = arith.constant 0 : i32
    %dma_wait3A_5 = arith.constant 0 : i32
    %dma_wait3A_6 = tpu.memref_slice %arg2[%dma_wait3A, %dma_wait3A_5] : memref<10000x16xf32, #tpu.memory_space<hbm>> -> memref<10000x16xf32, #tpu.memory_space<hbm>>
    tpu.wait_indirect_dma semaphore(%arg7 : memref<!tpu.dma_semaphore, #tpu.memory_space<semaphore_mem>>) src(%dma_wait3A_6 : memref<10000x16xf32, #tpu.memory_space<hbm>>) dst(%arg6 : memref<5000x16xf32, #tpu.memory_space<vmem>>)
    "tpu.region"() ({
      %run_scoped3A = tpu.sem_alloc : memref<!tpu.dma_semaphore, #tpu.memory_space<semaphore_mem>>
      %dma_start3A_7 = arith.constant 0 : i32
      %dma_start3A_8 = tpu.memref_slice %arg4[%mul3A_2, %dma_start3A_7] : memref<160000x16xf32, #tpu.memory_space<hbm>> -> memref<5000x16xf32, #tpu.memory_space<hbm>>
      %dma_start3A_9 = arith.constant 0 : i32
      %dma_start3A_10 = tpu.memref_slice %arg4[%mul3A_2, %dma_start3A_9] : memref<160000x16xf32, #tpu.memory_space<hbm>> -> memref<5000x16xf32, #tpu.memory_space<hbm>>
      tpu.enqueue_dma source(%arg6 : memref<5000x16xf32, #tpu.memory_space<vmem>>) target(%dma_start3A_10 : memref<5000x16xf32, #tpu.memory_space<hbm>>) target_semaphore(%run_scoped3A : memref<!tpu.dma_semaphore, #tpu.memory_space<semaphore_mem>>)
      %dma_wait3A_11 = arith.constant 0 : i32
      %dma_wait3A_12 = tpu.memref_slice %arg4[%mul3A_2, %dma_wait3A_11] : memref<160000x16xf32, #tpu.memory_space<hbm>> -> memref<5000x16xf32, #tpu.memory_space<hbm>>
      %dma_wait3A_13 = arith.constant 0 : i32
      %dma_wait3A_14 = tpu.memref_slice %arg4[%mul3A_2, %dma_wait3A_13] : memref<160000x16xf32, #tpu.memory_space<hbm>> -> memref<5000x16xf32, #tpu.memory_space<hbm>>
      tpu.wait_dma2 semaphore(%run_scoped3A : memref<!tpu.dma_semaphore, #tpu.memory_space<semaphore_mem>>) src(%arg6 : memref<5000x16xf32, #tpu.memory_space<vmem>>) dst(%dma_wait3A_14 : memref<5000x16xf32, #tpu.memory_space<hbm>>)
      tpu.yield
    }) : () -> ()
    return
  }
}

#map = affine_map<(d0, d1) -> (0, 0)>
#map1 = affine_map<(d0, d1) -> (0, 0, 0)>
module attributes {stable_mosaic.version = 14 : i64} {
  func.func @_scatter_body(%arg0: i32, %arg1: i32, %arg2: memref<160000x16xf32, #tpu.memory_space<hbm>>, %arg3: memref<32x40x125xi32, #tpu.memory_space<hbm>>, %arg4: memref<10000x16xf32, #tpu.memory_space<hbm>>, %arg5: memref<2x10000x16xf32, #tpu.memory_space<hbm>>, %arg6: memref<40x125xi32, #tpu.memory_space<vmem>>, %arg7: memref<5000x16xf32, #tpu.memory_space<vmem>>, %arg8: memref<10000x16xf32, #tpu.memory_space<vmem_shared>>, %arg9: memref<!tpu.dma_semaphore, #tpu.memory_space<semaphore_mem>>) attributes {dimension_semantics = [#tpu.dimension_semantics<core_parallel>, #tpu.dimension_semantics<subcore_parallel>], iteration_bounds = array<i64: 2, 16>, scalar_prefetch = 0 : i64, scratch_operands = 4 : i64, tpu.core_type = #tpu.core_type<sc_vector_subcore>, window_params = [{transform_indices = #map}, {transform_indices = #map1}, {transform_indices = #map}, {transform_indices = #map1}]} {
    %mul3A = arith.constant 2 : i32
    %mul3A_0 = arith.muli %arg1, %mul3A : i32
    %add3A = arith.addi %mul3A_0, %arg0 : i32
    %mul3A_1 = arith.constant 625 : i32
    %mul3A_2 = arith.muli %arg1, %mul3A_1 : i32
    %mul3A_3 = arith.constant 625 : i32
    %mul3A_4 = arith.muli %arg1, %mul3A_3 : i32
    "tpu.region"() ({
      %run_scoped3A = tpu.sem_alloc : memref<!tpu.dma_semaphore, #tpu.memory_space<semaphore_mem>>
      %dma_start3A = arith.constant 0 : i32
      %dma_start3A_17 = tpu.memref_slice %arg8[%mul3A_4, %dma_start3A] : memref<10000x16xf32, #tpu.memory_space<vmem_shared>> -> memref<625x16xf32, #tpu.memory_space<vmem_shared>>
      %dma_start3A_18 = arith.constant 0 : i32
      %dma_start3A_19 = tpu.memref_slice %arg4[%mul3A_2, %dma_start3A_18] : memref<10000x16xf32, #tpu.memory_space<hbm>> -> memref<625x16xf32, #tpu.memory_space<hbm>>
      tpu.enqueue_dma source(%dma_start3A_19 : memref<625x16xf32, #tpu.memory_space<hbm>>) target(%dma_start3A_17 : memref<625x16xf32, #tpu.memory_space<vmem_shared>>) target_semaphore(%run_scoped3A : memref<!tpu.dma_semaphore, #tpu.memory_space<semaphore_mem>>)
      %dma_wait3A = arith.constant 0 : i32
      %dma_wait3A_20 = tpu.memref_slice %arg8[%mul3A_4, %dma_wait3A] : memref<10000x16xf32, #tpu.memory_space<vmem_shared>> -> memref<625x16xf32, #tpu.memory_space<vmem_shared>>
      %dma_wait3A_21 = arith.constant 0 : i32
      %dma_wait3A_22 = tpu.memref_slice %arg4[%mul3A_2, %dma_wait3A_21] : memref<10000x16xf32, #tpu.memory_space<hbm>> -> memref<625x16xf32, #tpu.memory_space<hbm>>
      tpu.wait_dma2 semaphore(%run_scoped3A : memref<!tpu.dma_semaphore, #tpu.memory_space<semaphore_mem>>) src(%dma_wait3A_22 : memref<625x16xf32, #tpu.memory_space<hbm>>) dst(%dma_wait3A_20 : memref<625x16xf32, #tpu.memory_space<vmem_shared>>)
      tpu.yield
    }) : () -> ()
    %barrier3A = arith.constant 0 : index
    tpu.barrier barrier_id(%barrier3A)
    %mul3A_5 = arith.constant 5000 : i32
    %mul3A_6 = arith.muli %add3A, %mul3A_5 : i32
    "tpu.region"() ({
      %run_scoped3A = tpu.sem_alloc : memref<!tpu.dma_semaphore, #tpu.memory_space<semaphore_mem>>
      %dma_start3A = arith.constant 0 : i32
      %dma_start3A_17 = tpu.memref_slice %arg2[%mul3A_6, %dma_start3A] : memref<160000x16xf32, #tpu.memory_space<hbm>> -> memref<5000x16xf32, #tpu.memory_space<hbm>>
      %dma_start3A_18 = arith.constant 0 : i32
      %dma_start3A_19 = tpu.memref_slice %arg2[%mul3A_6, %dma_start3A_18] : memref<160000x16xf32, #tpu.memory_space<hbm>> -> memref<5000x16xf32, #tpu.memory_space<hbm>>
      tpu.enqueue_dma source(%dma_start3A_19 : memref<5000x16xf32, #tpu.memory_space<hbm>>) target(%arg7 : memref<5000x16xf32, #tpu.memory_space<vmem>>) target_semaphore(%run_scoped3A : memref<!tpu.dma_semaphore, #tpu.memory_space<semaphore_mem>>)
      %dma_wait3A = arith.constant 0 : i32
      %dma_wait3A_20 = tpu.memref_slice %arg2[%mul3A_6, %dma_wait3A] : memref<160000x16xf32, #tpu.memory_space<hbm>> -> memref<5000x16xf32, #tpu.memory_space<hbm>>
      %dma_wait3A_21 = arith.constant 0 : i32
      %dma_wait3A_22 = tpu.memref_slice %arg2[%mul3A_6, %dma_wait3A_21] : memref<160000x16xf32, #tpu.memory_space<hbm>> -> memref<5000x16xf32, #tpu.memory_space<hbm>>
      tpu.wait_dma2 semaphore(%run_scoped3A : memref<!tpu.dma_semaphore, #tpu.memory_space<semaphore_mem>>) src(%dma_wait3A_22 : memref<5000x16xf32, #tpu.memory_space<hbm>>) dst(%arg7 : memref<5000x16xf32, #tpu.memory_space<vmem>>)
      tpu.yield
    }) : () -> ()
    "tpu.region"() ({
      %run_scoped3A = tpu.sem_alloc : memref<!tpu.dma_semaphore, #tpu.memory_space<semaphore_mem>>
      %dma_start3A = arith.constant 0 : i32
      %dma_start3A_17 = arith.constant 0 : i32
      %dma_start3A_18 = tpu.memref_slice %arg3[%add3A, %dma_start3A, %dma_start3A_17] : memref<32x40x125xi32, #tpu.memory_space<hbm>> -> memref<1x40x125xi32, #tpu.memory_space<hbm>>
      %dma_start3A_19 = tpu.memref_squeeze %dma_start3A_18 : memref<1x40x125xi32, #tpu.memory_space<hbm>> -> memref<40x125xi32, #tpu.memory_space<hbm>>
      %dma_start3A_20 = arith.constant 0 : i32
      %dma_start3A_21 = arith.constant 0 : i32
      %dma_start3A_22 = tpu.memref_slice %arg3[%add3A, %dma_start3A_20, %dma_start3A_21] : memref<32x40x125xi32, #tpu.memory_space<hbm>> -> memref<1x40x125xi32, #tpu.memory_space<hbm>>
      %dma_start3A_23 = tpu.memref_squeeze %dma_start3A_22 : memref<1x40x125xi32, #tpu.memory_space<hbm>> -> memref<40x125xi32, #tpu.memory_space<hbm>>
      tpu.enqueue_dma source(%dma_start3A_23 : memref<40x125xi32, #tpu.memory_space<hbm>>) target(%arg6 : memref<40x125xi32, #tpu.memory_space<vmem>>) target_semaphore(%run_scoped3A : memref<!tpu.dma_semaphore, #tpu.memory_space<semaphore_mem>>)
      %dma_wait3A = arith.constant 0 : i32
      %dma_wait3A_24 = arith.constant 0 : i32
      %dma_wait3A_25 = tpu.memref_slice %arg3[%add3A, %dma_wait3A, %dma_wait3A_24] : memref<32x40x125xi32, #tpu.memory_space<hbm>> -> memref<1x40x125xi32, #tpu.memory_space<hbm>>
      %dma_wait3A_26 = tpu.memref_squeeze %dma_wait3A_25 : memref<1x40x125xi32, #tpu.memory_space<hbm>> -> memref<40x125xi32, #tpu.memory_space<hbm>>
      %dma_wait3A_27 = arith.constant 0 : i32
      %dma_wait3A_28 = arith.constant 0 : i32
      %dma_wait3A_29 = tpu.memref_slice %arg3[%add3A, %dma_wait3A_27, %dma_wait3A_28] : memref<32x40x125xi32, #tpu.memory_space<hbm>> -> memref<1x40x125xi32, #tpu.memory_space<hbm>>
      %dma_wait3A_30 = tpu.memref_squeeze %dma_wait3A_29 : memref<1x40x125xi32, #tpu.memory_space<hbm>> -> memref<40x125xi32, #tpu.memory_space<hbm>>
      tpu.wait_dma2 semaphore(%run_scoped3A : memref<!tpu.dma_semaphore, #tpu.memory_space<semaphore_mem>>) src(%dma_wait3A_30 : memref<40x125xi32, #tpu.memory_space<hbm>>) dst(%arg6 : memref<40x125xi32, #tpu.memory_space<vmem>>)
      tpu.yield
    }) : () -> ()
    %scan3A = arith.constant 0 : i32
    %scan3A_7 = arith.constant 0 : i32
    %scan3A_8 = arith.constant 40 : i32
    %scan3A_9 = arith.addi %scan3A_7, %scan3A_8 : i32
    %scan3A_10 = arith.constant 1 : i32
    scf.for %scan3A_17 = %scan3A_7 to %scan3A_9 step %scan3A_10  : i32 {
      %mul3A_18 = arith.constant 125 : i32
      %mul3A_19 = arith.muli %scan3A_17, %mul3A_18 : i32
      "tpu.region"() ({
        %run_scoped3A = tpu.sem_alloc : memref<!tpu.dma_semaphore, #tpu.memory_space<semaphore_mem>>
        %dma_start3A = arith.constant 0 : i32
        %dma_start3A_20 = tpu.memref_slice %arg7[%mul3A_19, %dma_start3A] : memref<5000x16xf32, #tpu.memory_space<vmem>> -> memref<125x16xf32, #tpu.memory_space<vmem>>
        %dma_start3A_21 = arith.constant 0 : i32
        %dma_start3A_22 = tpu.memref_slice %arg6[%scan3A_17, %dma_start3A_21] : memref<40x125xi32, #tpu.memory_space<vmem>> -> memref<1x125xi32, #tpu.memory_space<vmem>>
        %dma_start3A_23 = tpu.memref_squeeze %dma_start3A_22 : memref<1x125xi32, #tpu.memory_space<vmem>> -> memref<125xi32, #tpu.memory_space<vmem>>
        %dma_start3A_24 = arith.constant 0 : i32
        %dma_start3A_25 = arith.constant 0 : i32
        %dma_start3A_26 = tpu.memref_slice %arg8[%dma_start3A_24, %dma_start3A_25] : memref<10000x16xf32, #tpu.memory_space<vmem_shared>> -> memref<10000x16xf32, #tpu.memory_space<vmem_shared>>
        tpu.enqueue_indirect_dma source(%dma_start3A_20 : memref<125x16xf32, #tpu.memory_space<vmem>>) target(%dma_start3A_26 : memref<10000x16xf32, #tpu.memory_space<vmem_shared>>) offsets(%dma_start3A_23 : memref<125xi32, #tpu.memory_space<vmem>>) semaphore(%run_scoped3A : memref<!tpu.dma_semaphore, #tpu.memory_space<semaphore_mem>>) {add = true}
        %dma_wait3A = arith.constant 0 : i32
        %dma_wait3A_27 = tpu.memref_slice %arg7[%mul3A_19, %dma_wait3A] : memref<5000x16xf32, #tpu.memory_space<vmem>> -> memref<125x16xf32, #tpu.memory_space<vmem>>
        %dma_wait3A_28 = arith.constant 0 : i32
        %dma_wait3A_29 = tpu.memref_slice %arg6[%scan3A_17, %dma_wait3A_28] : memref<40x125xi32, #tpu.memory_space<vmem>> -> memref<1x125xi32, #tpu.memory_space<vmem>>
        %dma_wait3A_30 = tpu.memref_squeeze %dma_wait3A_29 : memref<1x125xi32, #tpu.memory_space<vmem>> -> memref<125xi32, #tpu.memory_space<vmem>>
        %dma_wait3A_31 = arith.constant 0 : i32
        %dma_wait3A_32 = arith.constant 0 : i32
        %dma_wait3A_33 = tpu.memref_slice %arg8[%dma_wait3A_31, %dma_wait3A_32] : memref<10000x16xf32, #tpu.memory_space<vmem_shared>> -> memref<10000x16xf32, #tpu.memory_space<vmem_shared>>
        tpu.wait_indirect_dma semaphore(%run_scoped3A : memref<!tpu.dma_semaphore, #tpu.memory_space<semaphore_mem>>) src(%dma_wait3A_27 : memref<125x16xf32, #tpu.memory_space<vmem>>) dst(%dma_wait3A_33 : memref<10000x16xf32, #tpu.memory_space<vmem_shared>>)
        tpu.yield
      }) : () -> ()
    }
    %scan3A_11 = arith.constant 40 : i32
    %barrier3A_12 = arith.constant 0 : index
    tpu.barrier barrier_id(%barrier3A_12)
    %mul3A_13 = arith.constant 625 : i32
    %mul3A_14 = arith.muli %arg1, %mul3A_13 : i32
    %mul3A_15 = arith.constant 625 : i32
    %mul3A_16 = arith.muli %arg1, %mul3A_15 : i32
    "tpu.region"() ({
      %run_scoped3A = tpu.sem_alloc : memref<!tpu.dma_semaphore, #tpu.memory_space<semaphore_mem>>
      %dma_start3A = arith.constant 0 : i32
      %dma_start3A_17 = tpu.memref_slice %arg5[%arg0, %mul3A_16, %dma_start3A] : memref<2x10000x16xf32, #tpu.memory_space<hbm>> -> memref<1x625x16xf32, #tpu.memory_space<hbm>>
      %dma_start3A_18 = tpu.memref_squeeze %dma_start3A_17 : memref<1x625x16xf32, #tpu.memory_space<hbm>> -> memref<625x16xf32, #tpu.memory_space<hbm>>
      %dma_start3A_19 = arith.constant 0 : i32
      %dma_start3A_20 = tpu.memref_slice %arg8[%mul3A_14, %dma_start3A_19] : memref<10000x16xf32, #tpu.memory_space<vmem_shared>> -> memref<625x16xf32, #tpu.memory_space<vmem_shared>>
      tpu.enqueue_dma source(%dma_start3A_20 : memref<625x16xf32, #tpu.memory_space<vmem_shared>>) target(%dma_start3A_18 : memref<625x16xf32, #tpu.memory_space<hbm>>) target_semaphore(%run_scoped3A : memref<!tpu.dma_semaphore, #tpu.memory_space<semaphore_mem>>)
      %dma_wait3A = arith.constant 0 : i32
      %dma_wait3A_21 = tpu.memref_slice %arg5[%arg0, %mul3A_16, %dma_wait3A] : memref<2x10000x16xf32, #tpu.memory_space<hbm>> -> memref<1x625x16xf32, #tpu.memory_space<hbm>>
      %dma_wait3A_22 = tpu.memref_squeeze %dma_wait3A_21 : memref<1x625x16xf32, #tpu.memory_space<hbm>> -> memref<625x16xf32, #tpu.memory_space<hbm>>
      %dma_wait3A_23 = arith.constant 0 : i32
      %dma_wait3A_24 = tpu.memref_slice %arg8[%mul3A_14, %dma_wait3A_23] : memref<10000x16xf32, #tpu.memory_space<vmem_shared>> -> memref<625x16xf32, #tpu.memory_space<vmem_shared>>
      tpu.wait_dma2 semaphore(%run_scoped3A : memref<!tpu.dma_semaphore, #tpu.memory_space<semaphore_mem>>) src(%dma_wait3A_24 : memref<625x16xf32, #tpu.memory_space<vmem_shared>>) dst(%dma_wait3A_22 : memref<625x16xf32, #tpu.memory_space<hbm>>)
      tpu.yield
    }) : () -> ()
    return
  }
}

module attributes {stable_mosaic.version = 14 : i64} {
  func.func @_nodeproj_body(%arg0: i32, %arg1: memref<1000x128xf32, #tpu.memory_space<vmem>>, %arg2: memref<128x16xf32, #tpu.memory_space<vmem>>, %arg3: memref<1x16xf32, #tpu.memory_space<vmem>>, %arg4: memref<1000x16xf32, #tpu.memory_space<vmem>>) attributes {dimension_semantics = [#tpu.dimension_semantics<arbitrary>], iteration_bounds = array<i64: 10>, scalar_prefetch = 0 : i64, scratch_operands = 0 : i64, tpu.core_type = #tpu.core_type<tc>, window_params = [{transform_indices = @transform_0, window_bounds = array<i64: 1000, 128>}, {pipeline_mode = #tpu.pipeline_mode<synchronous>, transform_indices = @transform_1, window_bounds = array<i64: 128, 16>}, {pipeline_mode = #tpu.pipeline_mode<synchronous>, transform_indices = @transform_2, window_bounds = array<i64: 1, 16>}, {transform_indices = @transform_3, window_bounds = array<i64: 1000, 16>}]} {
    %get3A = arith.constant 0 : index
    %get3A_0 = arith.constant 0 : index
    %get3A_1 = vector.load %arg1[%get3A, %get3A_0] : memref<1000x128xf32, #tpu.memory_space<vmem>>, vector<1000x128xf32>
    %get3A_2 = arith.constant 0 : index
    %get3A_3 = arith.constant 0 : index
    %get3A_4 = vector.load %arg2[%get3A_2, %get3A_3] : memref<128x16xf32, #tpu.memory_space<vmem>>, vector<128x16xf32>
    %dot_general3A = arith.constant dense<0.000000e+00> : vector<1000x16xf32>
    %dot_general3A_5 = tpu.matmul %get3A_1, %get3A_4, %dot_general3A {dimension_numbers = #tpu.dot_dimension_numbers<[1], [0], [0], [1], [0, 0, 1, 1], [], []>, transpose_lhs_hint = false} : vector<1000x128xf32>, vector<128x16xf32>, vector<1000x16xf32> -> vector<1000x16xf32>
    %get3A_6 = arith.constant 0 : index
    %get3A_7 = arith.constant 0 : index
    %get3A_8 = vector.load %arg3[%get3A_6, %get3A_7] : memref<1x16xf32, #tpu.memory_space<vmem>>, vector<1x16xf32>
    %add3A = vector.broadcast %get3A_8 : vector<1x16xf32> to vector<1000x16xf32>
    %add3A_9 = arith.addf %dot_general3A_5, %add3A : vector<1000x16xf32>
    %max3A = arith.constant 0.000000e+00 : f32
    %max3A_10 = vector.broadcast %max3A : f32 to vector<1000x16xf32>
    %max3A_11 = arith.maximumf %add3A_9, %max3A_10 : vector<1000x16xf32>
    %swap3A = arith.constant 0 : index
    %swap3A_12 = arith.constant 0 : index
    %swap3A_13 = vector.load %arg4[%swap3A, %swap3A_12] : memref<1000x16xf32, #tpu.memory_space<vmem>>, vector<1000x16xf32>
    tpu.vector_store %arg4[%swap3A, %swap3A_12], %max3A_11 {strides = array<i32>} : memref<1000x16xf32, #tpu.memory_space<vmem>>, vector<1000x16xf32>,
    return
  }
  func.func @transform_0(%arg0: i32) -> (i32, i32) {
    %c0_i32 = arith.constant 0 : i32
    %c0_i32_0 = arith.constant 0 : i32
    return %arg0, %c0_i32 : i32, i32
  }
  func.func @transform_1(%arg0: i32) -> (i32, i32) {
    %c0_i32 = arith.constant 0 : i32
    %c0_i32_0 = arith.constant 0 : i32
    %c0_i32_1 = arith.constant 0 : i32
    return %c0_i32, %c0_i32_0 : i32, i32
  }
  func.func @transform_2(%arg0: i32) -> (i32, i32) {
    %c0_i32 = arith.constant 0 : i32
    %c0_i32_0 = arith.constant 0 : i32
    %c0_i32_1 = arith.constant 0 : i32
    return %c0_i32, %c0_i32_0 : i32, i32
  }
  func.func @transform_3(%arg0: i32) -> (i32, i32) {
    %c0_i32 = arith.constant 0 : i32
    %c0_i32_0 = arith.constant 0 : i32
    return %arg0, %c0_i32 : i32, i32
  }
}

module attributes {stable_mosaic.version = 14 : i64} {
  func.func @_edge_body(%arg0: i32, %arg1: memref<6400x16xf32, #tpu.memory_space<vmem>>, %arg2: memref<6400x16xf32, #tpu.memory_space<vmem>>, %arg3: memref<6400x8xf32, #tpu.memory_space<vmem>>, %arg4: memref<16x256xf32, #tpu.memory_space<vmem>>, %arg5: memref<8x256xf32, #tpu.memory_space<vmem>>, %arg6: memref<1x256xf32, #tpu.memory_space<vmem>>, %arg7: memref<1x8xf32, #tpu.memory_space<vmem>>, %arg8: memref<1x8xf32, #tpu.memory_space<vmem>>, %arg9: memref<16x256xf32, #tpu.memory_space<vmem>>, %arg10: memref<256x16xf32, #tpu.memory_space<vmem>>, %arg11: memref<6400x16xf32, #tpu.memory_space<vmem>>) attributes {dimension_semantics = [#tpu.dimension_semantics<arbitrary>], iteration_bounds = array<i64: 25>, scalar_prefetch = 0 : i64, scratch_operands = 0 : i64, tpu.core_type = #tpu.core_type<tc>, window_params = [{transform_indices = @transform_0, window_bounds = array<i64: 6400, 16>}, {transform_indices = @transform_1, window_bounds = array<i64: 6400, 16>}, {transform_indices = @transform_2, window_bounds = array<i64: 6400, 8>}, {pipeline_mode = #tpu.pipeline_mode<synchronous>, transform_indices = @transform_3, window_bounds = array<i64: 16, 256>}, {pipeline_mode = #tpu.pipeline_mode<synchronous>, transform_indices = @transform_4, window_bounds = array<i64: 8, 256>}, {pipeline_mode = #tpu.pipeline_mode<synchronous>, transform_indices = @transform_5, window_bounds = array<i64: 1, 256>}, {pipeline_mode = #tpu.pipeline_mode<synchronous>, transform_indices = @transform_6, window_bounds = array<i64: 1, 8>}, {pipeline_mode = #tpu.pipeline_mode<synchronous>, transform_indices = @transform_7, window_bounds = array<i64: 1, 8>}, {pipeline_mode = #tpu.pipeline_mode<synchronous>, transform_indices = @transform_8, window_bounds = array<i64: 16, 256>}, {pipeline_mode = #tpu.pipeline_mode<synchronous>, transform_indices = @transform_9, window_bounds = array<i64: 256, 16>}, {transform_indices = @transform_10, window_bounds = array<i64: 6400, 16>}]} {
    %get3A = arith.constant 0 : index
    %get3A_0 = arith.constant 0 : index
    %get3A_1 = vector.load %arg3[%get3A, %get3A_0] : memref<6400x8xf32, #tpu.memory_space<vmem>>, vector<640x8xf32>
    %get3A_2 = arith.constant 0 : index
    %get3A_3 = arith.constant 0 : index
    %get3A_4 = vector.load %arg7[%get3A_2, %get3A_3] : memref<1x8xf32, #tpu.memory_space<vmem>>, vector<1x8xf32>
    %sub3A = vector.broadcast %get3A_4 : vector<1x8xf32> to vector<640x8xf32>
    %sub3A_5 = arith.subf %get3A_1, %sub3A : vector<640x8xf32>
    %get3A_6 = arith.constant 0 : index
    %get3A_7 = arith.constant 0 : index
    %get3A_8 = vector.load %arg8[%get3A_6, %get3A_7] : memref<1x8xf32, #tpu.memory_space<vmem>>, vector<1x8xf32>
    %neg3A = arith.constant 0.000000e+00 : f32
    %neg3A_9 = vector.broadcast %neg3A : f32 to vector<1x8xf32>
    %neg3A_10 = arith.subf %neg3A_9, %get3A_8 : vector<1x8xf32>
    %mul3A = vector.broadcast %neg3A_10 : vector<1x8xf32> to vector<640x8xf32>
    %mul3A_11 = arith.mulf %mul3A, %sub3A_5 : vector<640x8xf32>
    %mul3A_12 = arith.mulf %mul3A_11, %sub3A_5 : vector<640x8xf32>
    %exp3A = math.exp %mul3A_12 : vector<640x8xf32>
    %get3A_13 = arith.constant 0 : index
    %get3A_14 = arith.constant 0 : index
    %get3A_15 = vector.load %arg2[%get3A_13, %get3A_14] : memref<6400x16xf32, #tpu.memory_space<vmem>>, vector<640x16xf32>
    %get3A_16 = arith.constant 0 : index
    %get3A_17 = arith.constant 0 : index
    %get3A_18 = vector.load %arg4[%get3A_16, %get3A_17] : memref<16x256xf32, #tpu.memory_space<vmem>>, vector<16x256xf32>
    %dot_general3A = arith.constant dense<0.000000e+00> : vector<640x256xf32>
    %dot_general3A_19 = tpu.matmul %get3A_15, %get3A_18, %dot_general3A {dimension_numbers = #tpu.dot_dimension_numbers<[1], [0], [0], [1], [0, 0, 1, 1], [], []>, transpose_lhs_hint = false} : vector<640x16xf32>, vector<16x256xf32>, vector<640x256xf32> -> vector<640x256xf32>
    %get3A_20 = arith.constant 0 : index
    %get3A_21 = arith.constant 0 : index
    %get3A_22 = vector.load %arg5[%get3A_20, %get3A_21] : memref<8x256xf32, #tpu.memory_space<vmem>>, vector<8x256xf32>
    %dot_general3A_23 = arith.constant dense<0.000000e+00> : vector<640x256xf32>
    %dot_general3A_24 = tpu.matmul %exp3A, %get3A_22, %dot_general3A_23 {dimension_numbers = #tpu.dot_dimension_numbers<[1], [0], [0], [1], [0, 0, 1, 1], [], []>, transpose_lhs_hint = false} : vector<640x8xf32>, vector<8x256xf32>, vector<640x256xf32> -> vector<640x256xf32>
    %add3A = arith.addf %dot_general3A_19, %dot_general3A_24 : vector<640x256xf32>
    %get3A_25 = arith.constant 0 : index
    %get3A_26 = arith.constant 0 : index
    %get3A_27 = vector.load %arg6[%get3A_25, %get3A_26] : memref<1x256xf32, #tpu.memory_space<vmem>>, vector<1x256xf32>
    %add3A_28 = vector.broadcast %get3A_27 : vector<1x256xf32> to vector<640x256xf32>
    %add3A_29 = arith.addf %add3A, %add3A_28 : vector<640x256xf32>
    %get3A_30 = arith.constant 0 : index
    %get3A_31 = arith.constant 0 : index
    %get3A_32 = vector.load %arg1[%get3A_30, %get3A_31] : memref<6400x16xf32, #tpu.memory_space<vmem>>, vector<640x16xf32>
    %get3A_33 = arith.constant 0 : index
    %get3A_34 = arith.constant 0 : index
    %get3A_35 = vector.load %arg9[%get3A_33, %get3A_34] : memref<16x256xf32, #tpu.memory_space<vmem>>, vector<16x256xf32>
    %dot_general3A_36 = arith.constant dense<0.000000e+00> : vector<640x256xf32>
    %dot_general3A_37 = tpu.matmul %get3A_32, %get3A_35, %dot_general3A_36 {dimension_numbers = #tpu.dot_dimension_numbers<[1], [0], [0], [1], [0, 0, 1, 1], [], []>, transpose_lhs_hint = false} : vector<640x16xf32>, vector<16x256xf32>, vector<640x256xf32> -> vector<640x256xf32>
    %mul3A_38 = arith.mulf %add3A_29, %dot_general3A_37 : vector<640x256xf32>
    %get3A_39 = arith.constant 0 : index
    %get3A_40 = arith.constant 0 : index
    %get3A_41 = vector.load %arg10[%get3A_39, %get3A_40] : memref<256x16xf32, #tpu.memory_space<vmem>>, vector<256x16xf32>
    %dot_general3A_42 = arith.constant dense<0.000000e+00> : vector<640x16xf32>
    %dot_general3A_43 = tpu.matmul %mul3A_38, %get3A_41, %dot_general3A_42 {dimension_numbers = #tpu.dot_dimension_numbers<[1], [0], [0], [1], [0, 0, 1, 1], [], []>, transpose_lhs_hint = false} : vector<640x256xf32>, vector<256x16xf32>, vector<640x16xf32> -> vector<640x16xf32>
    %swap3A = arith.constant 0 : index
    %swap3A_44 = arith.constant 0 : index
    %swap3A_45 = vector.load %arg11[%swap3A, %swap3A_44] : memref<6400x16xf32, #tpu.memory_space<vmem>>, vector<640x16xf32>
    tpu.vector_store %arg11[%swap3A, %swap3A_44], %dot_general3A_43 {strides = array<i32>} : memref<6400x16xf32, #tpu.memory_space<vmem>>, vector<640x16xf32>,
    %get3A_46 = arith.constant 640 : index
    %get3A_47 = arith.constant 0 : index
    %get3A_48 = vector.load %arg3[%get3A_46, %get3A_47] : memref<6400x8xf32, #tpu.memory_space<vmem>>, vector<640x8xf32>
    %get3A_49 = arith.constant 0 : index
    %get3A_50 = arith.constant 0 : index
    %get3A_51 = vector.load %arg7[%get3A_49, %get3A_50] : memref<1x8xf32, #tpu.memory_space<vmem>>, vector<1x8xf32>
    %sub3A_52 = vector.broadcast %get3A_51 : vector<1x8xf32> to vector<640x8xf32>
    %sub3A_53 = arith.subf %get3A_48, %sub3A_52 : vector<640x8xf32>
    %get3A_54 = arith.constant 0 : index
    %get3A_55 = arith.constant 0 : index
    %get3A_56 = vector.load %arg8[%get3A_54, %get3A_55] : memref<1x8xf32, #tpu.memory_space<vmem>>, vector<1x8xf32>
    %neg3A_57 = arith.constant 0.000000e+00 : f32
    %neg3A_58 = vector.broadcast %neg3A_57 : f32 to vector<1x8xf32>
    %neg3A_59 = arith.subf %neg3A_58, %get3A_56 : vector<1x8xf32>
    %mul3A_60 = vector.broadcast %neg3A_59 : vector<1x8xf32> to vector<640x8xf32>
    %mul3A_61 = arith.mulf %mul3A_60, %sub3A_53 : vector<640x8xf32>
    %mul3A_62 = arith.mulf %mul3A_61, %sub3A_53 : vector<640x8xf32>
    %exp3A_63 = math.exp %mul3A_62 : vector<640x8xf32>
    %get3A_64 = arith.constant 640 : index
    %get3A_65 = arith.constant 0 : index
    %get3A_66 = vector.load %arg2[%get3A_64, %get3A_65] : memref<6400x16xf32, #tpu.memory_space<vmem>>, vector<640x16xf32>
    %get3A_67 = arith.constant 0 : index
    %get3A_68 = arith.constant 0 : index
    %get3A_69 = vector.load %arg4[%get3A_67, %get3A_68] : memref<16x256xf32, #tpu.memory_space<vmem>>, vector<16x256xf32>
    %dot_general3A_70 = arith.constant dense<0.000000e+00> : vector<640x256xf32>
    %dot_general3A_71 = tpu.matmul %get3A_66, %get3A_69, %dot_general3A_70 {dimension_numbers = #tpu.dot_dimension_numbers<[1], [0], [0], [1], [0, 0, 1, 1], [], []>, transpose_lhs_hint = false} : vector<640x16xf32>, vector<16x256xf32>, vector<640x256xf32> -> vector<640x256xf32>
    %get3A_72 = arith.constant 0 : index
    %get3A_73 = arith.constant 0 : index
    %get3A_74 = vector.load %arg5[%get3A_72, %get3A_73] : memref<8x256xf32, #tpu.memory_space<vmem>>, vector<8x256xf32>
    %dot_general3A_75 = arith.constant dense<0.000000e+00> : vector<640x256xf32>
    %dot_general3A_76 = tpu.matmul %exp3A_63, %get3A_74, %dot_general3A_75 {dimension_numbers = #tpu.dot_dimension_numbers<[1], [0], [0], [1], [0, 0, 1, 1], [], []>, transpose_lhs_hint = false} : vector<640x8xf32>, vector<8x256xf32>, vector<640x256xf32> -> vector<640x256xf32>
    %add3A_77 = arith.addf %dot_general3A_71, %dot_general3A_76 : vector<640x256xf32>
    %get3A_78 = arith.constant 0 : index
    %get3A_79 = arith.constant 0 : index
    %get3A_80 = vector.load %arg6[%get3A_78, %get3A_79] : memref<1x256xf32, #tpu.memory_space<vmem>>, vector<1x256xf32>
    %add3A_81 = vector.broadcast %get3A_80 : vector<1x256xf32> to vector<640x256xf32>
    %add3A_82 = arith.addf %add3A_77, %add3A_81 : vector<640x256xf32>
    %get3A_83 = arith.constant 640 : index
    %get3A_84 = arith.constant 0 : index
    %get3A_85 = vector.load %arg1[%get3A_83, %get3A_84] : memref<6400x16xf32, #tpu.memory_space<vmem>>, vector<640x16xf32>
    %get3A_86 = arith.constant 0 : index
    %get3A_87 = arith.constant 0 : index
    %get3A_88 = vector.load %arg9[%get3A_86, %get3A_87] : memref<16x256xf32, #tpu.memory_space<vmem>>, vector<16x256xf32>
    %dot_general3A_89 = arith.constant dense<0.000000e+00> : vector<640x256xf32>
    %dot_general3A_90 = tpu.matmul %get3A_85, %get3A_88, %dot_general3A_89 {dimension_numbers = #tpu.dot_dimension_numbers<[1], [0], [0], [1], [0, 0, 1, 1], [], []>, transpose_lhs_hint = false} : vector<640x16xf32>, vector<16x256xf32>, vector<640x256xf32> -> vector<640x256xf32>
    %mul3A_91 = arith.mulf %add3A_82, %dot_general3A_90 : vector<640x256xf32>
    %get3A_92 = arith.constant 0 : index
    %get3A_93 = arith.constant 0 : index
    %get3A_94 = vector.load %arg10[%get3A_92, %get3A_93] : memref<256x16xf32, #tpu.memory_space<vmem>>, vector<256x16xf32>
    %dot_general3A_95 = arith.constant dense<0.000000e+00> : vector<640x16xf32>
    %dot_general3A_96 = tpu.matmul %mul3A_91, %get3A_94, %dot_general3A_95 {dimension_numbers = #tpu.dot_dimension_numbers<[1], [0], [0], [1], [0, 0, 1, 1], [], []>, transpose_lhs_hint = false} : vector<640x256xf32>, vector<256x16xf32>, vector<640x16xf32> -> vector<640x16xf32>
    %swap3A_97 = arith.constant 640 : index
    %swap3A_98 = arith.constant 0 : index
    %swap3A_99 = vector.load %arg11[%swap3A_97, %swap3A_98] : memref<6400x16xf32, #tpu.memory_space<vmem>>, vector<640x16xf32>
    tpu.vector_store %arg11[%swap3A_97, %swap3A_98], %dot_general3A_96 {strides = array<i32>} : memref<6400x16xf32, #tpu.memory_space<vmem>>, vector<640x16xf32>,
    %get3A_100 = arith.constant 1280 : index
    %get3A_101 = arith.constant 0 : index
    %get3A_102 = vector.load %arg3[%get3A_100, %get3A_101] : memref<6400x8xf32, #tpu.memory_space<vmem>>, vector<640x8xf32>
    %get3A_103 = arith.constant 0 : index
    %get3A_104 = arith.constant 0 : index
    %get3A_105 = vector.load %arg7[%get3A_103, %get3A_104] : memref<1x8xf32, #tpu.memory_space<vmem>>, vector<1x8xf32>
    %sub3A_106 = vector.broadcast %get3A_105 : vector<1x8xf32> to vector<640x8xf32>
    %sub3A_107 = arith.subf %get3A_102, %sub3A_106 : vector<640x8xf32>
    %get3A_108 = arith.constant 0 : index
    %get3A_109 = arith.constant 0 : index
    %get3A_110 = vector.load %arg8[%get3A_108, %get3A_109] : memref<1x8xf32, #tpu.memory_space<vmem>>, vector<1x8xf32>
    %neg3A_111 = arith.constant 0.000000e+00 : f32
    %neg3A_112 = vector.broadcast %neg3A_111 : f32 to vector<1x8xf32>
    %neg3A_113 = arith.subf %neg3A_112, %get3A_110 : vector<1x8xf32>
    %mul3A_114 = vector.broadcast %neg3A_113 : vector<1x8xf32> to vector<640x8xf32>
    %mul3A_115 = arith.mulf %mul3A_114, %sub3A_107 : vector<640x8xf32>
    %mul3A_116 = arith.mulf %mul3A_115, %sub3A_107 : vector<640x8xf32>
    %exp3A_117 = math.exp %mul3A_116 : vector<640x8xf32>
    %get3A_118 = arith.constant 1280 : index
    %get3A_119 = arith.constant 0 : index
    %get3A_120 = vector.load %arg2[%get3A_118, %get3A_119] : memref<6400x16xf32, #tpu.memory_space<vmem>>, vector<640x16xf32>
    %get3A_121 = arith.constant 0 : index
    %get3A_122 = arith.constant 0 : index
    %get3A_123 = vector.load %arg4[%get3A_121, %get3A_122] : memref<16x256xf32, #tpu.memory_space<vmem>>, vector<16x256xf32>
    %dot_general3A_124 = arith.constant dense<0.000000e+00> : vector<640x256xf32>
    %dot_general3A_125 = tpu.matmul %get3A_120, %get3A_123, %dot_general3A_124 {dimension_numbers = #tpu.dot_dimension_numbers<[1], [0], [0], [1], [0, 0, 1, 1], [], []>, transpose_lhs_hint = false} : vector<640x16xf32>, vector<16x256xf32>, vector<640x256xf32> -> vector<640x256xf32>
    %get3A_126 = arith.constant 0 : index
    %get3A_127 = arith.constant 0 : index
    %get3A_128 = vector.load %arg5[%get3A_126, %get3A_127] : memref<8x256xf32, #tpu.memory_space<vmem>>, vector<8x256xf32>
    %dot_general3A_129 = arith.constant dense<0.000000e+00> : vector<640x256xf32>
    %dot_general3A_130 = tpu.matmul %exp3A_117, %get3A_128, %dot_general3A_129 {dimension_numbers = #tpu.dot_dimension_numbers<[1], [0], [0], [1], [0, 0, 1, 1], [], []>, transpose_lhs_hint = false} : vector<640x8xf32>, vector<8x256xf32>, vector<640x256xf32> -> vector<640x256xf32>
    %add3A_131 = arith.addf %dot_general3A_125, %dot_general3A_130 : vector<640x256xf32>
    %get3A_132 = arith.constant 0 : index
    %get3A_133 = arith.constant 0 : index
    %get3A_134 = vector.load %arg6[%get3A_132, %get3A_133] : memref<1x256xf32, #tpu.memory_space<vmem>>, vector<1x256xf32>
    %add3A_135 = vector.broadcast %get3A_134 : vector<1x256xf32> to vector<640x256xf32>
    %add3A_136 = arith.addf %add3A_131, %add3A_135 : vector<640x256xf32>
    %get3A_137 = arith.constant 1280 : index
    %get3A_138 = arith.constant 0 : index
    %get3A_139 = vector.load %arg1[%get3A_137, %get3A_138] : memref<6400x16xf32, #tpu.memory_space<vmem>>, vector<640x16xf32>
    %get3A_140 = arith.constant 0 : index
    %get3A_141 = arith.constant 0 : index
    %get3A_142 = vector.load %arg9[%get3A_140, %get3A_141] : memref<16x256xf32, #tpu.memory_space<vmem>>, vector<16x256xf32>
    %dot_general3A_143 = arith.constant dense<0.000000e+00> : vector<640x256xf32>
    %dot_general3A_144 = tpu.matmul %get3A_139, %get3A_142, %dot_general3A_143 {dimension_numbers = #tpu.dot_dimension_numbers<[1], [0], [0], [1], [0, 0, 1, 1], [], []>, transpose_lhs_hint = false} : vector<640x16xf32>, vector<16x256xf32>, vector<640x256xf32> -> vector<640x256xf32>
    %mul3A_145 = arith.mulf %add3A_136, %dot_general3A_144 : vector<640x256xf32>
    %get3A_146 = arith.constant 0 : index
    %get3A_147 = arith.constant 0 : index
    %get3A_148 = vector.load %arg10[%get3A_146, %get3A_147] : memref<256x16xf32, #tpu.memory_space<vmem>>, vector<256x16xf32>
    %dot_general3A_149 = arith.constant dense<0.000000e+00> : vector<640x16xf32>
    %dot_general3A_150 = tpu.matmul %mul3A_145, %get3A_148, %dot_general3A_149 {dimension_numbers = #tpu.dot_dimension_numbers<[1], [0], [0], [1], [0, 0, 1, 1], [], []>, transpose_lhs_hint = false} : vector<640x256xf32>, vector<256x16xf32>, vector<640x16xf32> -> vector<640x16xf32>
    %swap3A_151 = arith.constant 1280 : index
    %swap3A_152 = arith.constant 0 : index
    %swap3A_153 = vector.load %arg11[%swap3A_151, %swap3A_152] : memref<6400x16xf32, #tpu.memory_space<vmem>>, vector<640x16xf32>
    tpu.vector_store %arg11[%swap3A_151, %swap3A_152], %dot_general3A_150 {strides = array<i32>} : memref<6400x16xf32, #tpu.memory_space<vmem>>, vector<640x16xf32>,
    %get3A_154 = arith.constant 1920 : index
    %get3A_155 = arith.constant 0 : index
    %get3A_156 = vector.load %arg3[%get3A_154, %get3A_155] : memref<6400x8xf32, #tpu.memory_space<vmem>>, vector<640x8xf32>
    %get3A_157 = arith.constant 0 : index
    %get3A_158 = arith.constant 0 : index
    %get3A_159 = vector.load %arg7[%get3A_157, %get3A_158] : memref<1x8xf32, #tpu.memory_space<vmem>>, vector<1x8xf32>
    %sub3A_160 = vector.broadcast %get3A_159 : vector<1x8xf32> to vector<640x8xf32>
    %sub3A_161 = arith.subf %get3A_156, %sub3A_160 : vector<640x8xf32>
    %get3A_162 = arith.constant 0 : index
    %get3A_163 = arith.constant 0 : index
    %get3A_164 = vector.load %arg8[%get3A_162, %get3A_163] : memref<1x8xf32, #tpu.memory_space<vmem>>, vector<1x8xf32>
    %neg3A_165 = arith.constant 0.000000e+00 : f32
    %neg3A_166 = vector.broadcast %neg3A_165 : f32 to vector<1x8xf32>
    %neg3A_167 = arith.subf %neg3A_166, %get3A_164 : vector<1x8xf32>
    %mul3A_168 = vector.broadcast %neg3A_167 : vector<1x8xf32> to vector<640x8xf32>
    %mul3A_169 = arith.mulf %mul3A_168, %sub3A_161 : vector<640x8xf32>
    %mul3A_170 = arith.mulf %mul3A_169, %sub3A_161 : vector<640x8xf32>
    %exp3A_171 = math.exp %mul3A_170 : vector<640x8xf32>
    %get3A_172 = arith.constant 1920 : index
    %get3A_173 = arith.constant 0 : index
    %get3A_174 = vector.load %arg2[%get3A_172, %get3A_173] : memref<6400x16xf32, #tpu.memory_space<vmem>>, vector<640x16xf32>
    %get3A_175 = arith.constant 0 : index
    %get3A_176 = arith.constant 0 : index
    %get3A_177 = vector.load %arg4[%get3A_175, %get3A_176] : memref<16x256xf32, #tpu.memory_space<vmem>>, vector<16x256xf32>
    %dot_general3A_178 = arith.constant dense<0.000000e+00> : vector<640x256xf32>
    %dot_general3A_179 = tpu.matmul %get3A_174, %get3A_177, %dot_general3A_178 {dimension_numbers = #tpu.dot_dimension_numbers<[1], [0], [0], [1], [0, 0, 1, 1], [], []>, transpose_lhs_hint = false} : vector<640x16xf32>, vector<16x256xf32>, vector<640x256xf32> -> vector<640x256xf32>
    %get3A_180 = arith.constant 0 : index
    %get3A_181 = arith.constant 0 : index
    %get3A_182 = vector.load %arg5[%get3A_180, %get3A_181] : memref<8x256xf32, #tpu.memory_space<vmem>>, vector<8x256xf32>
    %dot_general3A_183 = arith.constant dense<0.000000e+00> : vector<640x256xf32>
    %dot_general3A_184 = tpu.matmul %exp3A_171, %get3A_182, %dot_general3A_183 {dimension_numbers = #tpu.dot_dimension_numbers<[1], [0], [0], [1], [0, 0, 1, 1], [], []>, transpose_lhs_hint = false} : vector<640x8xf32>, vector<8x256xf32>, vector<640x256xf32> -> vector<640x256xf32>
    %add3A_185 = arith.addf %dot_general3A_179, %dot_general3A_184 : vector<640x256xf32>
    %get3A_186 = arith.constant 0 : index
    %get3A_187 = arith.constant 0 : index
    %get3A_188 = vector.load %arg6[%get3A_186, %get3A_187] : memref<1x256xf32, #tpu.memory_space<vmem>>, vector<1x256xf32>
    %add3A_189 = vector.broadcast %get3A_188 : vector<1x256xf32> to vector<640x256xf32>
    %add3A_190 = arith.addf %add3A_185, %add3A_189 : vector<640x256xf32>
    %get3A_191 = arith.constant 1920 : index
    %get3A_192 = arith.constant 0 : index
    %get3A_193 = vector.load %arg1[%get3A_191, %get3A_192] : memref<6400x16xf32, #tpu.memory_space<vmem>>, vector<640x16xf32>
    %get3A_194 = arith.constant 0 : index
    %get3A_195 = arith.constant 0 : index
    %get3A_196 = vector.load %arg9[%get3A_194, %get3A_195] : memref<16x256xf32, #tpu.memory_space<vmem>>, vector<16x256xf32>
    %dot_general3A_197 = arith.constant dense<0.000000e+00> : vector<640x256xf32>
    %dot_general3A_198 = tpu.matmul %get3A_193, %get3A_196, %dot_general3A_197 {dimension_numbers = #tpu.dot_dimension_numbers<[1], [0], [0], [1], [0, 0, 1, 1], [], []>, transpose_lhs_hint = false} : vector<640x16xf32>, vector<16x256xf32>, vector<640x256xf32> -> vector<640x256xf32>
    %mul3A_199 = arith.mulf %add3A_190, %dot_general3A_198 : vector<640x256xf32>
    %get3A_200 = arith.constant 0 : index
    %get3A_201 = arith.constant 0 : index
    %get3A_202 = vector.load %arg10[%get3A_200, %get3A_201] : memref<256x16xf32, #tpu.memory_space<vmem>>, vector<256x16xf32>
    %dot_general3A_203 = arith.constant dense<0.000000e+00> : vector<640x16xf32>
    %dot_general3A_204 = tpu.matmul %mul3A_199, %get3A_202, %dot_general3A_203 {dimension_numbers = #tpu.dot_dimension_numbers<[1], [0], [0], [1], [0, 0, 1, 1], [], []>, transpose_lhs_hint = false} : vector<640x256xf32>, vector<256x16xf32>, vector<640x16xf32> -> vector<640x16xf32>
    %swap3A_205 = arith.constant 1920 : index
    %swap3A_206 = arith.constant 0 : index
    %swap3A_207 = vector.load %arg11[%swap3A_205, %swap3A_206] : memref<6400x16xf32, #tpu.memory_space<vmem>>, vector<640x16xf32>
    tpu.vector_store %arg11[%swap3A_205, %swap3A_206], %dot_general3A_204 {strides = array<i32>} : memref<6400x16xf32, #tpu.memory_space<vmem>>, vector<640x16xf32>,
    %get3A_208 = arith.constant 2560 : index
    %get3A_209 = arith.constant 0 : index
    %get3A_210 = vector.load %arg3[%get3A_208, %get3A_209] : memref<6400x8xf32, #tpu.memory_space<vmem>>, vector<640x8xf32>
    %get3A_211 = arith.constant 0 : index
    %get3A_212 = arith.constant 0 : index
    %get3A_213 = vector.load %arg7[%get3A_211, %get3A_212] : memref<1x8xf32, #tpu.memory_space<vmem>>, vector<1x8xf32>
    %sub3A_214 = vector.broadcast %get3A_213 : vector<1x8xf32> to vector<640x8xf32>
    %sub3A_215 = arith.subf %get3A_210, %sub3A_214 : vector<640x8xf32>
    %get3A_216 = arith.constant 0 : index
    %get3A_217 = arith.constant 0 : index
    %get3A_218 = vector.load %arg8[%get3A_216, %get3A_217] : memref<1x8xf32, #tpu.memory_space<vmem>>, vector<1x8xf32>
    %neg3A_219 = arith.constant 0.000000e+00 : f32
    %neg3A_220 = vector.broadcast %neg3A_219 : f32 to vector<1x8xf32>
    %neg3A_221 = arith.subf %neg3A_220, %get3A_218 : vector<1x8xf32>
    %mul3A_222 = vector.broadcast %neg3A_221 : vector<1x8xf32> to vector<640x8xf32>
    %mul3A_223 = arith.mulf %mul3A_222, %sub3A_215 : vector<640x8xf32>
    %mul3A_224 = arith.mulf %mul3A_223, %sub3A_215 : vector<640x8xf32>
    %exp3A_225 = math.exp %mul3A_224 : vector<640x8xf32>
    %get3A_226 = arith.constant 2560 : index
    %get3A_227 = arith.constant 0 : index
    %get3A_228 = vector.load %arg2[%get3A_226, %get3A_227] : memref<6400x16xf32, #tpu.memory_space<vmem>>, vector<640x16xf32>
    %get3A_229 = arith.constant 0 : index
    %get3A_230 = arith.constant 0 : index
    %get3A_231 = vector.load %arg4[%get3A_229, %get3A_230] : memref<16x256xf32, #tpu.memory_space<vmem>>, vector<16x256xf32>
    %dot_general3A_232 = arith.constant dense<0.000000e+00> : vector<640x256xf32>
    %dot_general3A_233 = tpu.matmul %get3A_228, %get3A_231, %dot_general3A_232 {dimension_numbers = #tpu.dot_dimension_numbers<[1], [0], [0], [1], [0, 0, 1, 1], [], []>, transpose_lhs_hint = false} : vector<640x16xf32>, vector<16x256xf32>, vector<640x256xf32> -> vector<640x256xf32>
    %get3A_234 = arith.constant 0 : index
    %get3A_235 = arith.constant 0 : index
    %get3A_236 = vector.load %arg5[%get3A_234, %get3A_235] : memref<8x256xf32, #tpu.memory_space<vmem>>, vector<8x256xf32>
    %dot_general3A_237 = arith.constant dense<0.000000e+00> : vector<640x256xf32>
    %dot_general3A_238 = tpu.matmul %exp3A_225, %get3A_236, %dot_general3A_237 {dimension_numbers = #tpu.dot_dimension_numbers<[1], [0], [0], [1], [0, 0, 1, 1], [], []>, transpose_lhs_hint = false} : vector<640x8xf32>, vector<8x256xf32>, vector<640x256xf32> -> vector<640x256xf32>
    %add3A_239 = arith.addf %dot_general3A_233, %dot_general3A_238 : vector<640x256xf32>
    %get3A_240 = arith.constant 0 : index
    %get3A_241 = arith.constant 0 : index
    %get3A_242 = vector.load %arg6[%get3A_240, %get3A_241] : memref<1x256xf32, #tpu.memory_space<vmem>>, vector<1x256xf32>
    %add3A_243 = vector.broadcast %get3A_242 : vector<1x256xf32> to vector<640x256xf32>
    %add3A_244 = arith.addf %add3A_239, %add3A_243 : vector<640x256xf32>
    %get3A_245 = arith.constant 2560 : index
    %get3A_246 = arith.constant 0 : index
    %get3A_247 = vector.load %arg1[%get3A_245, %get3A_246] : memref<6400x16xf32, #tpu.memory_space<vmem>>, vector<640x16xf32>
    %get3A_248 = arith.constant 0 : index
    %get3A_249 = arith.constant 0 : index
    %get3A_250 = vector.load %arg9[%get3A_248, %get3A_249] : memref<16x256xf32, #tpu.memory_space<vmem>>, vector<16x256xf32>
    %dot_general3A_251 = arith.constant dense<0.000000e+00> : vector<640x256xf32>
    %dot_general3A_252 = tpu.matmul %get3A_247, %get3A_250, %dot_general3A_251 {dimension_numbers = #tpu.dot_dimension_numbers<[1], [0], [0], [1], [0, 0, 1, 1], [], []>, transpose_lhs_hint = false} : vector<640x16xf32>, vector<16x256xf32>, vector<640x256xf32> -> vector<640x256xf32>
    %mul3A_253 = arith.mulf %add3A_244, %dot_general3A_252 : vector<640x256xf32>
    %get3A_254 = arith.constant 0 : index
    %get3A_255 = arith.constant 0 : index
    %get3A_256 = vector.load %arg10[%get3A_254, %get3A_255] : memref<256x16xf32, #tpu.memory_space<vmem>>, vector<256x16xf32>
    %dot_general3A_257 = arith.constant dense<0.000000e+00> : vector<640x16xf32>
    %dot_general3A_258 = tpu.matmul %mul3A_253, %get3A_256, %dot_general3A_257 {dimension_numbers = #tpu.dot_dimension_numbers<[1], [0], [0], [1], [0, 0, 1, 1], [], []>, transpose_lhs_hint = false} : vector<640x256xf32>, vector<256x16xf32>, vector<640x16xf32> -> vector<640x16xf32>
    %swap3A_259 = arith.constant 2560 : index
    %swap3A_260 = arith.constant 0 : index
    %swap3A_261 = vector.load %arg11[%swap3A_259, %swap3A_260] : memref<6400x16xf32, #tpu.memory_space<vmem>>, vector<640x16xf32>
    tpu.vector_store %arg11[%swap3A_259, %swap3A_260], %dot_general3A_258 {strides = array<i32>} : memref<6400x16xf32, #tpu.memory_space<vmem>>, vector<640x16xf32>,
    %get3A_262 = arith.constant 3200 : index
    %get3A_263 = arith.constant 0 : index
    %get3A_264 = vector.load %arg3[%get3A_262, %get3A_263] : memref<6400x8xf32, #tpu.memory_space<vmem>>, vector<640x8xf32>
    %get3A_265 = arith.constant 0 : index
    %get3A_266 = arith.constant 0 : index
    %get3A_267 = vector.load %arg7[%get3A_265, %get3A_266] : memref<1x8xf32, #tpu.memory_space<vmem>>, vector<1x8xf32>
    %sub3A_268 = vector.broadcast %get3A_267 : vector<1x8xf32> to vector<640x8xf32>
    %sub3A_269 = arith.subf %get3A_264, %sub3A_268 : vector<640x8xf32>
    %get3A_270 = arith.constant 0 : index
    %get3A_271 = arith.constant 0 : index
    %get3A_272 = vector.load %arg8[%get3A_270, %get3A_271] : memref<1x8xf32, #tpu.memory_space<vmem>>, vector<1x8xf32>
    %neg3A_273 = arith.constant 0.000000e+00 : f32
    %neg3A_274 = vector.broadcast %neg3A_273 : f32 to vector<1x8xf32>
    %neg3A_275 = arith.subf %neg3A_274, %get3A_272 : vector<1x8xf32>
    %mul3A_276 = vector.broadcast %neg3A_275 : vector<1x8xf32> to vector<640x8xf32>
    %mul3A_277 = arith.mulf %mul3A_276, %sub3A_269 : vector<640x8xf32>
    %mul3A_278 = arith.mulf %mul3A_277, %sub3A_269 : vector<640x8xf32>
    %exp3A_279 = math.exp %mul3A_278 : vector<640x8xf32>
    %get3A_280 = arith.constant 3200 : index
    %get3A_281 = arith.constant 0 : index
    %get3A_282 = vector.load %arg2[%get3A_280, %get3A_281] : memref<6400x16xf32, #tpu.memory_space<vmem>>, vector<640x16xf32>
    %get3A_283 = arith.constant 0 : index
    %get3A_284 = arith.constant 0 : index
    %get3A_285 = vector.load %arg4[%get3A_283, %get3A_284] : memref<16x256xf32, #tpu.memory_space<vmem>>, vector<16x256xf32>
    %dot_general3A_286 = arith.constant dense<0.000000e+00> : vector<640x256xf32>
    %dot_general3A_287 = tpu.matmul %get3A_282, %get3A_285, %dot_general3A_286 {dimension_numbers = #tpu.dot_dimension_numbers<[1], [0], [0], [1], [0, 0, 1, 1], [], []>, transpose_lhs_hint = false} : vector<640x16xf32>, vector<16x256xf32>, vector<640x256xf32> -> vector<640x256xf32>
    %get3A_288 = arith.constant 0 : index
    %get3A_289 = arith.constant 0 : index
    %get3A_290 = vector.load %arg5[%get3A_288, %get3A_289] : memref<8x256xf32, #tpu.memory_space<vmem>>, vector<8x256xf32>
    %dot_general3A_291 = arith.constant dense<0.000000e+00> : vector<640x256xf32>
    %dot_general3A_292 = tpu.matmul %exp3A_279, %get3A_290, %dot_general3A_291 {dimension_numbers = #tpu.dot_dimension_numbers<[1], [0], [0], [1], [0, 0, 1, 1], [], []>, transpose_lhs_hint = false} : vector<640x8xf32>, vector<8x256xf32>, vector<640x256xf32> -> vector<640x256xf32>
    %add3A_293 = arith.addf %dot_general3A_287, %dot_general3A_292 : vector<640x256xf32>
    %get3A_294 = arith.constant 0 : index
    %get3A_295 = arith.constant 0 : index
    %get3A_296 = vector.load %arg6[%get3A_294, %get3A_295] : memref<1x256xf32, #tpu.memory_space<vmem>>, vector<1x256xf32>
    %add3A_297 = vector.broadcast %get3A_296 : vector<1x256xf32> to vector<640x256xf32>
    %add3A_298 = arith.addf %add3A_293, %add3A_297 : vector<640x256xf32>
    %get3A_299 = arith.constant 3200 : index
    %get3A_300 = arith.constant 0 : index
    %get3A_301 = vector.load %arg1[%get3A_299, %get3A_300] : memref<6400x16xf32, #tpu.memory_space<vmem>>, vector<640x16xf32>
    %get3A_302 = arith.constant 0 : index
    %get3A_303 = arith.constant 0 : index
    %get3A_304 = vector.load %arg9[%get3A_302, %get3A_303] : memref<16x256xf32, #tpu.memory_space<vmem>>, vector<16x256xf32>
    %dot_general3A_305 = arith.constant dense<0.000000e+00> : vector<640x256xf32>
    %dot_general3A_306 = tpu.matmul %get3A_301, %get3A_304, %dot_general3A_305 {dimension_numbers = #tpu.dot_dimension_numbers<[1], [0], [0], [1], [0, 0, 1, 1], [], []>, transpose_lhs_hint = false} : vector<640x16xf32>, vector<16x256xf32>, vector<640x256xf32> -> vector<640x256xf32>
    %mul3A_307 = arith.mulf %add3A_298, %dot_general3A_306 : vector<640x256xf32>
    %get3A_308 = arith.constant 0 : index
    %get3A_309 = arith.constant 0 : index
    %get3A_310 = vector.load %arg10[%get3A_308, %get3A_309] : memref<256x16xf32, #tpu.memory_space<vmem>>, vector<256x16xf32>
    %dot_general3A_311 = arith.constant dense<0.000000e+00> : vector<640x16xf32>
    %dot_general3A_312 = tpu.matmul %mul3A_307, %get3A_310, %dot_general3A_311 {dimension_numbers = #tpu.dot_dimension_numbers<[1], [0], [0], [1], [0, 0, 1, 1], [], []>, transpose_lhs_hint = false} : vector<640x256xf32>, vector<256x16xf32>, vector<640x16xf32> -> vector<640x16xf32>
    %swap3A_313 = arith.constant 3200 : index
    %swap3A_314 = arith.constant 0 : index
    %swap3A_315 = vector.load %arg11[%swap3A_313, %swap3A_314] : memref<6400x16xf32, #tpu.memory_space<vmem>>, vector<640x16xf32>
    tpu.vector_store %arg11[%swap3A_313, %swap3A_314], %dot_general3A_312 {strides = array<i32>} : memref<6400x16xf32, #tpu.memory_space<vmem>>, vector<640x16xf32>,
    %get3A_316 = arith.constant 3840 : index
    %get3A_317 = arith.constant 0 : index
    %get3A_318 = vector.load %arg3[%get3A_316, %get3A_317] : memref<6400x8xf32, #tpu.memory_space<vmem>>, vector<640x8xf32>
    %get3A_319 = arith.constant 0 : index
    %get3A_320 = arith.constant 0 : index
    %get3A_321 = vector.load %arg7[%get3A_319, %get3A_320] : memref<1x8xf32, #tpu.memory_space<vmem>>, vector<1x8xf32>
    %sub3A_322 = vector.broadcast %get3A_321 : vector<1x8xf32> to vector<640x8xf32>
    %sub3A_323 = arith.subf %get3A_318, %sub3A_322 : vector<640x8xf32>
    %get3A_324 = arith.constant 0 : index
    %get3A_325 = arith.constant 0 : index
    %get3A_326 = vector.load %arg8[%get3A_324, %get3A_325] : memref<1x8xf32, #tpu.memory_space<vmem>>, vector<1x8xf32>
    %neg3A_327 = arith.constant 0.000000e+00 : f32
    %neg3A_328 = vector.broadcast %neg3A_327 : f32 to vector<1x8xf32>
    %neg3A_329 = arith.subf %neg3A_328, %get3A_326 : vector<1x8xf32>
    %mul3A_330 = vector.broadcast %neg3A_329 : vector<1x8xf32> to vector<640x8xf32>
    %mul3A_331 = arith.mulf %mul3A_330, %sub3A_323 : vector<640x8xf32>
    %mul3A_332 = arith.mulf %mul3A_331, %sub3A_323 : vector<640x8xf32>
    %exp3A_333 = math.exp %mul3A_332 : vector<640x8xf32>
    %get3A_334 = arith.constant 3840 : index
    %get3A_335 = arith.constant 0 : index
    %get3A_336 = vector.load %arg2[%get3A_334, %get3A_335] : memref<6400x16xf32, #tpu.memory_space<vmem>>, vector<640x16xf32>
    %get3A_337 = arith.constant 0 : index
    %get3A_338 = arith.constant 0 : index
    %get3A_339 = vector.load %arg4[%get3A_337, %get3A_338] : memref<16x256xf32, #tpu.memory_space<vmem>>, vector<16x256xf32>
    %dot_general3A_340 = arith.constant dense<0.000000e+00> : vector<640x256xf32>
    %dot_general3A_341 = tpu.matmul %get3A_336, %get3A_339, %dot_general3A_340 {dimension_numbers = #tpu.dot_dimension_numbers<[1], [0], [0], [1], [0, 0, 1, 1], [], []>, transpose_lhs_hint = false} : vector<640x16xf32>, vector<16x256xf32>, vector<640x256xf32> -> vector<640x256xf32>
    %get3A_342 = arith.constant 0 : index
    %get3A_343 = arith.constant 0 : index
    %get3A_344 = vector.load %arg5[%get3A_342, %get3A_343] : memref<8x256xf32, #tpu.memory_space<vmem>>, vector<8x256xf32>
    %dot_general3A_345 = arith.constant dense<0.000000e+00> : vector<640x256xf32>
    %dot_general3A_346 = tpu.matmul %exp3A_333, %get3A_344, %dot_general3A_345 {dimension_numbers = #tpu.dot_dimension_numbers<[1], [0], [0], [1], [0, 0, 1, 1], [], []>, transpose_lhs_hint = false} : vector<640x8xf32>, vector<8x256xf32>, vector<640x256xf32> -> vector<640x256xf32>
    %add3A_347 = arith.addf %dot_general3A_341, %dot_general3A_346 : vector<640x256xf32>
    %get3A_348 = arith.constant 0 : index
    %get3A_349 = arith.constant 0 : index
    %get3A_350 = vector.load %arg6[%get3A_348, %get3A_349] : memref<1x256xf32, #tpu.memory_space<vmem>>, vector<1x256xf32>
    %add3A_351 = vector.broadcast %get3A_350 : vector<1x256xf32> to vector<640x256xf32>
    %add3A_352 = arith.addf %add3A_347, %add3A_351 : vector<640x256xf32>
    %get3A_353 = arith.constant 3840 : index
    %get3A_354 = arith.constant 0 : index
    %get3A_355 = vector.load %arg1[%get3A_353, %get3A_354] : memref<6400x16xf32, #tpu.memory_space<vmem>>, vector<640x16xf32>
    %get3A_356 = arith.constant 0 : index
    %get3A_357 = arith.constant 0 : index
    %get3A_358 = vector.load %arg9[%get3A_356, %get3A_357] : memref<16x256xf32, #tpu.memory_space<vmem>>, vector<16x256xf32>
    %dot_general3A_359 = arith.constant dense<0.000000e+00> : vector<640x256xf32>
    %dot_general3A_360 = tpu.matmul %get3A_355, %get3A_358, %dot_general3A_359 {dimension_numbers = #tpu.dot_dimension_numbers<[1], [0], [0], [1], [0, 0, 1, 1], [], []>, transpose_lhs_hint = false} : vector<640x16xf32>, vector<16x256xf32>, vector<640x256xf32> -> vector<640x256xf32>
    %mul3A_361 = arith.mulf %add3A_352, %dot_general3A_360 : vector<640x256xf32>
    %get3A_362 = arith.constant 0 : index
    %get3A_363 = arith.constant 0 : index
    %get3A_364 = vector.load %arg10[%get3A_362, %get3A_363] : memref<256x16xf32, #tpu.memory_space<vmem>>, vector<256x16xf32>
    %dot_general3A_365 = arith.constant dense<0.000000e+00> : vector<640x16xf32>
    %dot_general3A_366 = tpu.matmul %mul3A_361, %get3A_364, %dot_general3A_365 {dimension_numbers = #tpu.dot_dimension_numbers<[1], [0], [0], [1], [0, 0, 1, 1], [], []>, transpose_lhs_hint = false} : vector<640x256xf32>, vector<256x16xf32>, vector<640x16xf32> -> vector<640x16xf32>
    %swap3A_367 = arith.constant 3840 : index
    %swap3A_368 = arith.constant 0 : index
    %swap3A_369 = vector.load %arg11[%swap3A_367, %swap3A_368] : memref<6400x16xf32, #tpu.memory_space<vmem>>, vector<640x16xf32>
    tpu.vector_store %arg11[%swap3A_367, %swap3A_368], %dot_general3A_366 {strides = array<i32>} : memref<6400x16xf32, #tpu.memory_space<vmem>>, vector<640x16xf32>,
    %get3A_370 = arith.constant 4480 : index
    %get3A_371 = arith.constant 0 : index
    %get3A_372 = vector.load %arg3[%get3A_370, %get3A_371] : memref<6400x8xf32, #tpu.memory_space<vmem>>, vector<640x8xf32>
    %get3A_373 = arith.constant 0 : index
    %get3A_374 = arith.constant 0 : index
    %get3A_375 = vector.load %arg7[%get3A_373, %get3A_374] : memref<1x8xf32, #tpu.memory_space<vmem>>, vector<1x8xf32>
    %sub3A_376 = vector.broadcast %get3A_375 : vector<1x8xf32> to vector<640x8xf32>
    %sub3A_377 = arith.subf %get3A_372, %sub3A_376 : vector<640x8xf32>
    %get3A_378 = arith.constant 0 : index
    %get3A_379 = arith.constant 0 : index
    %get3A_380 = vector.load %arg8[%get3A_378, %get3A_379] : memref<1x8xf32, #tpu.memory_space<vmem>>, vector<1x8xf32>
    %neg3A_381 = arith.constant 0.000000e+00 : f32
    %neg3A_382 = vector.broadcast %neg3A_381 : f32 to vector<1x8xf32>
    %neg3A_383 = arith.subf %neg3A_382, %get3A_380 : vector<1x8xf32>
    %mul3A_384 = vector.broadcast %neg3A_383 : vector<1x8xf32> to vector<640x8xf32>
    %mul3A_385 = arith.mulf %mul3A_384, %sub3A_377 : vector<640x8xf32>
    %mul3A_386 = arith.mulf %mul3A_385, %sub3A_377 : vector<640x8xf32>
    %exp3A_387 = math.exp %mul3A_386 : vector<640x8xf32>
    %get3A_388 = arith.constant 4480 : index
    %get3A_389 = arith.constant 0 : index
    %get3A_390 = vector.load %arg2[%get3A_388, %get3A_389] : memref<6400x16xf32, #tpu.memory_space<vmem>>, vector<640x16xf32>
    %get3A_391 = arith.constant 0 : index
    %get3A_392 = arith.constant 0 : index
    %get3A_393 = vector.load %arg4[%get3A_391, %get3A_392] : memref<16x256xf32, #tpu.memory_space<vmem>>, vector<16x256xf32>
    %dot_general3A_394 = arith.constant dense<0.000000e+00> : vector<640x256xf32>
    %dot_general3A_395 = tpu.matmul %get3A_390, %get3A_393, %dot_general3A_394 {dimension_numbers = #tpu.dot_dimension_numbers<[1], [0], [0], [1], [0, 0, 1, 1], [], []>, transpose_lhs_hint = false} : vector<640x16xf32>, vector<16x256xf32>, vector<640x256xf32> -> vector<640x256xf32>
    %get3A_396 = arith.constant 0 : index
    %get3A_397 = arith.constant 0 : index
    %get3A_398 = vector.load %arg5[%get3A_396, %get3A_397] : memref<8x256xf32, #tpu.memory_space<vmem>>, vector<8x256xf32>
    %dot_general3A_399 = arith.constant dense<0.000000e+00> : vector<640x256xf32>
    %dot_general3A_400 = tpu.matmul %exp3A_387, %get3A_398, %dot_general3A_399 {dimension_numbers = #tpu.dot_dimension_numbers<[1], [0], [0], [1], [0, 0, 1, 1], [], []>, transpose_lhs_hint = false} : vector<640x8xf32>, vector<8x256xf32>, vector<640x256xf32> -> vector<640x256xf32>
    %add3A_401 = arith.addf %dot_general3A_395, %dot_general3A_400 : vector<640x256xf32>
    %get3A_402 = arith.constant 0 : index
    %get3A_403 = arith.constant 0 : index
    %get3A_404 = vector.load %arg6[%get3A_402, %get3A_403] : memref<1x256xf32, #tpu.memory_space<vmem>>, vector<1x256xf32>
    %add3A_405 = vector.broadcast %get3A_404 : vector<1x256xf32> to vector<640x256xf32>
    %add3A_406 = arith.addf %add3A_401, %add3A_405 : vector<640x256xf32>
    %get3A_407 = arith.constant 4480 : index
    %get3A_408 = arith.constant 0 : index
    %get3A_409 = vector.load %arg1[%get3A_407, %get3A_408] : memref<6400x16xf32, #tpu.memory_space<vmem>>, vector<640x16xf32>
    %get3A_410 = arith.constant 0 : index
    %get3A_411 = arith.constant 0 : index
    %get3A_412 = vector.load %arg9[%get3A_410, %get3A_411] : memref<16x256xf32, #tpu.memory_space<vmem>>, vector<16x256xf32>
    %dot_general3A_413 = arith.constant dense<0.000000e+00> : vector<640x256xf32>
    %dot_general3A_414 = tpu.matmul %get3A_409, %get3A_412, %dot_general3A_413 {dimension_numbers = #tpu.dot_dimension_numbers<[1], [0], [0], [1], [0, 0, 1, 1], [], []>, transpose_lhs_hint = false} : vector<640x16xf32>, vector<16x256xf32>, vector<640x256xf32> -> vector<640x256xf32>
    %mul3A_415 = arith.mulf %add3A_406, %dot_general3A_414 : vector<640x256xf32>
    %get3A_416 = arith.constant 0 : index
    %get3A_417 = arith.constant 0 : index
    %get3A_418 = vector.load %arg10[%get3A_416, %get3A_417] : memref<256x16xf32, #tpu.memory_space<vmem>>, vector<256x16xf32>
    %dot_general3A_419 = arith.constant dense<0.000000e+00> : vector<640x16xf32>
    %dot_general3A_420 = tpu.matmul %mul3A_415, %get3A_418, %dot_general3A_419 {dimension_numbers = #tpu.dot_dimension_numbers<[1], [0], [0], [1], [0, 0, 1, 1], [], []>, transpose_lhs_hint = false} : vector<640x256xf32>, vector<256x16xf32>, vector<640x16xf32> -> vector<640x16xf32>
    %swap3A_421 = arith.constant 4480 : index
    %swap3A_422 = arith.constant 0 : index
    %swap3A_423 = vector.load %arg11[%swap3A_421, %swap3A_422] : memref<6400x16xf32, #tpu.memory_space<vmem>>, vector<640x16xf32>
    tpu.vector_store %arg11[%swap3A_421, %swap3A_422], %dot_general3A_420 {strides = array<i32>} : memref<6400x16xf32, #tpu.memory_space<vmem>>, vector<640x16xf32>,
    %get3A_424 = arith.constant 5120 : index
    %get3A_425 = arith.constant 0 : index
    %get3A_426 = vector.load %arg3[%get3A_424, %get3A_425] : memref<6400x8xf32, #tpu.memory_space<vmem>>, vector<640x8xf32>
    %get3A_427 = arith.constant 0 : index
    %get3A_428 = arith.constant 0 : index
    %get3A_429 = vector.load %arg7[%get3A_427, %get3A_428] : memref<1x8xf32, #tpu.memory_space<vmem>>, vector<1x8xf32>
    %sub3A_430 = vector.broadcast %get3A_429 : vector<1x8xf32> to vector<640x8xf32>
    %sub3A_431 = arith.subf %get3A_426, %sub3A_430 : vector<640x8xf32>
    %get3A_432 = arith.constant 0 : index
    %get3A_433 = arith.constant 0 : index
    %get3A_434 = vector.load %arg8[%get3A_432, %get3A_433] : memref<1x8xf32, #tpu.memory_space<vmem>>, vector<1x8xf32>
    %neg3A_435 = arith.constant 0.000000e+00 : f32
    %neg3A_436 = vector.broadcast %neg3A_435 : f32 to vector<1x8xf32>
    %neg3A_437 = arith.subf %neg3A_436, %get3A_434 : vector<1x8xf32>
    %mul3A_438 = vector.broadcast %neg3A_437 : vector<1x8xf32> to vector<640x8xf32>
    %mul3A_439 = arith.mulf %mul3A_438, %sub3A_431 : vector<640x8xf32>
    %mul3A_440 = arith.mulf %mul3A_439, %sub3A_431 : vector<640x8xf32>
    %exp3A_441 = math.exp %mul3A_440 : vector<640x8xf32>
    %get3A_442 = arith.constant 5120 : index
    %get3A_443 = arith.constant 0 : index
    %get3A_444 = vector.load %arg2[%get3A_442, %get3A_443] : memref<6400x16xf32, #tpu.memory_space<vmem>>, vector<640x16xf32>
    %get3A_445 = arith.constant 0 : index
    %get3A_446 = arith.constant 0 : index
    %get3A_447 = vector.load %arg4[%get3A_445, %get3A_446] : memref<16x256xf32, #tpu.memory_space<vmem>>, vector<16x256xf32>
    %dot_general3A_448 = arith.constant dense<0.000000e+00> : vector<640x256xf32>
    %dot_general3A_449 = tpu.matmul %get3A_444, %get3A_447, %dot_general3A_448 {dimension_numbers = #tpu.dot_dimension_numbers<[1], [0], [0], [1], [0, 0, 1, 1], [], []>, transpose_lhs_hint = false} : vector<640x16xf32>, vector<16x256xf32>, vector<640x256xf32> -> vector<640x256xf32>
    %get3A_450 = arith.constant 0 : index
    %get3A_451 = arith.constant 0 : index
    %get3A_452 = vector.load %arg5[%get3A_450, %get3A_451] : memref<8x256xf32, #tpu.memory_space<vmem>>, vector<8x256xf32>
    %dot_general3A_453 = arith.constant dense<0.000000e+00> : vector<640x256xf32>
    %dot_general3A_454 = tpu.matmul %exp3A_441, %get3A_452, %dot_general3A_453 {dimension_numbers = #tpu.dot_dimension_numbers<[1], [0], [0], [1], [0, 0, 1, 1], [], []>, transpose_lhs_hint = false} : vector<640x8xf32>, vector<8x256xf32>, vector<640x256xf32> -> vector<640x256xf32>
    %add3A_455 = arith.addf %dot_general3A_449, %dot_general3A_454 : vector<640x256xf32>
    %get3A_456 = arith.constant 0 : index
    %get3A_457 = arith.constant 0 : index
    %get3A_458 = vector.load %arg6[%get3A_456, %get3A_457] : memref<1x256xf32, #tpu.memory_space<vmem>>, vector<1x256xf32>
    %add3A_459 = vector.broadcast %get3A_458 : vector<1x256xf32> to vector<640x256xf32>
    %add3A_460 = arith.addf %add3A_455, %add3A_459 : vector<640x256xf32>
    %get3A_461 = arith.constant 5120 : index
    %get3A_462 = arith.constant 0 : index
    %get3A_463 = vector.load %arg1[%get3A_461, %get3A_462] : memref<6400x16xf32, #tpu.memory_space<vmem>>, vector<640x16xf32>
    %get3A_464 = arith.constant 0 : index
    %get3A_465 = arith.constant 0 : index
    %get3A_466 = vector.load %arg9[%get3A_464, %get3A_465] : memref<16x256xf32, #tpu.memory_space<vmem>>, vector<16x256xf32>
    %dot_general3A_467 = arith.constant dense<0.000000e+00> : vector<640x256xf32>
    %dot_general3A_468 = tpu.matmul %get3A_463, %get3A_466, %dot_general3A_467 {dimension_numbers = #tpu.dot_dimension_numbers<[1], [0], [0], [1], [0, 0, 1, 1], [], []>, transpose_lhs_hint = false} : vector<640x16xf32>, vector<16x256xf32>, vector<640x256xf32> -> vector<640x256xf32>
    %mul3A_469 = arith.mulf %add3A_460, %dot_general3A_468 : vector<640x256xf32>
    %get3A_470 = arith.constant 0 : index
    %get3A_471 = arith.constant 0 : index
    %get3A_472 = vector.load %arg10[%get3A_470, %get3A_471] : memref<256x16xf32, #tpu.memory_space<vmem>>, vector<256x16xf32>
    %dot_general3A_473 = arith.constant dense<0.000000e+00> : vector<640x16xf32>
    %dot_general3A_474 = tpu.matmul %mul3A_469, %get3A_472, %dot_general3A_473 {dimension_numbers = #tpu.dot_dimension_numbers<[1], [0], [0], [1], [0, 0, 1, 1], [], []>, transpose_lhs_hint = false} : vector<640x256xf32>, vector<256x16xf32>, vector<640x16xf32> -> vector<640x16xf32>
    %swap3A_475 = arith.constant 5120 : index
    %swap3A_476 = arith.constant 0 : index
    %swap3A_477 = vector.load %arg11[%swap3A_475, %swap3A_476] : memref<6400x16xf32, #tpu.memory_space<vmem>>, vector<640x16xf32>
    tpu.vector_store %arg11[%swap3A_475, %swap3A_476], %dot_general3A_474 {strides = array<i32>} : memref<6400x16xf32, #tpu.memory_space<vmem>>, vector<640x16xf32>,
    %get3A_478 = arith.constant 5760 : index
    %get3A_479 = arith.constant 0 : index
    %get3A_480 = vector.load %arg3[%get3A_478, %get3A_479] : memref<6400x8xf32, #tpu.memory_space<vmem>>, vector<640x8xf32>
    %get3A_481 = arith.constant 0 : index
    %get3A_482 = arith.constant 0 : index
    %get3A_483 = vector.load %arg7[%get3A_481, %get3A_482] : memref<1x8xf32, #tpu.memory_space<vmem>>, vector<1x8xf32>
    %sub3A_484 = vector.broadcast %get3A_483 : vector<1x8xf32> to vector<640x8xf32>
    %sub3A_485 = arith.subf %get3A_480, %sub3A_484 : vector<640x8xf32>
    %get3A_486 = arith.constant 0 : index
    %get3A_487 = arith.constant 0 : index
    %get3A_488 = vector.load %arg8[%get3A_486, %get3A_487] : memref<1x8xf32, #tpu.memory_space<vmem>>, vector<1x8xf32>
    %neg3A_489 = arith.constant 0.000000e+00 : f32
    %neg3A_490 = vector.broadcast %neg3A_489 : f32 to vector<1x8xf32>
    %neg3A_491 = arith.subf %neg3A_490, %get3A_488 : vector<1x8xf32>
    %mul3A_492 = vector.broadcast %neg3A_491 : vector<1x8xf32> to vector<640x8xf32>
    %mul3A_493 = arith.mulf %mul3A_492, %sub3A_485 : vector<640x8xf32>
    %mul3A_494 = arith.mulf %mul3A_493, %sub3A_485 : vector<640x8xf32>
    %exp3A_495 = math.exp %mul3A_494 : vector<640x8xf32>
    %get3A_496 = arith.constant 5760 : index
    %get3A_497 = arith.constant 0 : index
    %get3A_498 = vector.load %arg2[%get3A_496, %get3A_497] : memref<6400x16xf32, #tpu.memory_space<vmem>>, vector<640x16xf32>
    %get3A_499 = arith.constant 0 : index
    %get3A_500 = arith.constant 0 : index
    %get3A_501 = vector.load %arg4[%get3A_499, %get3A_500] : memref<16x256xf32, #tpu.memory_space<vmem>>, vector<16x256xf32>
    %dot_general3A_502 = arith.constant dense<0.000000e+00> : vector<640x256xf32>
    %dot_general3A_503 = tpu.matmul %get3A_498, %get3A_501, %dot_general3A_502 {dimension_numbers = #tpu.dot_dimension_numbers<[1], [0], [0], [1], [0, 0, 1, 1], [], []>, transpose_lhs_hint = false} : vector<640x16xf32>, vector<16x256xf32>, vector<640x256xf32> -> vector<640x256xf32>
    %get3A_504 = arith.constant 0 : index
    %get3A_505 = arith.constant 0 : index
    %get3A_506 = vector.load %arg5[%get3A_504, %get3A_505] : memref<8x256xf32, #tpu.memory_space<vmem>>, vector<8x256xf32>
    %dot_general3A_507 = arith.constant dense<0.000000e+00> : vector<640x256xf32>
    %dot_general3A_508 = tpu.matmul %exp3A_495, %get3A_506, %dot_general3A_507 {dimension_numbers = #tpu.dot_dimension_numbers<[1], [0], [0], [1], [0, 0, 1, 1], [], []>, transpose_lhs_hint = false} : vector<640x8xf32>, vector<8x256xf32>, vector<640x256xf32> -> vector<640x256xf32>
    %add3A_509 = arith.addf %dot_general3A_503, %dot_general3A_508 : vector<640x256xf32>
    %get3A_510 = arith.constant 0 : index
    %get3A_511 = arith.constant 0 : index
    %get3A_512 = vector.load %arg6[%get3A_510, %get3A_511] : memref<1x256xf32, #tpu.memory_space<vmem>>, vector<1x256xf32>
    %add3A_513 = vector.broadcast %get3A_512 : vector<1x256xf32> to vector<640x256xf32>
    %add3A_514 = arith.addf %add3A_509, %add3A_513 : vector<640x256xf32>
    %get3A_515 = arith.constant 5760 : index
    %get3A_516 = arith.constant 0 : index
    %get3A_517 = vector.load %arg1[%get3A_515, %get3A_516] : memref<6400x16xf32, #tpu.memory_space<vmem>>, vector<640x16xf32>
    %get3A_518 = arith.constant 0 : index
    %get3A_519 = arith.constant 0 : index
    %get3A_520 = vector.load %arg9[%get3A_518, %get3A_519] : memref<16x256xf32, #tpu.memory_space<vmem>>, vector<16x256xf32>
    %dot_general3A_521 = arith.constant dense<0.000000e+00> : vector<640x256xf32>
    %dot_general3A_522 = tpu.matmul %get3A_517, %get3A_520, %dot_general3A_521 {dimension_numbers = #tpu.dot_dimension_numbers<[1], [0], [0], [1], [0, 0, 1, 1], [], []>, transpose_lhs_hint = false} : vector<640x16xf32>, vector<16x256xf32>, vector<640x256xf32> -> vector<640x256xf32>
    %mul3A_523 = arith.mulf %add3A_514, %dot_general3A_522 : vector<640x256xf32>
    %get3A_524 = arith.constant 0 : index
    %get3A_525 = arith.constant 0 : index
    %get3A_526 = vector.load %arg10[%get3A_524, %get3A_525] : memref<256x16xf32, #tpu.memory_space<vmem>>, vector<256x16xf32>
    %dot_general3A_527 = arith.constant dense<0.000000e+00> : vector<640x16xf32>
    %dot_general3A_528 = tpu.matmul %mul3A_523, %get3A_526, %dot_general3A_527 {dimension_numbers = #tpu.dot_dimension_numbers<[1], [0], [0], [1], [0, 0, 1, 1], [], []>, transpose_lhs_hint = false} : vector<640x256xf32>, vector<256x16xf32>, vector<640x16xf32> -> vector<640x16xf32>
    %swap3A_529 = arith.constant 5760 : index
    %swap3A_530 = arith.constant 0 : index
    %swap3A_531 = vector.load %arg11[%swap3A_529, %swap3A_530] : memref<6400x16xf32, #tpu.memory_space<vmem>>, vector<640x16xf32>
    tpu.vector_store %arg11[%swap3A_529, %swap3A_530], %dot_general3A_528 {strides = array<i32>} : memref<6400x16xf32, #tpu.memory_space<vmem>>, vector<640x16xf32>,
    return
  }
  func.func @transform_0(%arg0: i32) -> (i32, i32) {
    %c0_i32 = arith.constant 0 : i32
    %c0_i32_0 = arith.constant 0 : i32
    return %arg0, %c0_i32 : i32, i32
  }
  func.func @transform_1(%arg0: i32) -> (i32, i32) {
    %c0_i32 = arith.constant 0 : i32
    %c0_i32_0 = arith.constant 0 : i32
    return %arg0, %c0_i32 : i32, i32
  }
  func.func @transform_2(%arg0: i32) -> (i32, i32) {
    %c0_i32 = arith.constant 0 : i32
    %c0_i32_0 = arith.constant 0 : i32
    return %arg0, %c0_i32 : i32, i32
  }
  func.func @transform_3(%arg0: i32) -> (i32, i32) {
    %c0_i32 = arith.constant 0 : i32
    %c0_i32_0 = arith.constant 0 : i32
    %c0_i32_1 = arith.constant 0 : i32
    return %c0_i32, %c0_i32_0 : i32, i32
  }
  func.func @transform_4(%arg0: i32) -> (i32, i32) {
    %c0_i32 = arith.constant 0 : i32
    %c0_i32_0 = arith.constant 0 : i32
    %c0_i32_1 = arith.constant 0 : i32
    return %c0_i32, %c0_i32_0 : i32, i32
  }
  func.func @transform_5(%arg0: i32) -> (i32, i32) {
    %c0_i32 = arith.constant 0 : i32
    %c0_i32_0 = arith.constant 0 : i32
    %c0_i32_1 = arith.constant 0 : i32
    return %c0_i32, %c0_i32_0 : i32, i32
  }
  func.func @transform_6(%arg0: i32) -> (i32, i32) {
    %c0_i32 = arith.constant 0 : i32
    %c0_i32_0 = arith.constant 0 : i32
    %c0_i32_1 = arith.constant 0 : i32
    return %c0_i32, %c0_i32_0 : i32, i32
  }
  func.func @transform_7(%arg0: i32) -> (i32, i32) {
    %c0_i32 = arith.constant 0 : i32
    %c0_i32_0 = arith.constant 0 : i32
    %c0_i32_1 = arith.constant 0 : i32
    return %c0_i32, %c0_i32_0 : i32, i32
  }
  func.func @transform_8(%arg0: i32) -> (i32, i32) {
    %c0_i32 = arith.constant 0 : i32
    %c0_i32_0 = arith.constant 0 : i32
    %c0_i32_1 = arith.constant 0 : i32
    return %c0_i32, %c0_i32_0 : i32, i32
  }
  func.func @transform_9(%arg0: i32) -> (i32, i32) {
    %c0_i32 = arith.constant 0 : i32
    %c0_i32_0 = arith.constant 0 : i32
    %c0_i32_1 = arith.constant 0 : i32
    return %c0_i32, %c0_i32_0 : i32, i32
  }
  func.func @transform_10(%arg0: i32) -> (i32, i32) {
    %c0_i32 = arith.constant 0 : i32
    %c0_i32_0 = arith.constant 0 : i32
    return %arg0, %c0_i32 : i32, i32
  }
}

module attributes {stable_mosaic.version = 14 : i64} {
  func.func @_gru_body(%arg0: i32, %arg1: memref<2x10000x16xf32, #tpu.memory_space<vmem>>, %arg2: memref<10000x16xf32, #tpu.memory_space<vmem>>, %arg3: memref<1x16xf32, #tpu.memory_space<vmem>>, %arg4: memref<16x48xf32, #tpu.memory_space<vmem>>, %arg5: memref<16x48xf32, #tpu.memory_space<vmem>>, %arg6: memref<1x48xf32, #tpu.memory_space<vmem>>, %arg7: memref<1x48xf32, #tpu.memory_space<vmem>>, %arg8: memref<10000x16xf32, #tpu.memory_space<vmem>>) attributes {dimension_semantics = [#tpu.dimension_semantics<arbitrary>], iteration_bounds = array<i64: 1>, scalar_prefetch = 0 : i64, scratch_operands = 0 : i64, tpu.core_type = #tpu.core_type<tc>, window_params = [{pipeline_mode = #tpu.pipeline_mode<synchronous>, transform_indices = @transform_0, window_bounds = array<i64: 2, 10000, 16>}, {pipeline_mode = #tpu.pipeline_mode<synchronous>, transform_indices = @transform_1, window_bounds = array<i64: 10000, 16>}, {pipeline_mode = #tpu.pipeline_mode<synchronous>, transform_indices = @transform_2, window_bounds = array<i64: 1, 16>}, {pipeline_mode = #tpu.pipeline_mode<synchronous>, transform_indices = @transform_3, window_bounds = array<i64: 16, 48>}, {pipeline_mode = #tpu.pipeline_mode<synchronous>, transform_indices = @transform_4, window_bounds = array<i64: 16, 48>}, {pipeline_mode = #tpu.pipeline_mode<synchronous>, transform_indices = @transform_5, window_bounds = array<i64: 1, 48>}, {pipeline_mode = #tpu.pipeline_mode<synchronous>, transform_indices = @transform_6, window_bounds = array<i64: 1, 48>}, {pipeline_mode = #tpu.pipeline_mode<synchronous>, transform_indices = @transform_7, window_bounds = array<i64: 10000, 16>}]} {
    %get3A = arith.constant 0 : index
    %get3A_0 = arith.constant 0 : index
    %get3A_1 = arith.constant 0 : index
    %get3A_2 = vector.load %arg1[%get3A, %get3A_0, %get3A_1] : memref<2x10000x16xf32, #tpu.memory_space<vmem>>, vector<1x10000x16xf32>
    %get3A_3 = vector.shape_cast %get3A_2 : vector<1x10000x16xf32> to vector<10000x16xf32>
    %get3A_4 = arith.constant 1 : index
    %get3A_5 = arith.constant 0 : index
    %get3A_6 = arith.constant 0 : index
    %get3A_7 = vector.load %arg1[%get3A_4, %get3A_5, %get3A_6] : memref<2x10000x16xf32, #tpu.memory_space<vmem>>, vector<1x10000x16xf32>
    %get3A_8 = vector.shape_cast %get3A_7 : vector<1x10000x16xf32> to vector<10000x16xf32>
    %add3A = arith.addf %get3A_3, %get3A_8 : vector<10000x16xf32>
    %get3A_9 = arith.constant 0 : index
    %get3A_10 = arith.constant 0 : index
    %get3A_11 = vector.load %arg3[%get3A_9, %get3A_10] : memref<1x16xf32, #tpu.memory_space<vmem>>, vector<1x16xf32>
    %add3A_12 = vector.broadcast %get3A_11 : vector<1x16xf32> to vector<10000x16xf32>
    %add3A_13 = arith.addf %add3A, %add3A_12 : vector<10000x16xf32>
    %max3A = arith.constant 0.000000e+00 : f32
    %max3A_14 = vector.broadcast %max3A : f32 to vector<10000x16xf32>
    %max3A_15 = arith.maximumf %add3A_13, %max3A_14 : vector<10000x16xf32>
    %get3A_16 = arith.constant 0 : index
    %get3A_17 = arith.constant 0 : index
    %get3A_18 = vector.load %arg4[%get3A_16, %get3A_17] : memref<16x48xf32, #tpu.memory_space<vmem>>, vector<16x48xf32>
    %dot_general3A = arith.constant dense<0.000000e+00> : vector<10000x48xf32>
    %dot_general3A_19 = tpu.matmul %max3A_15, %get3A_18, %dot_general3A {dimension_numbers = #tpu.dot_dimension_numbers<[1], [0], [0], [1], [0, 0, 1, 1], [], []>, transpose_lhs_hint = false} : vector<10000x16xf32>, vector<16x48xf32>, vector<10000x48xf32> -> vector<10000x48xf32>
    %get3A_20 = arith.constant 0 : index
    %get3A_21 = arith.constant 0 : index
    %get3A_22 = vector.load %arg6[%get3A_20, %get3A_21] : memref<1x48xf32, #tpu.memory_space<vmem>>, vector<1x48xf32>
    %add3A_23 = vector.broadcast %get3A_22 : vector<1x48xf32> to vector<10000x48xf32>
    %add3A_24 = arith.addf %dot_general3A_19, %add3A_23 : vector<10000x48xf32>
    %get3A_25 = arith.constant 0 : index
    %get3A_26 = arith.constant 0 : index
    %get3A_27 = vector.load %arg2[%get3A_25, %get3A_26] : memref<10000x16xf32, #tpu.memory_space<vmem>>, vector<10000x16xf32>
    %get3A_28 = arith.constant 0 : index
    %get3A_29 = arith.constant 0 : index
    %get3A_30 = vector.load %arg5[%get3A_28, %get3A_29] : memref<16x48xf32, #tpu.memory_space<vmem>>, vector<16x48xf32>
    %dot_general3A_31 = arith.constant dense<0.000000e+00> : vector<10000x48xf32>
    %dot_general3A_32 = tpu.matmul %get3A_27, %get3A_30, %dot_general3A_31 {dimension_numbers = #tpu.dot_dimension_numbers<[1], [0], [0], [1], [0, 0, 1, 1], [], []>, transpose_lhs_hint = false} : vector<10000x16xf32>, vector<16x48xf32>, vector<10000x48xf32> -> vector<10000x48xf32>
    %get3A_33 = arith.constant 0 : index
    %get3A_34 = arith.constant 0 : index
    %get3A_35 = vector.load %arg7[%get3A_33, %get3A_34] : memref<1x48xf32, #tpu.memory_space<vmem>>, vector<1x48xf32>
    %add3A_36 = vector.broadcast %get3A_35 : vector<1x48xf32> to vector<10000x48xf32>
    %add3A_37 = arith.addf %dot_general3A_32, %add3A_36 : vector<10000x48xf32>
    %slice3A = vector.extract_strided_slice %add3A_24 {offsets = [0, 0], sizes = [10000, 16], strides = [1, 1]} : vector<10000x48xf32> to vector<10000x16xf32>
    %slice3A_38 = vector.extract_strided_slice %add3A_37 {offsets = [0, 0], sizes = [10000, 16], strides = [1, 1]} : vector<10000x48xf32> to vector<10000x16xf32>
    %add3A_39 = arith.addf %slice3A, %slice3A_38 : vector<10000x16xf32>
    %logistic3A = arith.negf %add3A_39 : vector<10000x16xf32>
    %logistic3A_40 = math.exp %logistic3A : vector<10000x16xf32>
    %logistic3A_41 = arith.constant 1.000000e+00 : f32
    %logistic3A_42 = vector.broadcast %logistic3A_41 : f32 to vector<10000x16xf32>
    %logistic3A_43 = arith.addf %logistic3A_42, %logistic3A_40 : vector<10000x16xf32>
    %logistic3A_44 = arith.divf %logistic3A_42, %logistic3A_43 : vector<10000x16xf32>
    %slice3A_45 = vector.extract_strided_slice %add3A_24 {offsets = [0, 16], sizes = [10000, 16], strides = [1, 1]} : vector<10000x48xf32> to vector<10000x16xf32>
    %slice3A_46 = vector.extract_strided_slice %add3A_37 {offsets = [0, 16], sizes = [10000, 16], strides = [1, 1]} : vector<10000x48xf32> to vector<10000x16xf32>
    %add3A_47 = arith.addf %slice3A_45, %slice3A_46 : vector<10000x16xf32>
    %logistic3A_48 = arith.negf %add3A_47 : vector<10000x16xf32>
    %logistic3A_49 = math.exp %logistic3A_48 : vector<10000x16xf32>
    %logistic3A_50 = arith.constant 1.000000e+00 : f32
    %logistic3A_51 = vector.broadcast %logistic3A_50 : f32 to vector<10000x16xf32>
    %logistic3A_52 = arith.addf %logistic3A_51, %logistic3A_49 : vector<10000x16xf32>
    %logistic3A_53 = arith.divf %logistic3A_51, %logistic3A_52 : vector<10000x16xf32>
    %slice3A_54 = vector.extract_strided_slice %add3A_24 {offsets = [0, 32], sizes = [10000, 16], strides = [1, 1]} : vector<10000x48xf32> to vector<10000x16xf32>
    %slice3A_55 = vector.extract_strided_slice %add3A_37 {offsets = [0, 32], sizes = [10000, 16], strides = [1, 1]} : vector<10000x48xf32> to vector<10000x16xf32>
    %mul3A = arith.mulf %logistic3A_44, %slice3A_55 : vector<10000x16xf32>
    %add3A_56 = arith.addf %slice3A_54, %mul3A : vector<10000x16xf32>
    %tanh3A = math.tanh %add3A_56 : vector<10000x16xf32>
    %sub3A = arith.constant 1.000000e+00 : f32
    %sub3A_57 = vector.broadcast %sub3A : f32 to vector<10000x16xf32>
    %sub3A_58 = arith.subf %sub3A_57, %logistic3A_53 : vector<10000x16xf32>
    %mul3A_59 = arith.mulf %sub3A_58, %tanh3A : vector<10000x16xf32>
    %get3A_60 = arith.constant 0 : index
    %get3A_61 = arith.constant 0 : index
    %get3A_62 = vector.load %arg2[%get3A_60, %get3A_61] : memref<10000x16xf32, #tpu.memory_space<vmem>>, vector<10000x16xf32>
    %mul3A_63 = arith.mulf %logistic3A_53, %get3A_62 : vector<10000x16xf32>
    %add3A_64 = arith.addf %mul3A_59, %mul3A_63 : vector<10000x16xf32>
    %swap3A = arith.constant 0 : index
    %swap3A_65 = arith.constant 0 : index
    %swap3A_66 = vector.load %arg8[%swap3A, %swap3A_65] : memref<10000x16xf32, #tpu.memory_space<vmem>>, vector<10000x16xf32>
    tpu.vector_store %arg8[%swap3A, %swap3A_65], %add3A_64 {strides = array<i32>} : memref<10000x16xf32, #tpu.memory_space<vmem>>, vector<10000x16xf32>,
    return
  }
  func.func @transform_0(%arg0: i32) -> (i32, i32, i32) {
    %c0_i32 = arith.constant 0 : i32
    %c0_i32_0 = arith.constant 0 : i32
    %c0_i32_1 = arith.constant 0 : i32
    %c0_i32_2 = arith.constant 0 : i32
    return %c0_i32, %c0_i32_0, %c0_i32_1 : i32, i32, i32
  }
  func.func @transform_1(%arg0: i32) -> (i32, i32) {
    %c0_i32 = arith.constant 0 : i32
    %c0_i32_0 = arith.constant 0 : i32
    %c0_i32_1 = arith.constant 0 : i32
    return %c0_i32, %c0_i32_0 : i32, i32
  }
  func.func @transform_2(%arg0: i32) -> (i32, i32) {
    %c0_i32 = arith.constant 0 : i32
    %c0_i32_0 = arith.constant 0 : i32
    %c0_i32_1 = arith.constant 0 : i32
    return %c0_i32, %c0_i32_0 : i32, i32
  }
  func.func @transform_3(%arg0: i32) -> (i32, i32) {
    %c0_i32 = arith.constant 0 : i32
    %c0_i32_0 = arith.constant 0 : i32
    %c0_i32_1 = arith.constant 0 : i32
    return %c0_i32, %c0_i32_0 : i32, i32
  }
  func.func @transform_4(%arg0: i32) -> (i32, i32) {
    %c0_i32 = arith.constant 0 : i32
    %c0_i32_0 = arith.constant 0 : i32
    %c0_i32_1 = arith.constant 0 : i32
    return %c0_i32, %c0_i32_0 : i32, i32
  }
  func.func @transform_5(%arg0: i32) -> (i32, i32) {
    %c0_i32 = arith.constant 0 : i32
    %c0_i32_0 = arith.constant 0 : i32
    %c0_i32_1 = arith.constant 0 : i32
    return %c0_i32, %c0_i32_0 : i32, i32
  }
  func.func @transform_6(%arg0: i32) -> (i32, i32) {
    %c0_i32 = arith.constant 0 : i32
    %c0_i32_0 = arith.constant 0 : i32
    %c0_i32_1 = arith.constant 0 : i32
    return %c0_i32, %c0_i32_0 : i32, i32
  }
  func.func @transform_7(%arg0: i32) -> (i32, i32) {
    %c0_i32 = arith.constant 0 : i32
    %c0_i32_0 = arith.constant 0 : i32
    %c0_i32_1 = arith.constant 0 : i32
    return %c0_i32, %c0_i32_0 : i32, i32
  }
}

module attributes {stable_mosaic.version = 14 : i64} {
  func.func @_s2s_body(%arg0: memref<10000x16xf32, #tpu.memory_space<vmem>>, %arg1: memref<10000x16xf32, #tpu.memory_space<vmem>>, %arg2: memref<64x128xf32, #tpu.memory_space<vmem>>, %arg3: memref<32x128xf32, #tpu.memory_space<vmem>>, %arg4: memref<1x128xf32, #tpu.memory_space<vmem>>, %arg5: memref<1x128xf32, #tpu.memory_space<vmem>>, %arg6: memref<32x128xf32, #tpu.memory_space<vmem>>, %arg7: memref<32x128xf32, #tpu.memory_space<vmem>>, %arg8: memref<1x128xf32, #tpu.memory_space<vmem>>, %arg9: memref<1x128xf32, #tpu.memory_space<vmem>>, %arg10: memref<64x4096xf32, #tpu.memory_space<vmem>>, %arg11: memref<1x4096xf32, #tpu.memory_space<vmem>>, %arg12: memref<1x1xf32, #tpu.memory_space<vmem>>, %arg13: memref<1x4096xf32, #tpu.memory_space<vmem>>) attributes {dimension_semantics = [], scalar_prefetch = 0 : i64, scratch_operands = 0 : i64, tpu.core_type = #tpu.core_type<tc>} {
    %get3A = arith.constant 0 : index
    %get3A_0 = arith.constant 0 : index
    %get3A_1 = vector.load %arg0[%get3A, %get3A_0] : memref<10000x16xf32, #tpu.memory_space<vmem>>, vector<10000x16xf32>
    %get3A_2 = arith.constant 0 : index
    %get3A_3 = arith.constant 0 : index
    %get3A_4 = vector.load %arg1[%get3A_2, %get3A_3] : memref<10000x16xf32, #tpu.memory_space<vmem>>, vector<10000x16xf32>
    %broadcast_in_dim3A = arith.constant 0.000000e+00 : f32
    %broadcast_in_dim3A_5 = vector.broadcast %broadcast_in_dim3A : f32 to vector<1x32xf32>
    %broadcast_in_dim3A_6 = arith.constant 0.000000e+00 : f32
    %broadcast_in_dim3A_7 = vector.broadcast %broadcast_in_dim3A_6 : f32 to vector<1x32xf32>
    %broadcast_in_dim3A_8 = arith.constant 0.000000e+00 : f32
    %broadcast_in_dim3A_9 = vector.broadcast %broadcast_in_dim3A_8 : f32 to vector<1x32xf32>
    %broadcast_in_dim3A_10 = arith.constant 0.000000e+00 : f32
    %broadcast_in_dim3A_11 = vector.broadcast %broadcast_in_dim3A_10 : f32 to vector<1x32xf32>
    %broadcast_in_dim3A_12 = arith.constant 0.000000e+00 : f32
    %broadcast_in_dim3A_13 = vector.broadcast %broadcast_in_dim3A_12 : f32 to vector<1x64xf32>
    %get3A_14 = arith.constant 0 : index
    %get3A_15 = arith.constant 0 : index
    %get3A_16 = vector.load %arg2[%get3A_14, %get3A_15] : memref<64x128xf32, #tpu.memory_space<vmem>>, vector<64x128xf32>
    %get3A_17 = arith.constant 0 : index
    %get3A_18 = arith.constant 0 : index
    %get3A_19 = vector.load %arg3[%get3A_17, %get3A_18] : memref<32x128xf32, #tpu.memory_space<vmem>>, vector<32x128xf32>
    %get3A_20 = arith.constant 0 : index
    %get3A_21 = arith.constant 0 : index
    %get3A_22 = vector.load %arg4[%get3A_20, %get3A_21] : memref<1x128xf32, #tpu.memory_space<vmem>>, vector<1x128xf32>
    %get3A_23 = arith.constant 0 : index
    %get3A_24 = arith.constant 0 : index
    %get3A_25 = vector.load %arg5[%get3A_23, %get3A_24] : memref<1x128xf32, #tpu.memory_space<vmem>>, vector<1x128xf32>
    %dot_general3A = arith.constant dense<0.000000e+00> : vector<1x128xf32>
    %dot_general3A_26 = tpu.matmul %broadcast_in_dim3A_13, %get3A_16, %dot_general3A {dimension_numbers = #tpu.dot_dimension_numbers<[1], [0], [0], [1], [0, 0, 1, 1], [], []>, transpose_lhs_hint = false} : vector<1x64xf32>, vector<64x128xf32>, vector<1x128xf32> -> vector<1x128xf32>
    %add3A = arith.addf %dot_general3A_26, %get3A_22 : vector<1x128xf32>
    %dot_general3A_27 = arith.constant dense<0.000000e+00> : vector<1x128xf32>
    %dot_general3A_28 = tpu.matmul %broadcast_in_dim3A_5, %get3A_19, %dot_general3A_27 {dimension_numbers = #tpu.dot_dimension_numbers<[1], [0], [0], [1], [0, 0, 1, 1], [], []>, transpose_lhs_hint = false} : vector<1x32xf32>, vector<32x128xf32>, vector<1x128xf32> -> vector<1x128xf32>
    %add3A_29 = arith.addf %add3A, %dot_general3A_28 : vector<1x128xf32>
    %add3A_30 = arith.addf %add3A_29, %get3A_25 : vector<1x128xf32>
    %slice3A = vector.extract_strided_slice %add3A_30 {offsets = [0, 0], sizes = [1, 32], strides = [1, 1]} : vector<1x128xf32> to vector<1x32xf32>
    %logistic3A = arith.negf %slice3A : vector<1x32xf32>
    %logistic3A_31 = math.exp %logistic3A : vector<1x32xf32>
    %logistic3A_32 = arith.constant 1.000000e+00 : f32
    %logistic3A_33 = vector.broadcast %logistic3A_32 : f32 to vector<1x32xf32>
    %logistic3A_34 = arith.addf %logistic3A_33, %logistic3A_31 : vector<1x32xf32>
    %logistic3A_35 = arith.divf %logistic3A_33, %logistic3A_34 : vector<1x32xf32>
    %slice3A_36 = vector.extract_strided_slice %add3A_30 {offsets = [0, 32], sizes = [1, 32], strides = [1, 1]} : vector<1x128xf32> to vector<1x32xf32>
    %logistic3A_37 = arith.negf %slice3A_36 : vector<1x32xf32>
    %logistic3A_38 = math.exp %logistic3A_37 : vector<1x32xf32>
    %logistic3A_39 = arith.constant 1.000000e+00 : f32
    %logistic3A_40 = vector.broadcast %logistic3A_39 : f32 to vector<1x32xf32>
    %logistic3A_41 = arith.addf %logistic3A_40, %logistic3A_38 : vector<1x32xf32>
    %logistic3A_42 = arith.divf %logistic3A_40, %logistic3A_41 : vector<1x32xf32>
    %slice3A_43 = vector.extract_strided_slice %add3A_30 {offsets = [0, 64], sizes = [1, 32], strides = [1, 1]} : vector<1x128xf32> to vector<1x32xf32>
    %tanh3A = math.tanh %slice3A_43 : vector<1x32xf32>
    %slice3A_44 = vector.extract_strided_slice %add3A_30 {offsets = [0, 96], sizes = [1, 32], strides = [1, 1]} : vector<1x128xf32> to vector<1x32xf32>
    %logistic3A_45 = arith.negf %slice3A_44 : vector<1x32xf32>
    %logistic3A_46 = math.exp %logistic3A_45 : vector<1x32xf32>
    %logistic3A_47 = arith.constant 1.000000e+00 : f32
    %logistic3A_48 = vector.broadcast %logistic3A_47 : f32 to vector<1x32xf32>
    %logistic3A_49 = arith.addf %logistic3A_48, %logistic3A_46 : vector<1x32xf32>
    %logistic3A_50 = arith.divf %logistic3A_48, %logistic3A_49 : vector<1x32xf32>
    %mul3A = arith.mulf %logistic3A_42, %broadcast_in_dim3A_7 : vector<1x32xf32>
    %mul3A_51 = arith.mulf %logistic3A_35, %tanh3A : vector<1x32xf32>
    %add3A_52 = arith.addf %mul3A, %mul3A_51 : vector<1x32xf32>
    %tanh3A_53 = math.tanh %add3A_52 : vector<1x32xf32>
    %mul3A_54 = arith.mulf %logistic3A_50, %tanh3A_53 : vector<1x32xf32>
    %get3A_55 = arith.constant 0 : index
    %get3A_56 = arith.constant 0 : index
    %get3A_57 = vector.load %arg6[%get3A_55, %get3A_56] : memref<32x128xf32, #tpu.memory_space<vmem>>, vector<32x128xf32>
    %get3A_58 = arith.constant 0 : index
    %get3A_59 = arith.constant 0 : index
    %get3A_60 = vector.load %arg7[%get3A_58, %get3A_59] : memref<32x128xf32, #tpu.memory_space<vmem>>, vector<32x128xf32>
    %get3A_61 = arith.constant 0 : index
    %get3A_62 = arith.constant 0 : index
    %get3A_63 = vector.load %arg8[%get3A_61, %get3A_62] : memref<1x128xf32, #tpu.memory_space<vmem>>, vector<1x128xf32>
    %get3A_64 = arith.constant 0 : index
    %get3A_65 = arith.constant 0 : index
    %get3A_66 = vector.load %arg9[%get3A_64, %get3A_65] : memref<1x128xf32, #tpu.memory_space<vmem>>, vector<1x128xf32>
    %dot_general3A_67 = arith.constant dense<0.000000e+00> : vector<1x128xf32>
    %dot_general3A_68 = tpu.matmul %mul3A_54, %get3A_57, %dot_general3A_67 {dimension_numbers = #tpu.dot_dimension_numbers<[1], [0], [0], [1], [0, 0, 1, 1], [], []>, transpose_lhs_hint = false} : vector<1x32xf32>, vector<32x128xf32>, vector<1x128xf32> -> vector<1x128xf32>
    %add3A_69 = arith.addf %dot_general3A_68, %get3A_63 : vector<1x128xf32>
    %dot_general3A_70 = arith.constant dense<0.000000e+00> : vector<1x128xf32>
    %dot_general3A_71 = tpu.matmul %broadcast_in_dim3A_9, %get3A_60, %dot_general3A_70 {dimension_numbers = #tpu.dot_dimension_numbers<[1], [0], [0], [1], [0, 0, 1, 1], [], []>, transpose_lhs_hint = false} : vector<1x32xf32>, vector<32x128xf32>, vector<1x128xf32> -> vector<1x128xf32>
    %add3A_72 = arith.addf %add3A_69, %dot_general3A_71 : vector<1x128xf32>
    %add3A_73 = arith.addf %add3A_72, %get3A_66 : vector<1x128xf32>
    %slice3A_74 = vector.extract_strided_slice %add3A_73 {offsets = [0, 0], sizes = [1, 32], strides = [1, 1]} : vector<1x128xf32> to vector<1x32xf32>
    %logistic3A_75 = arith.negf %slice3A_74 : vector<1x32xf32>
    %logistic3A_76 = math.exp %logistic3A_75 : vector<1x32xf32>
    %logistic3A_77 = arith.constant 1.000000e+00 : f32
    %logistic3A_78 = vector.broadcast %logistic3A_77 : f32 to vector<1x32xf32>
    %logistic3A_79 = arith.addf %logistic3A_78, %logistic3A_76 : vector<1x32xf32>
    %logistic3A_80 = arith.divf %logistic3A_78, %logistic3A_79 : vector<1x32xf32>
    %slice3A_81 = vector.extract_strided_slice %add3A_73 {offsets = [0, 32], sizes = [1, 32], strides = [1, 1]} : vector<1x128xf32> to vector<1x32xf32>
    %logistic3A_82 = arith.negf %slice3A_81 : vector<1x32xf32>
    %logistic3A_83 = math.exp %logistic3A_82 : vector<1x32xf32>
    %logistic3A_84 = arith.constant 1.000000e+00 : f32
    %logistic3A_85 = vector.broadcast %logistic3A_84 : f32 to vector<1x32xf32>
    %logistic3A_86 = arith.addf %logistic3A_85, %logistic3A_83 : vector<1x32xf32>
    %logistic3A_87 = arith.divf %logistic3A_85, %logistic3A_86 : vector<1x32xf32>
    %slice3A_88 = vector.extract_strided_slice %add3A_73 {offsets = [0, 64], sizes = [1, 32], strides = [1, 1]} : vector<1x128xf32> to vector<1x32xf32>
    %tanh3A_89 = math.tanh %slice3A_88 : vector<1x32xf32>
    %slice3A_90 = vector.extract_strided_slice %add3A_73 {offsets = [0, 96], sizes = [1, 32], strides = [1, 1]} : vector<1x128xf32> to vector<1x32xf32>
    %logistic3A_91 = arith.negf %slice3A_90 : vector<1x32xf32>
    %logistic3A_92 = math.exp %logistic3A_91 : vector<1x32xf32>
    %logistic3A_93 = arith.constant 1.000000e+00 : f32
    %logistic3A_94 = vector.broadcast %logistic3A_93 : f32 to vector<1x32xf32>
    %logistic3A_95 = arith.addf %logistic3A_94, %logistic3A_92 : vector<1x32xf32>
    %logistic3A_96 = arith.divf %logistic3A_94, %logistic3A_95 : vector<1x32xf32>
    %mul3A_97 = arith.mulf %logistic3A_87, %broadcast_in_dim3A_11 : vector<1x32xf32>
    %mul3A_98 = arith.mulf %logistic3A_80, %tanh3A_89 : vector<1x32xf32>
    %add3A_99 = arith.addf %mul3A_97, %mul3A_98 : vector<1x32xf32>
    %tanh3A_100 = math.tanh %add3A_99 : vector<1x32xf32>
    %mul3A_101 = arith.mulf %logistic3A_96, %tanh3A_100 : vector<1x32xf32>
    %slice3A_102 = vector.extract_strided_slice %mul3A_101 {offsets = [0, 0], sizes = [1, 16], strides = [1, 1]} : vector<1x32xf32> to vector<1x16xf32>
    %dot_general3A_103 = arith.constant dense<0.000000e+00> : vector<10000x1xf32>
    %dot_general3A_104 = tpu.matmul %get3A_1, %slice3A_102, %dot_general3A_103 {dimension_numbers = #tpu.dot_dimension_numbers<[1], [1], [0], [0], [0, 0, 1, 0], [], []>, transpose_lhs_hint = false} : vector<10000x16xf32>, vector<1x16xf32>, vector<10000x1xf32> -> vector<10000x1xf32>
    %slice3A_105 = vector.extract_strided_slice %mul3A_101 {offsets = [0, 16], sizes = [1, 16], strides = [1, 1]} : vector<1x32xf32> to vector<1x16xf32>
    %dot_general3A_106 = arith.constant dense<0.000000e+00> : vector<10000x1xf32>
    %dot_general3A_107 = tpu.matmul %get3A_4, %slice3A_105, %dot_general3A_106 {dimension_numbers = #tpu.dot_dimension_numbers<[1], [1], [0], [0], [0, 0, 1, 0], [], []>, transpose_lhs_hint = false} : vector<10000x16xf32>, vector<1x16xf32>, vector<10000x1xf32> -> vector<10000x1xf32>
    %add3A_108 = arith.addf %dot_general3A_104, %dot_general3A_107 : vector<10000x1xf32>
    %reduce_max3A = vector.shape_cast %add3A_108 : vector<10000x1xf32> to vector<1x10000x1xf32>
    %reduce_max3A_109 = arith.constant dense<0xFF800000> : vector<1xf32>
    %reduce_max3A_110 = vector.multi_reduction <maximumf>, %reduce_max3A, %reduce_max3A_109 [1, 2] : vector<1x10000x1xf32> to vector<1xf32>
    %reduce_max3A_111 = vector.shape_cast %reduce_max3A_110 : vector<1xf32> to vector<1x1x1xf32>
    %reduce_max3A_112 = vector.extract %reduce_max3A_111[0, 0, 0] : f32 from vector<1x1x1xf32>
    %sub3A = vector.broadcast %reduce_max3A_112 : f32 to vector<10000x1xf32>
    %sub3A_113 = arith.subf %add3A_108, %sub3A : vector<10000x1xf32>
    %exp3A = math.exp %sub3A_113 : vector<10000x1xf32>
    %reduce_sum3A = vector.shape_cast %exp3A : vector<10000x1xf32> to vector<1x10000x1xf32>
    %reduce_sum3A_114 = arith.constant dense<0.000000e+00> : vector<1xf32>
    %reduce_sum3A_115 = vector.multi_reduction <add>, %reduce_sum3A, %reduce_sum3A_114 [1, 2] : vector<1x10000x1xf32> to vector<1xf32>
    %reduce_sum3A_116 = vector.shape_cast %reduce_sum3A_115 : vector<1xf32> to vector<1x1x1xf32>
    %reduce_sum3A_117 = vector.extract %reduce_sum3A_116[0, 0, 0] : f32 from vector<1x1x1xf32>
    %div3A = vector.broadcast %reduce_sum3A_117 : f32 to vector<10000x1xf32>
    %div3A_118 = arith.divf %exp3A, %div3A : vector<10000x1xf32>
    %dot_general3A_119 = arith.constant dense<0.000000e+00> : vector<1x16xf32>
    %dot_general3A_120 = tpu.matmul %div3A_118, %get3A_1, %dot_general3A_119 {dimension_numbers = #tpu.dot_dimension_numbers<[0], [0], [1], [1], [0, 1, 1, 1], [], []>, transpose_lhs_hint = false} : vector<10000x1xf32>, vector<10000x16xf32>, vector<1x16xf32> -> vector<1x16xf32>
    %dot_general3A_121 = arith.constant dense<0.000000e+00> : vector<1x16xf32>
    %dot_general3A_122 = tpu.matmul %div3A_118, %get3A_4, %dot_general3A_121 {dimension_numbers = #tpu.dot_dimension_numbers<[0], [0], [1], [1], [0, 1, 1, 1], [], []>, transpose_lhs_hint = false} : vector<10000x1xf32>, vector<10000x16xf32>, vector<1x16xf32> -> vector<1x16xf32>
    %concatenate3A = tpu.concatenate %mul3A_101, %dot_general3A_120, %dot_general3A_122 in 1 : vector<1x32xf32>, vector<1x16xf32>, vector<1x16xf32> -> vector<1x64xf32>
    %get3A_123 = arith.constant 0 : index
    %get3A_124 = arith.constant 0 : index
    %get3A_125 = vector.load %arg2[%get3A_123, %get3A_124] : memref<64x128xf32, #tpu.memory_space<vmem>>, vector<64x128xf32>
    %get3A_126 = arith.constant 0 : index
    %get3A_127 = arith.constant 0 : index
    %get3A_128 = vector.load %arg3[%get3A_126, %get3A_127] : memref<32x128xf32, #tpu.memory_space<vmem>>, vector<32x128xf32>
    %get3A_129 = arith.constant 0 : index
    %get3A_130 = arith.constant 0 : index
    %get3A_131 = vector.load %arg4[%get3A_129, %get3A_130] : memref<1x128xf32, #tpu.memory_space<vmem>>, vector<1x128xf32>
    %get3A_132 = arith.constant 0 : index
    %get3A_133 = arith.constant 0 : index
    %get3A_134 = vector.load %arg5[%get3A_132, %get3A_133] : memref<1x128xf32, #tpu.memory_space<vmem>>, vector<1x128xf32>
    %dot_general3A_135 = arith.constant dense<0.000000e+00> : vector<1x128xf32>
    %dot_general3A_136 = tpu.matmul %concatenate3A, %get3A_125, %dot_general3A_135 {dimension_numbers = #tpu.dot_dimension_numbers<[1], [0], [0], [1], [0, 0, 1, 1], [], []>, transpose_lhs_hint = false} : vector<1x64xf32>, vector<64x128xf32>, vector<1x128xf32> -> vector<1x128xf32>
    %add3A_137 = arith.addf %dot_general3A_136, %get3A_131 : vector<1x128xf32>
    %dot_general3A_138 = arith.constant dense<0.000000e+00> : vector<1x128xf32>
    %dot_general3A_139 = tpu.matmul %mul3A_54, %get3A_128, %dot_general3A_138 {dimension_numbers = #tpu.dot_dimension_numbers<[1], [0], [0], [1], [0, 0, 1, 1], [], []>, transpose_lhs_hint = false} : vector<1x32xf32>, vector<32x128xf32>, vector<1x128xf32> -> vector<1x128xf32>
    %add3A_140 = arith.addf %add3A_137, %dot_general3A_139 : vector<1x128xf32>
    %add3A_141 = arith.addf %add3A_140, %get3A_134 : vector<1x128xf32>
    %slice3A_142 = vector.extract_strided_slice %add3A_141 {offsets = [0, 0], sizes = [1, 32], strides = [1, 1]} : vector<1x128xf32> to vector<1x32xf32>
    %logistic3A_143 = arith.negf %slice3A_142 : vector<1x32xf32>
    %logistic3A_144 = math.exp %logistic3A_143 : vector<1x32xf32>
    %logistic3A_145 = arith.constant 1.000000e+00 : f32
    %logistic3A_146 = vector.broadcast %logistic3A_145 : f32 to vector<1x32xf32>
    %logistic3A_147 = arith.addf %logistic3A_146, %logistic3A_144 : vector<1x32xf32>
    %logistic3A_148 = arith.divf %logistic3A_146, %logistic3A_147 : vector<1x32xf32>
    %slice3A_149 = vector.extract_strided_slice %add3A_141 {offsets = [0, 32], sizes = [1, 32], strides = [1, 1]} : vector<1x128xf32> to vector<1x32xf32>
    %logistic3A_150 = arith.negf %slice3A_149 : vector<1x32xf32>
    %logistic3A_151 = math.exp %logistic3A_150 : vector<1x32xf32>
    %logistic3A_152 = arith.constant 1.000000e+00 : f32
    %logistic3A_153 = vector.broadcast %logistic3A_152 : f32 to vector<1x32xf32>
    %logistic3A_154 = arith.addf %logistic3A_153, %logistic3A_151 : vector<1x32xf32>
    %logistic3A_155 = arith.divf %logistic3A_153, %logistic3A_154 : vector<1x32xf32>
    %slice3A_156 = vector.extract_strided_slice %add3A_141 {offsets = [0, 64], sizes = [1, 32], strides = [1, 1]} : vector<1x128xf32> to vector<1x32xf32>
    %tanh3A_157 = math.tanh %slice3A_156 : vector<1x32xf32>
    %slice3A_158 = vector.extract_strided_slice %add3A_141 {offsets = [0, 96], sizes = [1, 32], strides = [1, 1]} : vector<1x128xf32> to vector<1x32xf32>
    %logistic3A_159 = arith.negf %slice3A_158 : vector<1x32xf32>
    %logistic3A_160 = math.exp %logistic3A_159 : vector<1x32xf32>
    %logistic3A_161 = arith.constant 1.000000e+00 : f32
    %logistic3A_162 = vector.broadcast %logistic3A_161 : f32 to vector<1x32xf32>
    %logistic3A_163 = arith.addf %logistic3A_162, %logistic3A_160 : vector<1x32xf32>
    %logistic3A_164 = arith.divf %logistic3A_162, %logistic3A_163 : vector<1x32xf32>
    %mul3A_165 = arith.mulf %logistic3A_155, %add3A_52 : vector<1x32xf32>
    %mul3A_166 = arith.mulf %logistic3A_148, %tanh3A_157 : vector<1x32xf32>
    %add3A_167 = arith.addf %mul3A_165, %mul3A_166 : vector<1x32xf32>
    %tanh3A_168 = math.tanh %add3A_167 : vector<1x32xf32>
    %mul3A_169 = arith.mulf %logistic3A_164, %tanh3A_168 : vector<1x32xf32>
    %get3A_170 = arith.constant 0 : index
    %get3A_171 = arith.constant 0 : index
    %get3A_172 = vector.load %arg6[%get3A_170, %get3A_171] : memref<32x128xf32, #tpu.memory_space<vmem>>, vector<32x128xf32>
    %get3A_173 = arith.constant 0 : index
    %get3A_174 = arith.constant 0 : index
    %get3A_175 = vector.load %arg7[%get3A_173, %get3A_174] : memref<32x128xf32, #tpu.memory_space<vmem>>, vector<32x128xf32>
    %get3A_176 = arith.constant 0 : index
    %get3A_177 = arith.constant 0 : index
    %get3A_178 = vector.load %arg8[%get3A_176, %get3A_177] : memref<1x128xf32, #tpu.memory_space<vmem>>, vector<1x128xf32>
    %get3A_179 = arith.constant 0 : index
    %get3A_180 = arith.constant 0 : index
    %get3A_181 = vector.load %arg9[%get3A_179, %get3A_180] : memref<1x128xf32, #tpu.memory_space<vmem>>, vector<1x128xf32>
    %dot_general3A_182 = arith.constant dense<0.000000e+00> : vector<1x128xf32>
    %dot_general3A_183 = tpu.matmul %mul3A_169, %get3A_172, %dot_general3A_182 {dimension_numbers = #tpu.dot_dimension_numbers<[1], [0], [0], [1], [0, 0, 1, 1], [], []>, transpose_lhs_hint = false} : vector<1x32xf32>, vector<32x128xf32>, vector<1x128xf32> -> vector<1x128xf32>
    %add3A_184 = arith.addf %dot_general3A_183, %get3A_178 : vector<1x128xf32>
    %dot_general3A_185 = arith.constant dense<0.000000e+00> : vector<1x128xf32>
    %dot_general3A_186 = tpu.matmul %mul3A_101, %get3A_175, %dot_general3A_185 {dimension_numbers = #tpu.dot_dimension_numbers<[1], [0], [0], [1], [0, 0, 1, 1], [], []>, transpose_lhs_hint = false} : vector<1x32xf32>, vector<32x128xf32>, vector<1x128xf32> -> vector<1x128xf32>
    %add3A_187 = arith.addf %add3A_184, %dot_general3A_186 : vector<1x128xf32>
    %add3A_188 = arith.addf %add3A_187, %get3A_181 : vector<1x128xf32>
    %slice3A_189 = vector.extract_strided_slice %add3A_188 {offsets = [0, 0], sizes = [1, 32], strides = [1, 1]} : vector<1x128xf32> to vector<1x32xf32>
    %logistic3A_190 = arith.negf %slice3A_189 : vector<1x32xf32>
    %logistic3A_191 = math.exp %logistic3A_190 : vector<1x32xf32>
    %logistic3A_192 = arith.constant 1.000000e+00 : f32
    %logistic3A_193 = vector.broadcast %logistic3A_192 : f32 to vector<1x32xf32>
    %logistic3A_194 = arith.addf %logistic3A_193, %logistic3A_191 : vector<1x32xf32>
    %logistic3A_195 = arith.divf %logistic3A_193, %logistic3A_194 : vector<1x32xf32>
    %slice3A_196 = vector.extract_strided_slice %add3A_188 {offsets = [0, 32], sizes = [1, 32], strides = [1, 1]} : vector<1x128xf32> to vector<1x32xf32>
    %logistic3A_197 = arith.negf %slice3A_196 : vector<1x32xf32>
    %logistic3A_198 = math.exp %logistic3A_197 : vector<1x32xf32>
    %logistic3A_199 = arith.constant 1.000000e+00 : f32
    %logistic3A_200 = vector.broadcast %logistic3A_199 : f32 to vector<1x32xf32>
    %logistic3A_201 = arith.addf %logistic3A_200, %logistic3A_198 : vector<1x32xf32>
    %logistic3A_202 = arith.divf %logistic3A_200, %logistic3A_201 : vector<1x32xf32>
    %slice3A_203 = vector.extract_strided_slice %add3A_188 {offsets = [0, 64], sizes = [1, 32], strides = [1, 1]} : vector<1x128xf32> to vector<1x32xf32>
    %tanh3A_204 = math.tanh %slice3A_203 : vector<1x32xf32>
    %slice3A_205 = vector.extract_strided_slice %add3A_188 {offsets = [0, 96], sizes = [1, 32], strides = [1, 1]} : vector<1x128xf32> to vector<1x32xf32>
    %logistic3A_206 = arith.negf %slice3A_205 : vector<1x32xf32>
    %logistic3A_207 = math.exp %logistic3A_206 : vector<1x32xf32>
    %logistic3A_208 = arith.constant 1.000000e+00 : f32
    %logistic3A_209 = vector.broadcast %logistic3A_208 : f32 to vector<1x32xf32>
    %logistic3A_210 = arith.addf %logistic3A_209, %logistic3A_207 : vector<1x32xf32>
    %logistic3A_211 = arith.divf %logistic3A_209, %logistic3A_210 : vector<1x32xf32>
    %mul3A_212 = arith.mulf %logistic3A_202, %add3A_99 : vector<1x32xf32>
    %mul3A_213 = arith.mulf %logistic3A_195, %tanh3A_204 : vector<1x32xf32>
    %add3A_214 = arith.addf %mul3A_212, %mul3A_213 : vector<1x32xf32>
    %tanh3A_215 = math.tanh %add3A_214 : vector<1x32xf32>
    %mul3A_216 = arith.mulf %logistic3A_211, %tanh3A_215 : vector<1x32xf32>
    %slice3A_217 = vector.extract_strided_slice %mul3A_216 {offsets = [0, 0], sizes = [1, 16], strides = [1, 1]} : vector<1x32xf32> to vector<1x16xf32>
    %dot_general3A_218 = arith.constant dense<0.000000e+00> : vector<10000x1xf32>
    %dot_general3A_219 = tpu.matmul %get3A_1, %slice3A_217, %dot_general3A_218 {dimension_numbers = #tpu.dot_dimension_numbers<[1], [1], [0], [0], [0, 0, 1, 0], [], []>, transpose_lhs_hint = false} : vector<10000x16xf32>, vector<1x16xf32>, vector<10000x1xf32> -> vector<10000x1xf32>
    %slice3A_220 = vector.extract_strided_slice %mul3A_216 {offsets = [0, 16], sizes = [1, 16], strides = [1, 1]} : vector<1x32xf32> to vector<1x16xf32>
    %dot_general3A_221 = arith.constant dense<0.000000e+00> : vector<10000x1xf32>
    %dot_general3A_222 = tpu.matmul %get3A_4, %slice3A_220, %dot_general3A_221 {dimension_numbers = #tpu.dot_dimension_numbers<[1], [1], [0], [0], [0, 0, 1, 0], [], []>, transpose_lhs_hint = false} : vector<10000x16xf32>, vector<1x16xf32>, vector<10000x1xf32> -> vector<10000x1xf32>
    %add3A_223 = arith.addf %dot_general3A_219, %dot_general3A_222 : vector<10000x1xf32>
    %reduce_max3A_224 = vector.shape_cast %add3A_223 : vector<10000x1xf32> to vector<1x10000x1xf32>
    %reduce_max3A_225 = arith.constant dense<0xFF800000> : vector<1xf32>
    %reduce_max3A_226 = vector.multi_reduction <maximumf>, %reduce_max3A_224, %reduce_max3A_225 [1, 2] : vector<1x10000x1xf32> to vector<1xf32>
    %reduce_max3A_227 = vector.shape_cast %reduce_max3A_226 : vector<1xf32> to vector<1x1x1xf32>
    %reduce_max3A_228 = vector.extract %reduce_max3A_227[0, 0, 0] : f32 from vector<1x1x1xf32>
    %sub3A_229 = vector.broadcast %reduce_max3A_228 : f32 to vector<10000x1xf32>
    %sub3A_230 = arith.subf %add3A_223, %sub3A_229 : vector<10000x1xf32>
    %exp3A_231 = math.exp %sub3A_230 : vector<10000x1xf32>
    %reduce_sum3A_232 = vector.shape_cast %exp3A_231 : vector<10000x1xf32> to vector<1x10000x1xf32>
    %reduce_sum3A_233 = arith.constant dense<0.000000e+00> : vector<1xf32>
    %reduce_sum3A_234 = vector.multi_reduction <add>, %reduce_sum3A_232, %reduce_sum3A_233 [1, 2] : vector<1x10000x1xf32> to vector<1xf32>
    %reduce_sum3A_235 = vector.shape_cast %reduce_sum3A_234 : vector<1xf32> to vector<1x1x1xf32>
    %reduce_sum3A_236 = vector.extract %reduce_sum3A_235[0, 0, 0] : f32 from vector<1x1x1xf32>
    %div3A_237 = vector.broadcast %reduce_sum3A_236 : f32 to vector<10000x1xf32>
    %div3A_238 = arith.divf %exp3A_231, %div3A_237 : vector<10000x1xf32>
    %dot_general3A_239 = arith.constant dense<0.000000e+00> : vector<1x16xf32>
    %dot_general3A_240 = tpu.matmul %div3A_238, %get3A_1, %dot_general3A_239 {dimension_numbers = #tpu.dot_dimension_numbers<[0], [0], [1], [1], [0, 1, 1, 1], [], []>, transpose_lhs_hint = false} : vector<10000x1xf32>, vector<10000x16xf32>, vector<1x16xf32> -> vector<1x16xf32>
    %dot_general3A_241 = arith.constant dense<0.000000e+00> : vector<1x16xf32>
    %dot_general3A_242 = tpu.matmul %div3A_238, %get3A_4, %dot_general3A_241 {dimension_numbers = #tpu.dot_dimension_numbers<[0], [0], [1], [1], [0, 1, 1, 1], [], []>, transpose_lhs_hint = false} : vector<10000x1xf32>, vector<10000x16xf32>, vector<1x16xf32> -> vector<1x16xf32>
    %concatenate3A_243 = tpu.concatenate %mul3A_216, %dot_general3A_240, %dot_general3A_242 in 1 : vector<1x32xf32>, vector<1x16xf32>, vector<1x16xf32> -> vector<1x64xf32>
    %get3A_244 = arith.constant 0 : index
    %get3A_245 = arith.constant 0 : index
    %get3A_246 = vector.load %arg2[%get3A_244, %get3A_245] : memref<64x128xf32, #tpu.memory_space<vmem>>, vector<64x128xf32>
    %get3A_247 = arith.constant 0 : index
    %get3A_248 = arith.constant 0 : index
    %get3A_249 = vector.load %arg3[%get3A_247, %get3A_248] : memref<32x128xf32, #tpu.memory_space<vmem>>, vector<32x128xf32>
    %get3A_250 = arith.constant 0 : index
    %get3A_251 = arith.constant 0 : index
    %get3A_252 = vector.load %arg4[%get3A_250, %get3A_251] : memref<1x128xf32, #tpu.memory_space<vmem>>, vector<1x128xf32>
    %get3A_253 = arith.constant 0 : index
    %get3A_254 = arith.constant 0 : index
    %get3A_255 = vector.load %arg5[%get3A_253, %get3A_254] : memref<1x128xf32, #tpu.memory_space<vmem>>, vector<1x128xf32>
    %dot_general3A_256 = arith.constant dense<0.000000e+00> : vector<1x128xf32>
    %dot_general3A_257 = tpu.matmul %concatenate3A_243, %get3A_246, %dot_general3A_256 {dimension_numbers = #tpu.dot_dimension_numbers<[1], [0], [0], [1], [0, 0, 1, 1], [], []>, transpose_lhs_hint = false} : vector<1x64xf32>, vector<64x128xf32>, vector<1x128xf32> -> vector<1x128xf32>
    %add3A_258 = arith.addf %dot_general3A_257, %get3A_252 : vector<1x128xf32>
    %dot_general3A_259 = arith.constant dense<0.000000e+00> : vector<1x128xf32>
    %dot_general3A_260 = tpu.matmul %mul3A_169, %get3A_249, %dot_general3A_259 {dimension_numbers = #tpu.dot_dimension_numbers<[1], [0], [0], [1], [0, 0, 1, 1], [], []>, transpose_lhs_hint = false} : vector<1x32xf32>, vector<32x128xf32>, vector<1x128xf32> -> vector<1x128xf32>
    %add3A_261 = arith.addf %add3A_258, %dot_general3A_260 : vector<1x128xf32>
    %add3A_262 = arith.addf %add3A_261, %get3A_255 : vector<1x128xf32>
    %slice3A_263 = vector.extract_strided_slice %add3A_262 {offsets = [0, 0], sizes = [1, 32], strides = [1, 1]} : vector<1x128xf32> to vector<1x32xf32>
    %logistic3A_264 = arith.negf %slice3A_263 : vector<1x32xf32>
    %logistic3A_265 = math.exp %logistic3A_264 : vector<1x32xf32>
    %logistic3A_266 = arith.constant 1.000000e+00 : f32
    %logistic3A_267 = vector.broadcast %logistic3A_266 : f32 to vector<1x32xf32>
    %logistic3A_268 = arith.addf %logistic3A_267, %logistic3A_265 : vector<1x32xf32>
    %logistic3A_269 = arith.divf %logistic3A_267, %logistic3A_268 : vector<1x32xf32>
    %slice3A_270 = vector.extract_strided_slice %add3A_262 {offsets = [0, 32], sizes = [1, 32], strides = [1, 1]} : vector<1x128xf32> to vector<1x32xf32>
    %logistic3A_271 = arith.negf %slice3A_270 : vector<1x32xf32>
    %logistic3A_272 = math.exp %logistic3A_271 : vector<1x32xf32>
    %logistic3A_273 = arith.constant 1.000000e+00 : f32
    %logistic3A_274 = vector.broadcast %logistic3A_273 : f32 to vector<1x32xf32>
    %logistic3A_275 = arith.addf %logistic3A_274, %logistic3A_272 : vector<1x32xf32>
    %logistic3A_276 = arith.divf %logistic3A_274, %logistic3A_275 : vector<1x32xf32>
    %slice3A_277 = vector.extract_strided_slice %add3A_262 {offsets = [0, 64], sizes = [1, 32], strides = [1, 1]} : vector<1x128xf32> to vector<1x32xf32>
    %tanh3A_278 = math.tanh %slice3A_277 : vector<1x32xf32>
    %slice3A_279 = vector.extract_strided_slice %add3A_262 {offsets = [0, 96], sizes = [1, 32], strides = [1, 1]} : vector<1x128xf32> to vector<1x32xf32>
    %logistic3A_280 = arith.negf %slice3A_279 : vector<1x32xf32>
    %logistic3A_281 = math.exp %logistic3A_280 : vector<1x32xf32>
    %logistic3A_282 = arith.constant 1.000000e+00 : f32
    %logistic3A_283 = vector.broadcast %logistic3A_282 : f32 to vector<1x32xf32>
    %logistic3A_284 = arith.addf %logistic3A_283, %logistic3A_281 : vector<1x32xf32>
    %logistic3A_285 = arith.divf %logistic3A_283, %logistic3A_284 : vector<1x32xf32>
    %mul3A_286 = arith.mulf %logistic3A_276, %add3A_167 : vector<1x32xf32>
    %mul3A_287 = arith.mulf %logistic3A_269, %tanh3A_278 : vector<1x32xf32>
    %add3A_288 = arith.addf %mul3A_286, %mul3A_287 : vector<1x32xf32>
    %tanh3A_289 = math.tanh %add3A_288 : vector<1x32xf32>
    %mul3A_290 = arith.mulf %logistic3A_285, %tanh3A_289 : vector<1x32xf32>
    %get3A_291 = arith.constant 0 : index
    %get3A_292 = arith.constant 0 : index
    %get3A_293 = vector.load %arg6[%get3A_291, %get3A_292] : memref<32x128xf32, #tpu.memory_space<vmem>>, vector<32x128xf32>
    %get3A_294 = arith.constant 0 : index
    %get3A_295 = arith.constant 0 : index
    %get3A_296 = vector.load %arg7[%get3A_294, %get3A_295] : memref<32x128xf32, #tpu.memory_space<vmem>>, vector<32x128xf32>
    %get3A_297 = arith.constant 0 : index
    %get3A_298 = arith.constant 0 : index
    %get3A_299 = vector.load %arg8[%get3A_297, %get3A_298] : memref<1x128xf32, #tpu.memory_space<vmem>>, vector<1x128xf32>
    %get3A_300 = arith.constant 0 : index
    %get3A_301 = arith.constant 0 : index
    %get3A_302 = vector.load %arg9[%get3A_300, %get3A_301] : memref<1x128xf32, #tpu.memory_space<vmem>>, vector<1x128xf32>
    %dot_general3A_303 = arith.constant dense<0.000000e+00> : vector<1x128xf32>
    %dot_general3A_304 = tpu.matmul %mul3A_290, %get3A_293, %dot_general3A_303 {dimension_numbers = #tpu.dot_dimension_numbers<[1], [0], [0], [1], [0, 0, 1, 1], [], []>, transpose_lhs_hint = false} : vector<1x32xf32>, vector<32x128xf32>, vector<1x128xf32> -> vector<1x128xf32>
    %add3A_305 = arith.addf %dot_general3A_304, %get3A_299 : vector<1x128xf32>
    %dot_general3A_306 = arith.constant dense<0.000000e+00> : vector<1x128xf32>
    %dot_general3A_307 = tpu.matmul %mul3A_216, %get3A_296, %dot_general3A_306 {dimension_numbers = #tpu.dot_dimension_numbers<[1], [0], [0], [1], [0, 0, 1, 1], [], []>, transpose_lhs_hint = false} : vector<1x32xf32>, vector<32x128xf32>, vector<1x128xf32> -> vector<1x128xf32>
    %add3A_308 = arith.addf %add3A_305, %dot_general3A_307 : vector<1x128xf32>
    %add3A_309 = arith.addf %add3A_308, %get3A_302 : vector<1x128xf32>
    %slice3A_310 = vector.extract_strided_slice %add3A_309 {offsets = [0, 0], sizes = [1, 32], strides = [1, 1]} : vector<1x128xf32> to vector<1x32xf32>
    %logistic3A_311 = arith.negf %slice3A_310 : vector<1x32xf32>
    %logistic3A_312 = math.exp %logistic3A_311 : vector<1x32xf32>
    %logistic3A_313 = arith.constant 1.000000e+00 : f32
    %logistic3A_314 = vector.broadcast %logistic3A_313 : f32 to vector<1x32xf32>
    %logistic3A_315 = arith.addf %logistic3A_314, %logistic3A_312 : vector<1x32xf32>
    %logistic3A_316 = arith.divf %logistic3A_314, %logistic3A_315 : vector<1x32xf32>
    %slice3A_317 = vector.extract_strided_slice %add3A_309 {offsets = [0, 32], sizes = [1, 32], strides = [1, 1]} : vector<1x128xf32> to vector<1x32xf32>
    %logistic3A_318 = arith.negf %slice3A_317 : vector<1x32xf32>
    %logistic3A_319 = math.exp %logistic3A_318 : vector<1x32xf32>
    %logistic3A_320 = arith.constant 1.000000e+00 : f32
    %logistic3A_321 = vector.broadcast %logistic3A_320 : f32 to vector<1x32xf32>
    %logistic3A_322 = arith.addf %logistic3A_321, %logistic3A_319 : vector<1x32xf32>
    %logistic3A_323 = arith.divf %logistic3A_321, %logistic3A_322 : vector<1x32xf32>
    %slice3A_324 = vector.extract_strided_slice %add3A_309 {offsets = [0, 64], sizes = [1, 32], strides = [1, 1]} : vector<1x128xf32> to vector<1x32xf32>
    %tanh3A_325 = math.tanh %slice3A_324 : vector<1x32xf32>
    %slice3A_326 = vector.extract_strided_slice %add3A_309 {offsets = [0, 96], sizes = [1, 32], strides = [1, 1]} : vector<1x128xf32> to vector<1x32xf32>
    %logistic3A_327 = arith.negf %slice3A_326 : vector<1x32xf32>
    %logistic3A_328 = math.exp %logistic3A_327 : vector<1x32xf32>
    %logistic3A_329 = arith.constant 1.000000e+00 : f32
    %logistic3A_330 = vector.broadcast %logistic3A_329 : f32 to vector<1x32xf32>
    %logistic3A_331 = arith.addf %logistic3A_330, %logistic3A_328 : vector<1x32xf32>
    %logistic3A_332 = arith.divf %logistic3A_330, %logistic3A_331 : vector<1x32xf32>
    %mul3A_333 = arith.mulf %logistic3A_323, %add3A_214 : vector<1x32xf32>
    %mul3A_334 = arith.mulf %logistic3A_316, %tanh3A_325 : vector<1x32xf32>
    %add3A_335 = arith.addf %mul3A_333, %mul3A_334 : vector<1x32xf32>
    %tanh3A_336 = math.tanh %add3A_335 : vector<1x32xf32>
    %mul3A_337 = arith.mulf %logistic3A_332, %tanh3A_336 : vector<1x32xf32>
    %slice3A_338 = vector.extract_strided_slice %mul3A_337 {offsets = [0, 0], sizes = [1, 16], strides = [1, 1]} : vector<1x32xf32> to vector<1x16xf32>
    %dot_general3A_339 = arith.constant dense<0.000000e+00> : vector<10000x1xf32>
    %dot_general3A_340 = tpu.matmul %get3A_1, %slice3A_338, %dot_general3A_339 {dimension_numbers = #tpu.dot_dimension_numbers<[1], [1], [0], [0], [0, 0, 1, 0], [], []>, transpose_lhs_hint = false} : vector<10000x16xf32>, vector<1x16xf32>, vector<10000x1xf32> -> vector<10000x1xf32>
    %slice3A_341 = vector.extract_strided_slice %mul3A_337 {offsets = [0, 16], sizes = [1, 16], strides = [1, 1]} : vector<1x32xf32> to vector<1x16xf32>
    %dot_general3A_342 = arith.constant dense<0.000000e+00> : vector<10000x1xf32>
    %dot_general3A_343 = tpu.matmul %get3A_4, %slice3A_341, %dot_general3A_342 {dimension_numbers = #tpu.dot_dimension_numbers<[1], [1], [0], [0], [0, 0, 1, 0], [], []>, transpose_lhs_hint = false} : vector<10000x16xf32>, vector<1x16xf32>, vector<10000x1xf32> -> vector<10000x1xf32>
    %add3A_344 = arith.addf %dot_general3A_340, %dot_general3A_343 : vector<10000x1xf32>
    %reduce_max3A_345 = vector.shape_cast %add3A_344 : vector<10000x1xf32> to vector<1x10000x1xf32>
    %reduce_max3A_346 = arith.constant dense<0xFF800000> : vector<1xf32>
    %reduce_max3A_347 = vector.multi_reduction <maximumf>, %reduce_max3A_345, %reduce_max3A_346 [1, 2] : vector<1x10000x1xf32> to vector<1xf32>
    %reduce_max3A_348 = vector.shape_cast %reduce_max3A_347 : vector<1xf32> to vector<1x1x1xf32>
    %reduce_max3A_349 = vector.extract %reduce_max3A_348[0, 0, 0] : f32 from vector<1x1x1xf32>
    %sub3A_350 = vector.broadcast %reduce_max3A_349 : f32 to vector<10000x1xf32>
    %sub3A_351 = arith.subf %add3A_344, %sub3A_350 : vector<10000x1xf32>
    %exp3A_352 = math.exp %sub3A_351 : vector<10000x1xf32>
    %reduce_sum3A_353 = vector.shape_cast %exp3A_352 : vector<10000x1xf32> to vector<1x10000x1xf32>
    %reduce_sum3A_354 = arith.constant dense<0.000000e+00> : vector<1xf32>
    %reduce_sum3A_355 = vector.multi_reduction <add>, %reduce_sum3A_353, %reduce_sum3A_354 [1, 2] : vector<1x10000x1xf32> to vector<1xf32>
    %reduce_sum3A_356 = vector.shape_cast %reduce_sum3A_355 : vector<1xf32> to vector<1x1x1xf32>
    %reduce_sum3A_357 = vector.extract %reduce_sum3A_356[0, 0, 0] : f32 from vector<1x1x1xf32>
    %div3A_358 = vector.broadcast %reduce_sum3A_357 : f32 to vector<10000x1xf32>
    %div3A_359 = arith.divf %exp3A_352, %div3A_358 : vector<10000x1xf32>
    %dot_general3A_360 = arith.constant dense<0.000000e+00> : vector<1x16xf32>
    %dot_general3A_361 = tpu.matmul %div3A_359, %get3A_1, %dot_general3A_360 {dimension_numbers = #tpu.dot_dimension_numbers<[0], [0], [1], [1], [0, 1, 1, 1], [], []>, transpose_lhs_hint = false} : vector<10000x1xf32>, vector<10000x16xf32>, vector<1x16xf32> -> vector<1x16xf32>
    %dot_general3A_362 = arith.constant dense<0.000000e+00> : vector<1x16xf32>
    %dot_general3A_363 = tpu.matmul %div3A_359, %get3A_4, %dot_general3A_362 {dimension_numbers = #tpu.dot_dimension_numbers<[0], [0], [1], [1], [0, 1, 1, 1], [], []>, transpose_lhs_hint = false} : vector<10000x1xf32>, vector<10000x16xf32>, vector<1x16xf32> -> vector<1x16xf32>
    %concatenate3A_364 = tpu.concatenate %mul3A_337, %dot_general3A_361, %dot_general3A_363 in 1 : vector<1x32xf32>, vector<1x16xf32>, vector<1x16xf32> -> vector<1x64xf32>
    %get3A_365 = arith.constant 0 : index
    %get3A_366 = arith.constant 0 : index
    %get3A_367 = vector.load %arg10[%get3A_365, %get3A_366] : memref<64x4096xf32, #tpu.memory_space<vmem>>, vector<64x4096xf32>
    %dot_general3A_368 = arith.constant dense<0.000000e+00> : vector<1x4096xf32>
    %dot_general3A_369 = tpu.matmul %concatenate3A_364, %get3A_367, %dot_general3A_368 {dimension_numbers = #tpu.dot_dimension_numbers<[1], [0], [0], [1], [0, 0, 1, 1], [], []>, transpose_lhs_hint = false} : vector<1x64xf32>, vector<64x4096xf32>, vector<1x4096xf32> -> vector<1x4096xf32>
    %get3A_370 = arith.constant 0 : index
    %get3A_371 = arith.constant 0 : index
    %get3A_372 = vector.load %arg11[%get3A_370, %get3A_371] : memref<1x4096xf32, #tpu.memory_space<vmem>>, vector<1x4096xf32>
    %add3A_373 = arith.addf %dot_general3A_369, %get3A_372 : vector<1x4096xf32>
    %max3A = arith.constant 0.000000e+00 : f32
    %max3A_374 = vector.broadcast %max3A : f32 to vector<1x4096xf32>
    %max3A_375 = arith.maximumf %add3A_373, %max3A_374 : vector<1x4096xf32>
    %get3A_376 = arith.constant 0 : index
    %get3A_377 = arith.constant 0 : index
    %get3A_378 = vector.load %arg12[%get3A_376, %get3A_377] : memref<1x1xf32, #tpu.memory_space<vmem>>, vector<1x1xf32>
    %get3A_379 = vector.extract %get3A_378[0, 0] : f32 from vector<1x1xf32>
    %min3A = arith.constant 0.000000e+00 : f32
    %min3A_380 = vector.broadcast %min3A : f32 to vector<1x4096xf32>
    %min3A_381 = arith.minimumf %add3A_373, %min3A_380 : vector<1x4096xf32>
    %mul3A_382 = vector.broadcast %get3A_379 : f32 to vector<1x4096xf32>
    %mul3A_383 = arith.mulf %mul3A_382, %min3A_381 : vector<1x4096xf32>
    %add3A_384 = arith.addf %max3A_375, %mul3A_383 : vector<1x4096xf32>
    %swap3A = arith.constant 0 : index
    %swap3A_385 = arith.constant 0 : index
    %swap3A_386 = vector.load %arg13[%swap3A, %swap3A_385] : memref<1x4096xf32, #tpu.memory_space<vmem>>, vector<1x4096xf32>
    tpu.vector_store %arg13[%swap3A, %swap3A_385], %add3A_384 {strides = array<i32>} : memref<1x4096xf32, #tpu.memory_space<vmem>>, vector<1x4096xf32>,
    return
  }
}

</mosaic_0001>

<sc_bundles>
// kernel: kernel.20.cloned.1.call-start
scs
__scs_entry_jumppad:
0x0: {  	(pc) =	sbr.rel $0x88, $3  }
0x1: {  	(tag) =	ssettag $0x0;
	lr =	simm.s32 $0x1  }
0x2: {  	[smem:$0x3F87] =	sst lr;
	_ =	strace $0xD0000000  }
0x3: {  	_ = 	snop  }
0x4: {  	_ = 	snop  }
0x5: {  	_ = 	snop  }
0x6: {  	_ = 	snop  }
0x7: {  	_ = 	snop  }
__scs_overlays_trampoline_lowered:
0x8: {  	[smem:$0x3F96] =	sst s0  }
0x9: {  	[smem:$0x3F97] =	sst s1  }
0xa: {  	[smem:$0x3F98] =	sst s2  }
0xb: {  	[smem:$0x3F99] =	sst s3  }
0xc: {  	[smem:$0x3F9A] =	sst s4  }
0xd: {  	[smem:$0x3F9B] =	sst s5  }
0xe: {  	[smem:$0x3F9C] =	sst s6  }
0xf: {  	[smem:$0x3F9D] =	sst s7  }
0x10: {  	[smem:$0x3F9E] =	sst s8  }
0x11: {  	[smem:$0x3F9F] =	sst s9;
	s0 =	simm.s32 @!p0 $0x0  }
0x12: {  	s1 =	sld [smem:$0x3F85];
	s0 =	simm.s32 @p0 $0x1  }
0x13: {  	[smem:$0x3FA0] =	sst s0;
	s0 =	simm.s32 @!p1 $0x0  }
0x14: {  	s2 =	sld [smem:$0x3F84];
	s0 =	simm.s32 @p1 $0x1  }
0x15: {  	[smem:$0x3FA1] =	sst s0;
	s0 =	simm.s32 @!p2 $0x0  }
0x16: {  	s3 =	sld [smem:$0x3FDB];
	s0 =	simm.s32 @p2 $0x1  }
0x17: {  	s4 =	simm.s32 $0x1BF5;
	[smem:$0x3FA3] =	sst s0  }
0x18: {  	s0 =	sld [smem:$0x3F86];
	_ =	swait.ge [sflag:s4], $0x0  }
0x19: {  	s7 =	sld [smem:$0x3F87]  }
0x1a: {  	s8 =	sadd.s32 $0xFFFFE003, lr  }
0x1b: {  	s9 =	sadd.s32 $0xFFFFFEF7, lr;
	s5 =	simm.s32 $0xFFFFFFFF;
	p2 =	slt.u32 s8, $0xFFFFF086  }
0x1c: {  	p1 =	slt.u32 s9, $0xF7A;
	s5 =	simm.s32 @!p2 $0x0  }
0x1d: {  	s5 =	simm.s32 @p1 $0x1;
	p0 =	seq.s32 s7, s2  }
0x1e: {  	s7 =	smul.u32 @!p0 $0xF7A, s2;
	p2 =	seq.s32 @!p0 s5, $0x0  }
0x1f: {  	s9 =	smul.u32 $0xF7A, s1;
	s8 =	simm.s32 @!p0 $0x1BF5;
	p2 =	por !p2, p0  }
0x20: {  	[sflag:s8] =	ssyncset.s32 @!p0 $0xFFFFF086;
	s6 =	sadd.s32 @!p0 s3, s7;
	s7 =	simm.s32 @!p0 $0x108  }
0x21: {  	s3 =	sadd.s32 s3, s9;
	s6 =	sadd.s32 @!p0 $0x88, s6;
	s7 =	simm.s32 @p2 $0x1082  }
0x22: {  	[simem:s7], [sflag:s8] =	dma.local @!p0 [hbm:s6], $0xF7A  }
0x23: {  	s9 =	sor.u32 $0xD0000000, s2;
	s6 =	simm.s32 $0x108;
	_ =	swait.ge @!p0 [sflag:s8], $0x0  }
0x24: {  	s3 =	sadd.s32 $0x88, s3;
	s6 =	simm.s32 @!p1 $0x1082;
	[sflag:s4] =	ssyncset.s32 $0xFFFFF086  }
0x25: {  	[simem:s6], [sflag:s4] =	dma.local [hbm:s3], $0xF7A  }
0x26: {  	[smem:$0x3F87] =	sst s1;
	(tag) =	ssettag s2;
	_ =	strace s9  }
0x27: {  	s1 =	sld [smem:$0x3F97]  }
0x28: {  	s2 =	sld [smem:$0x3F98]  }
0x29: {  	s4 =	sld [smem:$0x3F9A]  }
0x2a: {  	p0 =	seq.s32 s5, $0x0;
	s5 =	sld [smem:$0x3F9B]  }
0x2b: {  	s6 =	sld [smem:$0x3F9C]  }
0x2c: {  	s7 =	sld [smem:$0x3F9D]  }
0x2d: {  	s3 =	simm.s32 $0x108;
	s8 =	sld [smem:$0x3F9E]  }
0x2e: {  	s3 =	simm.s32 @!p0 $0x1082;
	s9 =	sld [smem:$0x3F9F]  }
0x2f: {  	lr =	sadd.s32 s0, s3;
	s0 =	sld [smem:$0x3F96]  }
0x30: {  	s3 =	sld [smem:$0x3F99]  }
0x31: {  	[smem:$0x3FA2] =	sst s10  }
0x32: {  	s10 =	sld [smem:$0x3FA0];
	_ =	sdelay $0x3  }
0x33: {  	p0 =	seq.s32 s10, $0x1;
	s10 =	sld [smem:$0x3FA2];
	_ =	sdelay $0x3  }
0x34: {  	[smem:$0x3FA2] =	sst s10  }
0x35: {  	s10 =	sld [smem:$0x3FA1];
	_ =	sdelay $0x3  }
0x36: {  	p1 =	seq.s32 s10, $0x1;
	s10 =	sld [smem:$0x3FA2];
	_ =	sdelay $0x3  }
0x37: {  	[smem:$0x3FA2] =	sst s10  }
0x38: {  	s10 =	sld [smem:$0x3FA3]  }
0x39: {  	_ = 	snop;
	(pc) =	sbr.ind lr, $3  }
0x3a: {  	_ = 	snop  }
0x3b: {  	_ = 	snop  }
0x3c: {  	p2 =	seq.s32 s10, $0x1;
	s10 =	sld [smem:$0x3FA2]  }
0x3d: {  	_ =	shalt  }
0x3e: {  	_ =	shalt  }
0x3f: {  	_ =	shalt  }
0x40: {  	_ =	shalt  }
0x41: {  	_ =	shalt  }
0x42: {  	_ =	shalt  }
0x43: {  	_ =	shalt  }
0x44: {  	_ =	shalt  }
0x45: {  	_ =	shalt  }
0x46: {  	_ =	shalt  }
0x47: {  	_ =	shalt  }
0x48: {  	_ =	shalt  }
0x49: {  	_ =	shalt  }
0x4a: {  	_ =	shalt  }
0x4b: {  	_ =	shalt  }
0x4c: {  	_ =	shalt  }
0x4d: {  	_ =	shalt  }
0x4e: {  	_ =	shalt  }
0x4f: {  	_ =	shalt  }
0x50: {  	_ =	shalt  }
0x51: {  	_ =	shalt  }
0x52: {  	_ =	shalt  }
0x53: {  	_ =	shalt  }
0x54: {  	_ =	shalt  }
0x55: {  	_ =	shalt  }
0x56: {  	_ =	shalt  }
0x57: {  	_ =	shalt  }
0x58: {  	_ =	shalt  }
0x59: {  	_ =	shalt  }
0x5a: {  	_ =	shalt  }
0x5b: {  	_ =	shalt  }
0x5c: {  	_ =	shalt  }
0x5d: {  	_ =	shalt  }
0x5e: {  	_ =	shalt  }
0x5f: {  	_ =	shalt  }
0x60: {  	_ =	shalt  }
0x61: {  	_ =	shalt  }
0x62: {  	_ =	shalt  }
0x63: {  	_ =	shalt  }
0x64: {  	_ =	shalt  }
0x65: {  	_ =	shalt  }
0x66: {  	_ =	shalt  }
0x67: {  	_ =	shalt  }
0x68: {  	_ =	shalt  }
0x69: {  	_ =	shalt  }
0x6a: {  	_ =	shalt  }
0x6b: {  	_ =	shalt  }
0x6c: {  	_ =	shalt  }
0x6d: {  	_ =	shalt  }
0x6e: {  	_ =	shalt  }
0x6f: {  	_ =	shalt  }
0x70: {  	_ =	shalt  }
0x71: {  	_ =	shalt  }
0x72: {  	_ =	shalt  }
0x73: {  	_ =	shalt  }
0x74: {  	_ =	shalt  }
0x75: {  	_ =	shalt  }
0x76: {  	_ =	shalt  }
0x77: {  	_ =	shalt  }
0x78: {  	_ =	shalt  }
0x79: {  	_ =	shalt  }
0x7a: {  	_ =	shalt  }
0x7b: {  	_ =	shalt  }
0x7c: {  	_ =	shalt  }
0x7d: {  	_ =	shalt  }
0x7e: {  	_ =	shalt  }
0x7f: {  	_ =	shalt  }
0x80: {  	_ =	shalt  }
0x81: {  	_ =	shalt  }
0x82: {  	_ =	shalt  }
0x83: {  	_ =	shalt  }
0x84: {  	_ =	shalt  }
0x85: {  	_ =	shalt  }
0x86: {  	_ =	shalt  }
0x87: {  	_ =	shalt  }
.Lfunc_end0:
.L_simem_size_0:
called_computation_lowered:
.L_overlay_start_0:
0x88: {  	s2 =	sld [smem:$0x3FD9]  }
0x89: {  	s3 =	sld [smem:$0x3FFE];
	_ =	sdelay $0x1  }
0x8a: {  	s1 =	srdreg.scid  }
0x8b: {  	s0 =	sand.u32 $0x1, s1  }
0x8c: {  	s16 =	sshll.u32 s0, $0xA;
	s2 =	sadd.s32 s3, s2  }
0x8d: {  	s2 =	sadd.s32 s2, s16  }
0x8e: {  	[smem:$0x3FAE] =	sst s2  }
0x8f: {  	_ = 	snop  }
0x90: {  	(tm) =	ssettm $0x1  }
0x91: {  	s17 =	sld [smem:$0x3FFB];
	_ =	sdelay $0x3  }
0x92: {  	_ =	strace s17  }
0x93: {  	s2 =	sld [smem:$0x3FFC];
	_ =	sdelay $0x3  }
0x94: {  	_ =	strace s2  }
0x95: {  	s2 =	sld [smem:$0x3FFD];
	_ =	sdelay $0x3  }
0x96: {  	_ =	strace s2  }
0x97: {  	_ =	strace $0x8FFFFFFF  }
0x98: {  	s18 =	sld [smem:$0x3FDB];
	_ =	sdelay $0x1  }
0x99: {  	s19 =	simm.s32 $_scs_section_size  }
0x9a: {  	s4 =	simm.s32 $_size__tile_overlayer_lowered;
	s5 =	simm.s32 $_tile_overlayer_lowered  }
0x9b: {  	s22 =	simm.s32 $0x1BFF;
	s21 =	sshll.u32 s5, $0x1;
	s2 =	sadd.s32 s19, s18  }
0x9c: {  	s6 =	simm.s32 $0x0;
	s20 =	sshll.u32 s4, $0x1;
	s4 =	sadd.s32 s21, s2  }
0x9d: {  	[timem:s6], [sflag:s22] =	dma.local [hbm:s4], s20  }
0x9e: {  	_ =	swait.ge [sflag:s22], s20  }
0x9f: {  	s3 =	ssub.s32 $0x0, s20;
	[sflag:s22] =	ssyncset.done $0x0  }
0xa0: {  	[sflag:s22] =	ssyncadd.s32 s3;
	_ =	sdelay $0x1  }
0xa1: {  	s23 =	simm.s32 $0x1B8B  }
0xa2: {  	_ =	swait.ge [sflag:s23], $0x1  }
0xa3: {  	[sflag:s23] =	ssyncset.done $0x0  }
0xa4: {  	s25 =	simm.s32 $0x1B8E;
	s24 =	sld [smem:$0x3FFE];
	[sflag:s23] =	ssyncadd.s32 $0xFFFFFFFF  }
0xa5: {  	s26 =	simm.s32 $execute0_lowered;
	[smem:$0x3FD2] =	sst s25  }
0xa6: {  	s4 =	sshll.u32 s26, $0x1;
	_ =	strace $0x80000046;
	[dreg:$0x1] =	wrdreg $0xFFFFFFFF  }
0xa7: {  	s28 =	simm.s32 $_size_execute0_lowered;
	s2 =	sadd.s32 s2, s4;
	[dreg:$0x0] =	wrdreg $0x0  }
0xa8: {  	s4 =	sshll.u32 s28, $0x1;
	[dreg:$0x2] =	wrdreg s2  }
0xa9: {  	[dreg:$0x3] =	wrdreg s4  }
0xaa: {  	[dreg:$0x4] =	wrdreg $0xC0  }
0xab: {  	_ =	task [dreg:s6], $0x5FFFF  }
0xac: {  	[dreg:$0x1] =	wrdreg $0xFFFFFFFF  }
0xad: {  	[dreg:$0x0] =	wrdreg $0x60  }
0xae: {  	[dreg:$0x2] =	wrdreg s24  }
0xaf: {  	[dreg:$0x3] =	wrdreg $0x9  }
0xb0: {  	_ =	task.clear_ibuf [dreg:s6], $0x4FFFF;
	_ =	strace $0x90000046  }
0xb1: {  	s29 =	simm.s32 $0x9;
	_ =	strace $0x80000048  }
0xb2: {  	_ =	swait.ge [sflag:s29], $0x1  }
0xb3: {  	[sflag:s29] =	ssyncadd.s32 $0xFFFFFFFF  }
0xb4: {  	_ =	strace $0x90000048  }
0xb5: {  	_ =	sfence  }
0xb6: {  	s30 =	sld [smem:$0x0];
	_ =	sdelay $0x2  }
0xb7: {  	s31 =	sshll.u32 s1, $0xD;
	s1 =	sshrl.u32 s1, $0x2  }
0xb8: {  	s3 =	sand.u32 $0x4000, s31;
	s1 =	sadd.s32 s1, s30  }
0xb9: {  	s0 =	sor.u32 s3, s0;
	s1 =	sshll.u32 s1, $0x11  }
0xba: {  	s0 =	sor.u32 s1, s0  }
0xbb: {  	s0 =	sadd.s32 $0x8F2B, s0  }
0xbc: {  	[sflag:s0] =	ssyncadd.remote.s32 $0x1  }
0xbd: {  	_ =	sfence.sel $0xFFFF  }
0xbe: {  	[dreg:$0x0] =	wrdreg $0xFFFFFFFF;
	(pc) =	sbr.abs _section_cstart, $3  }
0xbf: {  	[dreg:$0x1] =	wrdreg $0xFFFFFFFF  }
0xc0: {  	_ =	task.clear_ibuf [dreg:s6], $0x2FFFF;
	_ =	strace $0x9FFFFFFF  }
0xc1: {  	(tm) =	ssettm $0x7FFFFFFF  }
tec
execute0_lowered:
.L_overlay_start_1:
0x0: {  	(tag) =	ssettag $0x1  }
0x1: {  	s1 =	srdreg.scid;
	s0 =	stileid.u32  }
0x2: {  	s6 =	sand.u32 $0x1, s1;
	s30 =	sshll.u32 s0, $0x1  }
0x3: {  	s8 =	rddreg [dreg:$0x0];
	s7 =	sor.u32 s6, s30  }
0x4: {  	s2 =	simm.s32 $0x0;
	s1 =	rddreg [dreg:$0x1];
	s3 =	smul.u32 $0x271, s7  }
0x5: {  	[smem:$0x7FF] =	sst s2;
	s5 =	sadd.s32 $0x36400, s8  }
0x6: {  	_ =	strace $0x80000047;
	s10 =	ssub.s32 $0x2, s6;
	s3 =	sadd.s32 s3, s8  }
0x7: {  	s6 =	simm.s32 $0x1388;
	s4 =	sadd.s32 $0xA200, s3;
	s3 =	simm.s32 $0x2  }
0x8: {  	[tilespmem:s2], [sflag:$0x2] =	stream.linear.gather [hbm4b:s4+s2], $0x1388, $0x38;
	[tilespmem:$0x14C08] =	vst v63  }
0x9: {  	s9 =	smul.u32 $0x2710, s7;
	s11 =	sshrl.u32 s10, $0x1;
	_ =	swait.ge [sflag:s3], $0x1388  }
0xa: {  	s7 =	simm.s32 $0x1;
	s31 =	ssub.s32 s10, s11;
	[sflag:s3] =	ssyncset.done $0x0  }
0xb: {  	s8 =	sadd.s32 s9, s8;
	s9 =	smax.u32 s31, $0x1;
	[sflag:s3] =	ssyncadd.s32 $0xFFFFEC78  }
0xc: {  	[tilespmem:s6], [sflag:$0x1] =	stream.indirect.gather [hbm4b:s5+s6], $0x10, s2, s6, $0xb8;
	[tilespmem:$0x14C08] =	vst v63  }
0xd: {  	p0 =	sne.s32 s9, $0x1;
	_ =	swait.ge [sflag:s7], $0x13880  }
.Ltmp0:
0xe: {  	[sflag:s7] =	ssyncset.done $0x0;
	(pc) =	sbr.rel @!p0 .LBB2_2-.Ltmp0, $4  }
0xf: {  	s8 =	sadd.s32 $0x3B400, s8;
	[sflag:s7] =	ssyncadd.s32 $0xFFFEC780  }
0x10: {  	[hbm4b:s8+s2] =	stream.linear.scatter [tilespmem:s6], [sflag:$0x2], $0x13880, $0x38;
	[tilespmem:$0x14C08] =	vst v63  }
0x11: {  	_ =	swait.ge [sflag:s3], $0x13880  }
0x12: {  	s9 =	sadd.s32 $0xFFFFFFFF, s9;
	[sflag:s3] =	ssyncset.done $0x0  }
.LBB2_1:
0x13: {  	p0 =	sne.s32 s9, $0x1;
	s9 =	sadd.s32 $0xFFFFFFFF, s9;
	[sflag:s3] =	ssyncadd.s32 $0xFFFEC780  }
0x14: {  	[tilespmem:s2], [sflag:$0x2] =	stream.linear.gather [hbm4b:s4+s2], $0x1388, $0x38;
	[tilespmem:$0x14C08] =	vst v63  }
0x15: {  	_ =	swait.ge [sflag:s3], $0x1388  }
0x16: {  	[sflag:s3] =	ssyncset.done $0x0  }
0x17: {  	[sflag:s3] =	ssyncadd.s32 $0xFFFFEC78  }
0x18: {  	[tilespmem:s6], [sflag:$0x1] =	stream.indirect.gather [hbm4b:s5+s6], $0x10, s2, s6, $0xb8;
	[tilespmem:$0x14C08] =	vst v63  }
0x19: {  	_ =	swait.ge [sflag:s7], $0x13880  }
.Ltmp1:
0x1a: {  	[sflag:s7] =	ssyncset.done $0x0;
	(pc) =	sbr.rel @p0 .LBB2_1-.Ltmp1, $4  }
0x1b: {  	[sflag:s7] =	ssyncadd.s32 $0xFFFEC780  }
0x1c: {  	[hbm4b:s8+s2] =	stream.linear.scatter [tilespmem:s6], [sflag:$0x2], $0x13880, $0x38;
	[tilespmem:$0x14C08] =	vst v63  }
0x1d: {  	_ =	swait.ge [sflag:s3], $0x13880  }
0x1e: {  	[sflag:s3] =	ssyncset.done $0x0  }
.LBB2_2:
0x1f: {  	[sflag:s3] =	ssyncadd.s32 $0xFFFEC780  }
0x20: {  	_ =	sfence.sel $0x180000  }
0x21: {  	[bflag:$0x0] =	sbarrier.arrive $0xFFFF  }
0x22: {  	p0 =	sne.s32 s0, $0x0;
	_ =	strace $0x90000047  }
0x23: {  	s0 =	sadd.s32 @!p0 $0x100000, s1;
	[bflag:$0x2] =	sbarrier.arrive $0xFFFF  }
0x24: {  	[sflag:s0] =	ssyncadd.tile.s32 @!p0 $0x1;
	_ =	shalt  }
.Lfunc_end2:
_tile_overlayer_lowered:
.L_overlay_start_2:
0x25: {  	(tag) =	ssettag $0x2  }
0x26: {  	s0 =	rddreg [dreg:$0x0];
	s2 =	stileid.u32  }
0x27: {  	s1 =	rddreg [dreg:$0x1];
	p0 =	sne.s32 s2, $0x0  }
0x28: {  	s3 =	rddreg [dreg:$0x2];
	[bflag:$0x3] =	sbarrier.arrive $0xFFFF;
	s2 =	simm.s32 @!p0 $0x1C02  }
0x29: {  	[timem:s3], [sflag:s2] =	dma.local @!p0 [hbm:s0], s1  }
0x2a: {  	s0 =	simm.s32 @!p0 $0x2  }
0x2b: {  	_ =	swait.ge @!p0 [sflag:s0], s1  }
0x2c: {  	s1 =	ssub.s32 @!p0 $0x0, s1;
	[sflag:s0] =	ssyncset.done @!p0 $0x0  }
0x2d: {  	[sflag:s0] =	ssyncadd.s32 @!p0 s1  }
0x2e: {  	[bflag:$0x3] =	sbarrier.arrive $0xFFFF  }
0x2f: {  	_ =	shalt  }

// kernel: kernel.23.cloned.1.call-start
scs
__scs_entry_jumppad:
0x0: {  	(pc) =	sbr.rel $0x88, $3  }
0x1: {  	(tag) =	ssettag $0x0;
	lr =	simm.s32 $0x1  }
0x2: {  	[smem:$0x3F87] =	sst lr;
	_ =	strace $0xD0000000  }
0x3: {  	_ = 	snop  }
0x4: {  	_ = 	snop  }
0x5: {  	_ = 	snop  }
0x6: {  	_ = 	snop  }
0x7: {  	_ = 	snop  }
__scs_overlays_trampoline_lowered:
0x8: {  	[smem:$0x3F96] =	sst s0  }
0x9: {  	[smem:$0x3F97] =	sst s1  }
0xa: {  	[smem:$0x3F98] =	sst s2  }
0xb: {  	[smem:$0x3F99] =	sst s3  }
0xc: {  	[smem:$0x3F9A] =	sst s4  }
0xd: {  	[smem:$0x3F9B] =	sst s5  }
0xe: {  	[smem:$0x3F9C] =	sst s6  }
0xf: {  	[smem:$0x3F9D] =	sst s7  }
0x10: {  	[smem:$0x3F9E] =	sst s8  }
0x11: {  	[smem:$0x3F9F] =	sst s9;
	s0 =	simm.s32 @!p0 $0x0  }
0x12: {  	s1 =	sld [smem:$0x3F85];
	s0 =	simm.s32 @p0 $0x1  }
0x13: {  	[smem:$0x3FA0] =	sst s0;
	s0 =	simm.s32 @!p1 $0x0  }
0x14: {  	s2 =	sld [smem:$0x3F84];
	s0 =	simm.s32 @p1 $0x1  }
0x15: {  	[smem:$0x3FA1] =	sst s0;
	s0 =	simm.s32 @!p2 $0x0  }
0x16: {  	s3 =	sld [smem:$0x3FDB];
	s0 =	simm.s32 @p2 $0x1  }
0x17: {  	s4 =	simm.s32 $0x1BF5;
	[smem:$0x3FA3] =	sst s0  }
0x18: {  	s0 =	sld [smem:$0x3F86];
	_ =	swait.ge [sflag:s4], $0x0  }
0x19: {  	s7 =	sld [smem:$0x3F87]  }
0x1a: {  	s8 =	sadd.s32 $0xFFFFE003, lr  }
0x1b: {  	s9 =	sadd.s32 $0xFFFFFEF7, lr;
	s5 =	simm.s32 $0xFFFFFFFF;
	p2 =	slt.u32 s8, $0xFFFFF086  }
0x1c: {  	p1 =	slt.u32 s9, $0xF7A;
	s5 =	simm.s32 @!p2 $0x0  }
0x1d: {  	s5 =	simm.s32 @p1 $0x1;
	p0 =	seq.s32 s7, s2  }
0x1e: {  	s7 =	smul.u32 @!p0 $0xF7A, s2;
	p2 =	seq.s32 @!p0 s5, $0x0  }
0x1f: {  	s9 =	smul.u32 $0xF7A, s1;
	s8 =	simm.s32 @!p0 $0x1BF5;
	p2 =	por !p2, p0  }
0x20: {  	[sflag:s8] =	ssyncset.s32 @!p0 $0xFFFFF086;
	s6 =	sadd.s32 @!p0 s3, s7;
	s7 =	simm.s32 @!p0 $0x108  }
0x21: {  	s3 =	sadd.s32 s3, s9;
	s6 =	sadd.s32 @!p0 $0x88, s6;
	s7 =	simm.s32 @p2 $0x1082  }
0x22: {  	[simem:s7], [sflag:s8] =	dma.local @!p0 [hbm:s6], $0xF7A  }
0x23: {  	s9 =	sor.u32 $0xD0000000, s2;
	s6 =	simm.s32 $0x108;
	_ =	swait.ge @!p0 [sflag:s8], $0x0  }
0x24: {  	s3 =	sadd.s32 $0x88, s3;
	s6 =	simm.s32 @!p1 $0x1082;
	[sflag:s4] =	ssyncset.s32 $0xFFFFF086  }
0x25: {  	[simem:s6], [sflag:s4] =	dma.local [hbm:s3], $0xF7A  }
0x26: {  	[smem:$0x3F87] =	sst s1;
	(tag) =	ssettag s2;
	_ =	strace s9  }
0x27: {  	s1 =	sld [smem:$0x3F97]  }
0x28: {  	s2 =	sld [smem:$0x3F98]  }
0x29: {  	s4 =	sld [smem:$0x3F9A]  }
0x2a: {  	p0 =	seq.s32 s5, $0x0;
	s5 =	sld [smem:$0x3F9B]  }
0x2b: {  	s6 =	sld [smem:$0x3F9C]  }
0x2c: {  	s7 =	sld [smem:$0x3F9D]  }
0x2d: {  	s3 =	simm.s32 $0x108;
	s8 =	sld [smem:$0x3F9E]  }
0x2e: {  	s3 =	simm.s32 @!p0 $0x1082;
	s9 =	sld [smem:$0x3F9F]  }
0x2f: {  	lr =	sadd.s32 s0, s3;
	s0 =	sld [smem:$0x3F96]  }
0x30: {  	s3 =	sld [smem:$0x3F99]  }
0x31: {  	[smem:$0x3FA2] =	sst s10  }
0x32: {  	s10 =	sld [smem:$0x3FA0];
	_ =	sdelay $0x3  }
0x33: {  	p0 =	seq.s32 s10, $0x1;
	s10 =	sld [smem:$0x3FA2];
	_ =	sdelay $0x3  }
0x34: {  	[smem:$0x3FA2] =	sst s10  }
0x35: {  	s10 =	sld [smem:$0x3FA1];
	_ =	sdelay $0x3  }
0x36: {  	p1 =	seq.s32 s10, $0x1;
	s10 =	sld [smem:$0x3FA2];
	_ =	sdelay $0x3  }
0x37: {  	[smem:$0x3FA2] =	sst s10  }
0x38: {  	s10 =	sld [smem:$0x3FA3]  }
0x39: {  	_ = 	snop;
	(pc) =	sbr.ind lr, $3  }
0x3a: {  	_ = 	snop  }
0x3b: {  	_ = 	snop  }
0x3c: {  	p2 =	seq.s32 s10, $0x1;
	s10 =	sld [smem:$0x3FA2]  }
0x3d: {  	_ =	shalt  }
0x3e: {  	_ =	shalt  }
0x3f: {  	_ =	shalt  }
0x40: {  	_ =	shalt  }
0x41: {  	_ =	shalt  }
0x42: {  	_ =	shalt  }
0x43: {  	_ =	shalt  }
0x44: {  	_ =	shalt  }
0x45: {  	_ =	shalt  }
0x46: {  	_ =	shalt  }
0x47: {  	_ =	shalt  }
0x48: {  	_ =	shalt  }
0x49: {  	_ =	shalt  }
0x4a: {  	_ =	shalt  }
0x4b: {  	_ =	shalt  }
0x4c: {  	_ =	shalt  }
0x4d: {  	_ =	shalt  }
0x4e: {  	_ =	shalt  }
0x4f: {  	_ =	shalt  }
0x50: {  	_ =	shalt  }
0x51: {  	_ =	shalt  }
0x52: {  	_ =	shalt  }
0x53: {  	_ =	shalt  }
0x54: {  	_ =	shalt  }
0x55: {  	_ =	shalt  }
0x56: {  	_ =	shalt  }
0x57: {  	_ =	shalt  }
0x58: {  	_ =	shalt  }
0x59: {  	_ =	shalt  }
0x5a: {  	_ =	shalt  }
0x5b: {  	_ =	shalt  }
0x5c: {  	_ =	shalt  }
0x5d: {  	_ =	shalt  }
0x5e: {  	_ =	shalt  }
0x5f: {  	_ =	shalt  }
0x60: {  	_ =	shalt  }
0x61: {  	_ =	shalt  }
0x62: {  	_ =	shalt  }
0x63: {  	_ =	shalt  }
0x64: {  	_ =	shalt  }
0x65: {  	_ =	shalt  }
0x66: {  	_ =	shalt  }
0x67: {  	_ =	shalt  }
0x68: {  	_ =	shalt  }
0x69: {  	_ =	shalt  }
0x6a: {  	_ =	shalt  }
0x6b: {  	_ =	shalt  }
0x6c: {  	_ =	shalt  }
0x6d: {  	_ =	shalt  }
0x6e: {  	_ =	shalt  }
0x6f: {  	_ =	shalt  }
0x70: {  	_ =	shalt  }
0x71: {  	_ =	shalt  }
0x72: {  	_ =	shalt  }
0x73: {  	_ =	shalt  }
0x74: {  	_ =	shalt  }
0x75: {  	_ =	shalt  }
0x76: {  	_ =	shalt  }
0x77: {  	_ =	shalt  }
0x78: {  	_ =	shalt  }
0x79: {  	_ =	shalt  }
0x7a: {  	_ =	shalt  }
0x7b: {  	_ =	shalt  }
0x7c: {  	_ =	shalt  }
0x7d: {  	_ =	shalt  }
0x7e: {  	_ =	shalt  }
0x7f: {  	_ =	shalt  }
0x80: {  	_ =	shalt  }
0x81: {  	_ =	shalt  }
0x82: {  	_ =	shalt  }
0x83: {  	_ =	shalt  }
0x84: {  	_ =	shalt  }
0x85: {  	_ =	shalt  }
0x86: {  	_ =	shalt  }
0x87: {  	_ =	shalt  }
.Lfunc_end0:
.L_simem_size_0:
called_computation.1_lowered:
.L_overlay_start_0:
0x88: {  	s2 =	sld [smem:$0x3FD9]  }
0x89: {  	s3 =	sld [smem:$0x3FFE];
	_ =	sdelay $0x1  }
0x8a: {  	s1 =	srdreg.scid  }
0x8b: {  	s0 =	sand.u32 $0x1, s1  }
0x8c: {  	s16 =	sshll.u32 s0, $0xA;
	s2 =	sadd.s32 s3, s2  }
0x8d: {  	s2 =	sadd.s32 s2, s16  }
0x8e: {  	[smem:$0x3FAE] =	sst s2  }
0x8f: {  	_ = 	snop  }
0x90: {  	(tm) =	ssettm $0x1  }
0x91: {  	s17 =	sld [smem:$0x3FFB];
	_ =	sdelay $0x3  }
0x92: {  	_ =	strace s17  }
0x93: {  	s2 =	sld [smem:$0x3FFC];
	_ =	sdelay $0x3  }
0x94: {  	_ =	strace s2  }
0x95: {  	s2 =	sld [smem:$0x3FFD];
	_ =	sdelay $0x3  }
0x96: {  	_ =	strace s2  }
0x97: {  	_ =	strace $0x8FFFFFFF  }
0x98: {  	s18 =	sld [smem:$0x3FDB];
	_ =	sdelay $0x1  }
0x99: {  	s19 =	simm.s32 $_scs_section_size  }
0x9a: {  	s4 =	simm.s32 $_size__tile_overlayer_lowered;
	s5 =	simm.s32 $_tile_overlayer_lowered  }
0x9b: {  	s22 =	simm.s32 $0x1BFF;
	s21 =	sshll.u32 s5, $0x1;
	s2 =	sadd.s32 s19, s18  }
0x9c: {  	s6 =	simm.s32 $0x0;
	s20 =	sshll.u32 s4, $0x1;
	s4 =	sadd.s32 s21, s2  }
0x9d: {  	[timem:s6], [sflag:s22] =	dma.local [hbm:s4], s20  }
0x9e: {  	_ =	swait.ge [sflag:s22], s20  }
0x9f: {  	s3 =	ssub.s32 $0x0, s20;
	[sflag:s22] =	ssyncset.done $0x0  }
0xa0: {  	[sflag:s22] =	ssyncadd.s32 s3;
	_ =	sdelay $0x1  }
0xa1: {  	s23 =	simm.s32 $0x1B8B  }
0xa2: {  	_ =	swait.ge [sflag:s23], $0x1  }
0xa3: {  	[sflag:s23] =	ssyncset.done $0x0  }
0xa4: {  	s25 =	simm.s32 $0x1B8E;
	s24 =	sld [smem:$0x3FFE];
	[sflag:s23] =	ssyncadd.s32 $0xFFFFFFFF  }
0xa5: {  	s26 =	simm.s32 $execute0_lowered;
	[smem:$0x3FD2] =	sst s25  }
0xa6: {  	s4 =	sshll.u32 s26, $0x1;
	_ =	strace $0x80000049;
	[dreg:$0x1] =	wrdreg $0xFFFFFFFF  }
0xa7: {  	s28 =	simm.s32 $_size_execute0_lowered;
	s2 =	sadd.s32 s2, s4;
	[dreg:$0x0] =	wrdreg $0x0  }
0xa8: {  	s4 =	sshll.u32 s28, $0x1;
	[dreg:$0x2] =	wrdreg s2  }
0xa9: {  	[dreg:$0x3] =	wrdreg s4  }
0xaa: {  	[dreg:$0x4] =	wrdreg $0xC0  }
0xab: {  	_ =	task [dreg:s6], $0x5FFFF  }
0xac: {  	[dreg:$0x1] =	wrdreg $0xFFFFFFFF  }
0xad: {  	[dreg:$0x0] =	wrdreg $0x60  }
0xae: {  	[dreg:$0x2] =	wrdreg s24  }
0xaf: {  	[dreg:$0x3] =	wrdreg $0x14C800  }
0xb0: {  	[dreg:$0x4] =	wrdreg $0x9  }
0xb1: {  	_ =	task.clear_ibuf [dreg:s6], $0x5FFFF;
	_ =	strace $0x90000049  }
0xb2: {  	s29 =	simm.s32 $0x9;
	_ =	strace $0x8000004B  }
0xb3: {  	_ =	swait.ge [sflag:s29], $0x1  }
0xb4: {  	[sflag:s29] =	ssyncadd.s32 $0xFFFFFFFF  }
0xb5: {  	_ =	strace $0x9000004B  }
0xb6: {  	_ =	sfence  }
0xb7: {  	s30 =	sld [smem:$0x0];
	_ =	sdelay $0x2  }
0xb8: {  	s31 =	sshll.u32 s1, $0xD;
	s1 =	sshrl.u32 s1, $0x2  }
0xb9: {  	s3 =	sand.u32 $0x4000, s31;
	s1 =	sadd.s32 s1, s30  }
0xba: {  	s0 =	sor.u32 s3, s0;
	s1 =	sshll.u32 s1, $0x11  }
0xbb: {  	s0 =	sor.u32 s1, s0  }
0xbc: {  	s0 =	sadd.s32 $0x8F2B, s0  }
0xbd: {  	[sflag:s0] =	ssyncadd.remote.s32 $0x1  }
0xbe: {  	_ =	sfence.sel $0xFFFF  }
0xbf: {  	[dreg:$0x0] =	wrdreg $0xFFFFFFFF;
	(pc) =	sbr.abs _section_cstart, $3  }
0xc0: {  	[dreg:$0x1] =	wrdreg $0xFFFFFFFF  }
0xc1: {  	_ =	task.clear_ibuf [dreg:s6], $0x2FFFF;
	_ =	strace $0x9FFFFFFF  }
0xc2: {  	(tm) =	ssettm $0x7FFFFFFF  }
0xc3: {  	_ =	shalt  }
tec
execute0_lowered:
.L_overlay_start_1:
0x0: {  	(tag) =	ssettag $0x1  }
0x1: {  	s1 =	srdreg.scid;
	s5 =	rddreg [dreg:$0x0]  }
0x2: {  	s0 =	stileid.u32;
	s2 =	rddreg [dreg:$0x1]  }
0x3: {  	s4 =	sand.u32 $0x1, s1;
	s30 =	sshll.u32 s0, $0x1;
	s8 =	smul.u32 $0x2710, s0  }
0x4: {  	s3 =	simm.s32 $0x0;
	s1 =	sor.u32 s4, s30;
	s9 =	smul.u32 $0x27100, s4  }
0x5: {  	s13 =	simm.s32 $0x0;
	[smem:$0x7FF] =	sst s3;
	s6 =	smul.u32 $0x2710, s1  }
0x6: {  	s31 =	sshll.u32 s0, $0x6;
	s4 =	ssub.s32 $0x2, s4;
	s7 =	smul.u32 $0x280, s1  }
0x7: {  	s1 =	rddreg [dreg:$0x2];
	_ =	strace $0x8000004A;
	s10 =	sshrl.u32 s8, $0x3  }
0x8: {  	s11 =	sshrl.u32 s4, $0x1;
	s12 =	sadd.s32 s8, s2;
	s9 =	sadd.s32 s8, s9  }
0x9: {  	s10 =	sadd.s32 s10, s5;
	s11 =	ssub.s32 s4, s11;
	s6 =	sadd.s32 s6, s5  }
0xa: {  	s7 =	sadd.s32 s7, s5;
	s9 =	sshrl.u32 s9, $0x3;
	s4 =	sadd.s32 $0x84600, s10  }
0xb: {  	s10 =	sshrl.u32 s12, $0x3;
	s12 =	simm.s32 $0x7D;
	s9 =	sadd.s32 s9, s5  }
0xc: {  	s5 =	sor.u32 $0x1C01, s31;
	s6 =	sadd.s32 $0x36400, s6;
	s7 =	sadd.s32 $0x2FA600, s7  }
0xd: {  	s8 =	sadd.s32 $0x2FF600, s9;
	s9 =	smax.u32 s11, $0x1;
	s11 =	simm.s32 $0x1  }
.LBB2_1:
0xe: {  	[spmem:s10], [sflag:s5] =	dma.local [hbm:s4], $0x4E2  }
0xf: {  	_ =	swait.ge [sflag:s11], $0x4E2  }
0x10: {  	[sflag:s11] =	ssyncset.done $0x0  }
0x11: {  	[sflag:s11] =	ssyncadd.s32 $0xFFFFFB1E  }
0x12: {  	s14 =	simm.s32 $0x1400;
	[bflag:$0x0] =	sbarrier.arrive $0xFFFF  }
0x13: {  	[tilespmem:s14], [sflag:$0x1] =	stream.linear.gather [hbm4b:s6+s3], $0x13880, $0x38;
	[tilespmem:$0x17390] =	vst v63  }
0x14: {  	_ =	swait.ge [sflag:s11], $0x13880  }
0x15: {  	[sflag:s11] =	ssyncset.done $0x0  }
0x16: {  	[sflag:s11] =	ssyncadd.s32 $0xFFFEC780  }
0x17: {  	[tilespmem:s3], [sflag:$0x1] =	stream.linear.gather [hbm4b:s7+s3], $0x1400, $0x38;
	[tilespmem:$0x17390] =	vst v63  }
0x18: {  	_ =	swait.ge [sflag:s11], $0x1400  }
0x19: {  	[sflag:s11] =	ssyncset.done $0x0  }
0x1a: {  	s15 =	simm.s32 $0x0;
	[sflag:s11] =	ssyncadd.s32 $0xFFFFEC00  }
0x1b: {  	[spmem:s2] =	stream.indirect.scatter.add.f32 [tilespmem:s14], [sflag:$0x1], $0x10, s15, s12, $0xb8;
	[tilespmem:$0x17390] =	vst v63  }
0x1c: {  	_ =	swait.ge [sflag:s11], $0x7D0  }
0x1d: {  	s15 =	simm.s32 $0x200;
	[sflag:s11] =	ssyncset.done $0x0  }
.LBB2_2:
0x1e: {  	s16 =	sshra.s32 s15, $0x2  }
0x1f: {  	[sflag:s11] =	ssyncadd.s32 $0xFFFFF830;
	s14 =	sadd.s32 $0x7D0, s14;
	p0 =	sne.s32 s15, $0x4E00  }
0x20: {  	[spmem:s2] =	stream.indirect.scatter.add.f32 [tilespmem:s14], [sflag:$0x1], $0x10, s16, s12, $0xb8;
	[tilespmem:$0x17390] =	vst v63  }
.Ltmp0:
0x21: {  	_ = 	snop;
	(pc) =	sbr.rel @p0 .LBB2_2-.Ltmp0, $4  }
0x22: {  	_ = 	snop  }
0x23: {  	s15 =	sadd.s32 $0x200, s15  }
0x24: {  	_ =	swait.ge [sflag:s11], $0x7D0  }
0x25: {  	[sflag:s11] =	ssyncset.done $0x0  }
0x26: {  	s13 =	sadd.s32 $0x1, s13  }
0x27: {  	[sflag:s11] =	ssyncadd.s32 $0xFFFFF830;
	p0 =	sne.s32 s13, s9  }
.Ltmp1:
0x28: {  	[bflag:$0x0] =	sbarrier.arrive $0xFFFF;
	(pc) =	sbr.rel @p0 .LBB2_1-.Ltmp1, $4  }
0x29: {  	[hbm:s8], [sflag:s5] =	dma.local [spmem:s10], $0x4E2  }
0x2a: {  	_ =	swait.ge [sflag:s11], $0x4E2  }
0x2b: {  	[sflag:s11] =	ssyncset.done $0x0  }
0x2c: {  	[sflag:s11] =	ssyncadd.s32 $0xFFFFFB1E  }
0x2d: {  	_ =	sfence.sel $0x180000  }
0x2e: {  	[bflag:$0x0] =	sbarrier.arrive $0xFFFF  }
0x2f: {  	p0 =	sne.s32 s0, $0x0;
	_ =	strace $0x9000004A  }
0x30: {  	s0 =	sadd.s32 @!p0 $0x100000, s1;
	[bflag:$0x2] =	sbarrier.arrive $0xFFFF  }
0x31: {  	[sflag:s0] =	ssyncadd.tile.s32 @!p0 $0x1;
	_ =	shalt  }
.Lfunc_end2:
_tile_overlayer_lowered:
.L_overlay_start_2:
0x32: {  	(tag) =	ssettag $0x2  }
0x33: {  	s0 =	rddreg [dreg:$0x0];
	s2 =	stileid.u32  }
0x34: {  	s1 =	rddreg [dreg:$0x1];
	p0 =	sne.s32 s2, $0x0  }
0x35: {  	s3 =	rddreg [dreg:$0x2];
	[bflag:$0x3] =	sbarrier.arrive $0xFFFF;
	s2 =	simm.s32 @!p0 $0x1C01  }
0x36: {  	[timem:s3], [sflag:s2] =	dma.local @!p0 [hbm:s0], s1  }
0x37: {  	s0 =	simm.s32 @!p0 $0x1  }
0x38: {  	_ =	swait.ge @!p0 [sflag:s0], s1  }
0x39: {  	s1 =	ssub.s32 @!p0 $0x0, s1;
	[sflag:s0] =	ssyncset.done @!p0 $0x0  }
0x3a: {  	[sflag:s0] =	ssyncadd.s32 @!p0 s1  }
0x3b: {  	[bflag:$0x3] =	sbarrier.arrive $0xFFFF  }
0x3c: {  	_ =	shalt  }

// kernel: kernel.26.cloned.1.call-start
scs
__scs_entry_jumppad:
0x0: {  	(pc) =	sbr.rel $0x88, $3  }
0x1: {  	(tag) =	ssettag $0x0;
	lr =	simm.s32 $0x1  }
0x2: {  	[smem:$0x3F87] =	sst lr;
	_ =	strace $0xD0000000  }
0x3: {  	_ = 	snop  }
0x4: {  	_ = 	snop  }
0x5: {  	_ = 	snop  }
0x6: {  	_ = 	snop  }
0x7: {  	_ = 	snop  }
__scs_overlays_trampoline_lowered:
0x8: {  	[smem:$0x3F96] =	sst s0  }
0x9: {  	[smem:$0x3F97] =	sst s1  }
0xa: {  	[smem:$0x3F98] =	sst s2  }
0xb: {  	[smem:$0x3F99] =	sst s3  }
0xc: {  	[smem:$0x3F9A] =	sst s4  }
0xd: {  	[smem:$0x3F9B] =	sst s5  }
0xe: {  	[smem:$0x3F9C] =	sst s6  }
0xf: {  	[smem:$0x3F9D] =	sst s7  }
0x10: {  	[smem:$0x3F9E] =	sst s8  }
0x11: {  	[smem:$0x3F9F] =	sst s9;
	s0 =	simm.s32 @!p0 $0x0  }
0x12: {  	s1 =	sld [smem:$0x3F85];
	s0 =	simm.s32 @p0 $0x1  }
0x13: {  	[smem:$0x3FA0] =	sst s0;
	s0 =	simm.s32 @!p1 $0x0  }
0x14: {  	s2 =	sld [smem:$0x3F84];
	s0 =	simm.s32 @p1 $0x1  }
0x15: {  	[smem:$0x3FA1] =	sst s0;
	s0 =	simm.s32 @!p2 $0x0  }
0x16: {  	s3 =	sld [smem:$0x3FDB];
	s0 =	simm.s32 @p2 $0x1  }
0x17: {  	s4 =	simm.s32 $0x1BF5;
	[smem:$0x3FA3] =	sst s0  }
0x18: {  	s0 =	sld [smem:$0x3F86];
	_ =	swait.ge [sflag:s4], $0x0  }
0x19: {  	s7 =	sld [smem:$0x3F87]  }
0x1a: {  	s8 =	sadd.s32 $0xFFFFE003, lr  }
0x1b: {  	s9 =	sadd.s32 $0xFFFFFEF7, lr;
	s5 =	simm.s32 $0xFFFFFFFF;
	p2 =	slt.u32 s8, $0xFFFFF086  }
0x1c: {  	p1 =	slt.u32 s9, $0xF7A;
	s5 =	simm.s32 @!p2 $0x0  }
0x1d: {  	s5 =	simm.s32 @p1 $0x1;
	p0 =	seq.s32 s7, s2  }
0x1e: {  	s7 =	smul.u32 @!p0 $0xF7A, s2;
	p2 =	seq.s32 @!p0 s5, $0x0  }
0x1f: {  	s9 =	smul.u32 $0xF7A, s1;
	s8 =	simm.s32 @!p0 $0x1BF5;
	p2 =	por !p2, p0  }
0x20: {  	[sflag:s8] =	ssyncset.s32 @!p0 $0xFFFFF086;
	s6 =	sadd.s32 @!p0 s3, s7;
	s7 =	simm.s32 @!p0 $0x108  }
0x21: {  	s3 =	sadd.s32 s3, s9;
	s6 =	sadd.s32 @!p0 $0x88, s6;
	s7 =	simm.s32 @p2 $0x1082  }
0x22: {  	[simem:s7], [sflag:s8] =	dma.local @!p0 [hbm:s6], $0xF7A  }
0x23: {  	s9 =	sor.u32 $0xD0000000, s2;
	s6 =	simm.s32 $0x108;
	_ =	swait.ge @!p0 [sflag:s8], $0x0  }
0x24: {  	s3 =	sadd.s32 $0x88, s3;
	s6 =	simm.s32 @!p1 $0x1082;
	[sflag:s4] =	ssyncset.s32 $0xFFFFF086  }
0x25: {  	[simem:s6], [sflag:s4] =	dma.local [hbm:s3], $0xF7A  }
0x26: {  	[smem:$0x3F87] =	sst s1;
	(tag) =	ssettag s2;
	_ =	strace s9  }
0x27: {  	s1 =	sld [smem:$0x3F97]  }
0x28: {  	s2 =	sld [smem:$0x3F98]  }
0x29: {  	s4 =	sld [smem:$0x3F9A]  }
0x2a: {  	p0 =	seq.s32 s5, $0x0;
	s5 =	sld [smem:$0x3F9B]  }
0x2b: {  	s6 =	sld [smem:$0x3F9C]  }
0x2c: {  	s7 =	sld [smem:$0x3F9D]  }
0x2d: {  	s3 =	simm.s32 $0x108;
	s8 =	sld [smem:$0x3F9E]  }
0x2e: {  	s3 =	simm.s32 @!p0 $0x1082;
	s9 =	sld [smem:$0x3F9F]  }
0x2f: {  	lr =	sadd.s32 s0, s3;
	s0 =	sld [smem:$0x3F96]  }
0x30: {  	s3 =	sld [smem:$0x3F99]  }
0x31: {  	[smem:$0x3FA2] =	sst s10  }
0x32: {  	s10 =	sld [smem:$0x3FA0];
	_ =	sdelay $0x3  }
0x33: {  	p0 =	seq.s32 s10, $0x1;
	s10 =	sld [smem:$0x3FA2];
	_ =	sdelay $0x3  }
0x34: {  	[smem:$0x3FA2] =	sst s10  }
0x35: {  	s10 =	sld [smem:$0x3FA1];
	_ =	sdelay $0x3  }
0x36: {  	p1 =	seq.s32 s10, $0x1;
	s10 =	sld [smem:$0x3FA2];
	_ =	sdelay $0x3  }
0x37: {  	[smem:$0x3FA2] =	sst s10  }
0x38: {  	s10 =	sld [smem:$0x3FA3]  }
0x39: {  	_ = 	snop;
	(pc) =	sbr.ind lr, $3  }
0x3a: {  	_ = 	snop  }
0x3b: {  	_ = 	snop  }
0x3c: {  	p2 =	seq.s32 s10, $0x1;
	s10 =	sld [smem:$0x3FA2]  }
0x3d: {  	_ =	shalt  }
0x3e: {  	_ =	shalt  }
0x3f: {  	_ =	shalt  }
0x40: {  	_ =	shalt  }
0x41: {  	_ =	shalt  }
0x42: {  	_ =	shalt  }
0x43: {  	_ =	shalt  }
0x44: {  	_ =	shalt  }
0x45: {  	_ =	shalt  }
0x46: {  	_ =	shalt  }
0x47: {  	_ =	shalt  }
0x48: {  	_ =	shalt  }
0x49: {  	_ =	shalt  }
0x4a: {  	_ =	shalt  }
0x4b: {  	_ =	shalt  }
0x4c: {  	_ =	shalt  }
0x4d: {  	_ =	shalt  }
0x4e: {  	_ =	shalt  }
0x4f: {  	_ =	shalt  }
0x50: {  	_ =	shalt  }
0x51: {  	_ =	shalt  }
0x52: {  	_ =	shalt  }
0x53: {  	_ =	shalt  }
0x54: {  	_ =	shalt  }
0x55: {  	_ =	shalt  }
0x56: {  	_ =	shalt  }
0x57: {  	_ =	shalt  }
0x58: {  	_ =	shalt  }
0x59: {  	_ =	shalt  }
0x5a: {  	_ =	shalt  }
0x5b: {  	_ =	shalt  }
0x5c: {  	_ =	shalt  }
0x5d: {  	_ =	shalt  }
0x5e: {  	_ =	shalt  }
0x5f: {  	_ =	shalt  }
0x60: {  	_ =	shalt  }
0x61: {  	_ =	shalt  }
0x62: {  	_ =	shalt  }
0x63: {  	_ =	shalt  }
0x64: {  	_ =	shalt  }
0x65: {  	_ =	shalt  }
0x66: {  	_ =	shalt  }
0x67: {  	_ =	shalt  }
0x68: {  	_ =	shalt  }
0x69: {  	_ =	shalt  }
0x6a: {  	_ =	shalt  }
0x6b: {  	_ =	shalt  }
0x6c: {  	_ =	shalt  }
0x6d: {  	_ =	shalt  }
0x6e: {  	_ =	shalt  }
0x6f: {  	_ =	shalt  }
0x70: {  	_ =	shalt  }
0x71: {  	_ =	shalt  }
0x72: {  	_ =	shalt  }
0x73: {  	_ =	shalt  }
0x74: {  	_ =	shalt  }
0x75: {  	_ =	shalt  }
0x76: {  	_ =	shalt  }
0x77: {  	_ =	shalt  }
0x78: {  	_ =	shalt  }
0x79: {  	_ =	shalt  }
0x7a: {  	_ =	shalt  }
0x7b: {  	_ =	shalt  }
0x7c: {  	_ =	shalt  }
0x7d: {  	_ =	shalt  }
0x7e: {  	_ =	shalt  }
0x7f: {  	_ =	shalt  }
0x80: {  	_ =	shalt  }
0x81: {  	_ =	shalt  }
0x82: {  	_ =	shalt  }
0x83: {  	_ =	shalt  }
0x84: {  	_ =	shalt  }
0x85: {  	_ =	shalt  }
0x86: {  	_ =	shalt  }
0x87: {  	_ =	shalt  }
.Lfunc_end0:
.L_simem_size_0:
called_computation.2_lowered:
.L_overlay_start_0:
0x88: {  	s2 =	sld [smem:$0x3FD9]  }
0x89: {  	s3 =	sld [smem:$0x3FFE];
	_ =	sdelay $0x1  }
0x8a: {  	s1 =	srdreg.scid  }
0x8b: {  	s0 =	sand.u32 $0x1, s1  }
0x8c: {  	s16 =	sshll.u32 s0, $0xA;
	s2 =	sadd.s32 s3, s2  }
0x8d: {  	s2 =	sadd.s32 s2, s16  }
0x8e: {  	[smem:$0x3FAE] =	sst s2  }
0x8f: {  	_ = 	snop  }
0x90: {  	(tm) =	ssettm $0x1  }
0x91: {  	s17 =	sld [smem:$0x3FFB];
	_ =	sdelay $0x3  }
0x92: {  	_ =	strace s17  }
0x93: {  	s2 =	sld [smem:$0x3FFC];
	_ =	sdelay $0x3  }
0x94: {  	_ =	strace s2  }
0x95: {  	s2 =	sld [smem:$0x3FFD];
	_ =	sdelay $0x3  }
0x96: {  	_ =	strace s2  }
0x97: {  	_ =	strace $0x8FFFFFFF  }
0x98: {  	s18 =	sld [smem:$0x3FDB];
	_ =	sdelay $0x1  }
0x99: {  	s19 =	simm.s32 $_scs_section_size  }
0x9a: {  	s4 =	simm.s32 $_size__tile_overlayer_lowered;
	s5 =	simm.s32 $_tile_overlayer_lowered  }
0x9b: {  	s22 =	simm.s32 $0x1BFF;
	s21 =	sshll.u32 s5, $0x1;
	s2 =	sadd.s32 s19, s18  }
0x9c: {  	s6 =	simm.s32 $0x0;
	s20 =	sshll.u32 s4, $0x1;
	s4 =	sadd.s32 s21, s2  }
0x9d: {  	[timem:s6], [sflag:s22] =	dma.local [hbm:s4], s20  }
0x9e: {  	_ =	swait.ge [sflag:s22], s20  }
0x9f: {  	s3 =	ssub.s32 $0x0, s20;
	[sflag:s22] =	ssyncset.done $0x0  }
0xa0: {  	[sflag:s22] =	ssyncadd.s32 s3;
	_ =	sdelay $0x1  }
0xa1: {  	s23 =	simm.s32 $0x1B8B  }
0xa2: {  	_ =	swait.ge [sflag:s23], $0x1  }
0xa3: {  	[sflag:s23] =	ssyncset.done $0x0  }
0xa4: {  	s25 =	simm.s32 $0x1B8E;
	s24 =	sld [smem:$0x3FFE];
	[sflag:s23] =	ssyncadd.s32 $0xFFFFFFFF  }
0xa5: {  	s26 =	simm.s32 $execute0_lowered;
	[smem:$0x3FD2] =	sst s25  }
0xa6: {  	s4 =	sshll.u32 s26, $0x1;
	_ =	strace $0x8000004C;
	[dreg:$0x1] =	wrdreg $0xFFFFFFFF  }
0xa7: {  	s28 =	simm.s32 $_size_execute0_lowered;
	s2 =	sadd.s32 s2, s4;
	[dreg:$0x0] =	wrdreg $0x0  }
0xa8: {  	s4 =	sshll.u32 s28, $0x1;
	[dreg:$0x2] =	wrdreg s2  }
0xa9: {  	[dreg:$0x3] =	wrdreg s4  }
0xaa: {  	[dreg:$0x4] =	wrdreg $0xC0  }
0xab: {  	_ =	task [dreg:s6], $0x5FFFF  }
0xac: {  	[dreg:$0x1] =	wrdreg $0xFFFFFFFF  }
0xad: {  	[dreg:$0x0] =	wrdreg $0x60  }
0xae: {  	[dreg:$0x2] =	wrdreg s24  }
0xaf: {  	[dreg:$0x3] =	wrdreg $0x9  }
0xb0: {  	_ =	task.clear_ibuf [dreg:s6], $0x4FFFF;
	_ =	strace $0x9000004C  }
0xb1: {  	s29 =	simm.s32 $0x9;
	_ =	strace $0x8000004E  }
0xb2: {  	_ =	swait.ge [sflag:s29], $0x1  }
0xb3: {  	[sflag:s29] =	ssyncadd.s32 $0xFFFFFFFF  }
0xb4: {  	_ =	strace $0x9000004E  }
0xb5: {  	_ =	sfence  }
0xb6: {  	s30 =	sld [smem:$0x0];
	_ =	sdelay $0x2  }
0xb7: {  	s31 =	sshll.u32 s1, $0xD;
	s1 =	sshrl.u32 s1, $0x2  }
0xb8: {  	s3 =	sand.u32 $0x4000, s31;
	s1 =	sadd.s32 s1, s30  }
0xb9: {  	s0 =	sor.u32 s3, s0;
	s1 =	sshll.u32 s1, $0x11  }
0xba: {  	s0 =	sor.u32 s1, s0  }
0xbb: {  	s0 =	sadd.s32 $0x8F2B, s0  }
0xbc: {  	[sflag:s0] =	ssyncadd.remote.s32 $0x1  }
0xbd: {  	_ =	sfence.sel $0xFFFF  }
0xbe: {  	[dreg:$0x0] =	wrdreg $0xFFFFFFFF;
	(pc) =	sbr.abs _section_cstart, $3  }
0xbf: {  	[dreg:$0x1] =	wrdreg $0xFFFFFFFF  }
0xc0: {  	_ =	task.clear_ibuf [dreg:s6], $0x2FFFF;
	_ =	strace $0x9FFFFFFF  }
0xc1: {  	(tm) =	ssettm $0x7FFFFFFF  }
tec
execute0_lowered:
.L_overlay_start_1:
0x0: {  	(tag) =	ssettag $0x1  }
0x1: {  	s1 =	srdreg.scid;
	s0 =	stileid.u32  }
0x2: {  	s6 =	sand.u32 $0x1, s1;
	s30 =	sshll.u32 s0, $0x1  }
0x3: {  	s8 =	rddreg [dreg:$0x0];
	s7 =	sor.u32 s6, s30  }
0x4: {  	s2 =	simm.s32 $0x0;
	s1 =	rddreg [dreg:$0x1];
	s3 =	smul.u32 $0x271, s7  }
0x5: {  	[smem:$0x7FF] =	sst s2;
	s5 =	sadd.s32 $0x5D600, s8  }
0x6: {  	_ =	strace $0x8000004D;
	s10 =	ssub.s32 $0x2, s6;
	s3 =	sadd.s32 s3, s8  }
0x7: {  	s6 =	simm.s32 $0x1388;
	s4 =	sadd.s32 $0xA200, s3;
	s3 =	simm.s32 $0x2  }
0x8: {  	[tilespmem:s2], [sflag:$0x2] =	stream.linear.gather [hbm4b:s4+s2], $0x1388, $0x38;
	[tilespmem:$0x14C08] =	vst v63  }
0x9: {  	s9 =	smul.u32 $0x2710, s7;
	s11 =	sshrl.u32 s10, $0x1;
	_ =	swait.ge [sflag:s3], $0x1388  }
0xa: {  	s7 =	simm.s32 $0x1;
	s31 =	ssub.s32 s10, s11;
	[sflag:s3] =	ssyncset.done $0x0  }
0xb: {  	s8 =	sadd.s32 s9, s8;
	s9 =	smax.u32 s31, $0x1;
	[sflag:s3] =	ssyncadd.s32 $0xFFFFEC78  }
0xc: {  	[tilespmem:s6], [sflag:$0x1] =	stream.indirect.gather [hbm4b:s5+s6], $0x10, s2, s6, $0xb8;
	[tilespmem:$0x14C08] =	vst v63  }
0xd: {  	p0 =	sne.s32 s9, $0x1;
	_ =	swait.ge [sflag:s7], $0x13880  }
.Ltmp0:
0xe: {  	[sflag:s7] =	ssyncset.done $0x0;
	(pc) =	sbr.rel @!p0 .LBB2_2-.Ltmp0, $4  }
0xf: {  	s8 =	sadd.s32 $0x2FF600, s8;
	[sflag:s7] =	ssyncadd.s32 $0xFFFEC780  }
0x10: {  	[hbm4b:s8+s2] =	stream.linear.scatter [tilespmem:s6], [sflag:$0x2], $0x13880, $0x38;
	[tilespmem:$0x14C08] =	vst v63  }
0x11: {  	_ =	swait.ge [sflag:s3], $0x13880  }
0x12: {  	s9 =	sadd.s32 $0xFFFFFFFF, s9;
	[sflag:s3] =	ssyncset.done $0x0  }
.LBB2_1:
0x13: {  	p0 =	sne.s32 s9, $0x1;
	s9 =	sadd.s32 $0xFFFFFFFF, s9;
	[sflag:s3] =	ssyncadd.s32 $0xFFFEC780  }
0x14: {  	[tilespmem:s2], [sflag:$0x2] =	stream.linear.gather [hbm4b:s4+s2], $0x1388, $0x38;
	[tilespmem:$0x14C08] =	vst v63  }
0x15: {  	_ =	swait.ge [sflag:s3], $0x1388  }
0x16: {  	[sflag:s3] =	ssyncset.done $0x0  }
0x17: {  	[sflag:s3] =	ssyncadd.s32 $0xFFFFEC78  }
0x18: {  	[tilespmem:s6], [sflag:$0x1] =	stream.indirect.gather [hbm4b:s5+s6], $0x10, s2, s6, $0xb8;
	[tilespmem:$0x14C08] =	vst v63  }
0x19: {  	_ =	swait.ge [sflag:s7], $0x13880  }
.Ltmp1:
0x1a: {  	[sflag:s7] =	ssyncset.done $0x0;
	(pc) =	sbr.rel @p0 .LBB2_1-.Ltmp1, $4  }
0x1b: {  	[sflag:s7] =	ssyncadd.s32 $0xFFFEC780  }
0x1c: {  	[hbm4b:s8+s2] =	stream.linear.scatter [tilespmem:s6], [sflag:$0x2], $0x13880, $0x38;
	[tilespmem:$0x14C08] =	vst v63  }
0x1d: {  	_ =	swait.ge [sflag:s3], $0x13880  }
0x1e: {  	[sflag:s3] =	ssyncset.done $0x0  }
.LBB2_2:
0x1f: {  	[sflag:s3] =	ssyncadd.s32 $0xFFFEC780  }
0x20: {  	_ =	sfence.sel $0x180000  }
0x21: {  	[bflag:$0x0] =	sbarrier.arrive $0xFFFF  }
0x22: {  	p0 =	sne.s32 s0, $0x0;
	_ =	strace $0x9000004D  }
0x23: {  	s0 =	sadd.s32 @!p0 $0x100000, s1;
	[bflag:$0x2] =	sbarrier.arrive $0xFFFF  }
0x24: {  	[sflag:s0] =	ssyncadd.tile.s32 @!p0 $0x1;
	_ =	shalt  }
.Lfunc_end2:
_tile_overlayer_lowered:
.L_overlay_start_2:
0x25: {  	(tag) =	ssettag $0x2  }
0x26: {  	s0 =	rddreg [dreg:$0x0];
	s2 =	stileid.u32  }
0x27: {  	s1 =	rddreg [dreg:$0x1];
	p0 =	sne.s32 s2, $0x0  }
0x28: {  	s3 =	rddreg [dreg:$0x2];
	[bflag:$0x3] =	sbarrier.arrive $0xFFFF;
	s2 =	simm.s32 @!p0 $0x1C02  }
0x29: {  	[timem:s3], [sflag:s2] =	dma.local @!p0 [hbm:s0], s1  }
0x2a: {  	s0 =	simm.s32 @!p0 $0x2  }
0x2b: {  	_ =	swait.ge @!p0 [sflag:s0], s1  }
0x2c: {  	s1 =	ssub.s32 @!p0 $0x0, s1;
	[sflag:s0] =	ssyncset.done @!p0 $0x0  }
0x2d: {  	[sflag:s0] =	ssyncadd.s32 @!p0 s1  }
0x2e: {  	[bflag:$0x3] =	sbarrier.arrive $0xFFFF  }
0x2f: {  	_ =	shalt  }

// kernel: kernel.29.cloned.1.call-start
scs
__scs_entry_jumppad:
0x0: {  	(pc) =	sbr.rel $0x88, $3  }
0x1: {  	(tag) =	ssettag $0x0;
	lr =	simm.s32 $0x1  }
0x2: {  	[smem:$0x3F87] =	sst lr;
	_ =	strace $0xD0000000  }
0x3: {  	_ = 	snop  }
0x4: {  	_ = 	snop  }
0x5: {  	_ = 	snop  }
0x6: {  	_ = 	snop  }
0x7: {  	_ = 	snop  }
__scs_overlays_trampoline_lowered:
0x8: {  	[smem:$0x3F96] =	sst s0  }
0x9: {  	[smem:$0x3F97] =	sst s1  }
0xa: {  	[smem:$0x3F98] =	sst s2  }
0xb: {  	[smem:$0x3F99] =	sst s3  }
0xc: {  	[smem:$0x3F9A] =	sst s4  }
0xd: {  	[smem:$0x3F9B] =	sst s5  }
0xe: {  	[smem:$0x3F9C] =	sst s6  }
0xf: {  	[smem:$0x3F9D] =	sst s7  }
0x10: {  	[smem:$0x3F9E] =	sst s8  }
0x11: {  	[smem:$0x3F9F] =	sst s9;
	s0 =	simm.s32 @!p0 $0x0  }
0x12: {  	s1 =	sld [smem:$0x3F85];
	s0 =	simm.s32 @p0 $0x1  }
0x13: {  	[smem:$0x3FA0] =	sst s0;
	s0 =	simm.s32 @!p1 $0x0  }
0x14: {  	s2 =	sld [smem:$0x3F84];
	s0 =	simm.s32 @p1 $0x1  }
0x15: {  	[smem:$0x3FA1] =	sst s0;
	s0 =	simm.s32 @!p2 $0x0  }
0x16: {  	s3 =	sld [smem:$0x3FDB];
	s0 =	simm.s32 @p2 $0x1  }
0x17: {  	s4 =	simm.s32 $0x1BF5;
	[smem:$0x3FA3] =	sst s0  }
0x18: {  	s0 =	sld [smem:$0x3F86];
	_ =	swait.ge [sflag:s4], $0x0  }
0x19: {  	s7 =	sld [smem:$0x3F87]  }
0x1a: {  	s8 =	sadd.s32 $0xFFFFE003, lr  }
0x1b: {  	s9 =	sadd.s32 $0xFFFFFEF7, lr;
	s5 =	simm.s32 $0xFFFFFFFF;
	p2 =	slt.u32 s8, $0xFFFFF086  }
0x1c: {  	p1 =	slt.u32 s9, $0xF7A;
	s5 =	simm.s32 @!p2 $0x0  }
0x1d: {  	s5 =	simm.s32 @p1 $0x1;
	p0 =	seq.s32 s7, s2  }
0x1e: {  	s7 =	smul.u32 @!p0 $0xF7A, s2;
	p2 =	seq.s32 @!p0 s5, $0x0  }
0x1f: {  	s9 =	smul.u32 $0xF7A, s1;
	s8 =	simm.s32 @!p0 $0x1BF5;
	p2 =	por !p2, p0  }
0x20: {  	[sflag:s8] =	ssyncset.s32 @!p0 $0xFFFFF086;
	s6 =	sadd.s32 @!p0 s3, s7;
	s7 =	simm.s32 @!p0 $0x108  }
0x21: {  	s3 =	sadd.s32 s3, s9;
	s6 =	sadd.s32 @!p0 $0x88, s6;
	s7 =	simm.s32 @p2 $0x1082  }
0x22: {  	[simem:s7], [sflag:s8] =	dma.local @!p0 [hbm:s6], $0xF7A  }
0x23: {  	s9 =	sor.u32 $0xD0000000, s2;
	s6 =	simm.s32 $0x108;
	_ =	swait.ge @!p0 [sflag:s8], $0x0  }
0x24: {  	s3 =	sadd.s32 $0x88, s3;
	s6 =	simm.s32 @!p1 $0x1082;
	[sflag:s4] =	ssyncset.s32 $0xFFFFF086  }
0x25: {  	[simem:s6], [sflag:s4] =	dma.local [hbm:s3], $0xF7A  }
0x26: {  	[smem:$0x3F87] =	sst s1;
	(tag) =	ssettag s2;
	_ =	strace s9  }
0x27: {  	s1 =	sld [smem:$0x3F97]  }
0x28: {  	s2 =	sld [smem:$0x3F98]  }
0x29: {  	s4 =	sld [smem:$0x3F9A]  }
0x2a: {  	p0 =	seq.s32 s5, $0x0;
	s5 =	sld [smem:$0x3F9B]  }
0x2b: {  	s6 =	sld [smem:$0x3F9C]  }
0x2c: {  	s7 =	sld [smem:$0x3F9D]  }
0x2d: {  	s3 =	simm.s32 $0x108;
	s8 =	sld [smem:$0x3F9E]  }
0x2e: {  	s3 =	simm.s32 @!p0 $0x1082;
	s9 =	sld [smem:$0x3F9F]  }
0x2f: {  	lr =	sadd.s32 s0, s3;
	s0 =	sld [smem:$0x3F96]  }
0x30: {  	s3 =	sld [smem:$0x3F99]  }
0x31: {  	[smem:$0x3FA2] =	sst s10  }
0x32: {  	s10 =	sld [smem:$0x3FA0];
	_ =	sdelay $0x3  }
0x33: {  	p0 =	seq.s32 s10, $0x1;
	s10 =	sld [smem:$0x3FA2];
	_ =	sdelay $0x3  }
0x34: {  	[smem:$0x3FA2] =	sst s10  }
0x35: {  	s10 =	sld [smem:$0x3FA1];
	_ =	sdelay $0x3  }
0x36: {  	p1 =	seq.s32 s10, $0x1;
	s10 =	sld [smem:$0x3FA2];
	_ =	sdelay $0x3  }
0x37: {  	[smem:$0x3FA2] =	sst s10  }
0x38: {  	s10 =	sld [smem:$0x3FA3]  }
0x39: {  	_ = 	snop;
	(pc) =	sbr.ind lr, $3  }
0x3a: {  	_ = 	snop  }
0x3b: {  	_ = 	snop  }
0x3c: {  	p2 =	seq.s32 s10, $0x1;
	s10 =	sld [smem:$0x3FA2]  }
0x3d: {  	_ =	shalt  }
0x3e: {  	_ =	shalt  }
0x3f: {  	_ =	shalt  }
0x40: {  	_ =	shalt  }
0x41: {  	_ =	shalt  }
0x42: {  	_ =	shalt  }
0x43: {  	_ =	shalt  }
0x44: {  	_ =	shalt  }
0x45: {  	_ =	shalt  }
0x46: {  	_ =	shalt  }
0x47: {  	_ =	shalt  }
0x48: {  	_ =	shalt  }
0x49: {  	_ =	shalt  }
0x4a: {  	_ =	shalt  }
0x4b: {  	_ =	shalt  }
0x4c: {  	_ =	shalt  }
0x4d: {  	_ =	shalt  }
0x4e: {  	_ =	shalt  }
0x4f: {  	_ =	shalt  }
0x50: {  	_ =	shalt  }
0x51: {  	_ =	shalt  }
0x52: {  	_ =	shalt  }
0x53: {  	_ =	shalt  }
0x54: {  	_ =	shalt  }
0x55: {  	_ =	shalt  }
0x56: {  	_ =	shalt  }
0x57: {  	_ =	shalt  }
0x58: {  	_ =	shalt  }
0x59: {  	_ =	shalt  }
0x5a: {  	_ =	shalt  }
0x5b: {  	_ =	shalt  }
0x5c: {  	_ =	shalt  }
0x5d: {  	_ =	shalt  }
0x5e: {  	_ =	shalt  }
0x5f: {  	_ =	shalt  }
0x60: {  	_ =	shalt  }
0x61: {  	_ =	shalt  }
0x62: {  	_ =	shalt  }
0x63: {  	_ =	shalt  }
0x64: {  	_ =	shalt  }
0x65: {  	_ =	shalt  }
0x66: {  	_ =	shalt  }
0x67: {  	_ =	shalt  }
0x68: {  	_ =	shalt  }
0x69: {  	_ =	shalt  }
0x6a: {  	_ =	shalt  }
0x6b: {  	_ =	shalt  }
0x6c: {  	_ =	shalt  }
0x6d: {  	_ =	shalt  }
0x6e: {  	_ =	shalt  }
0x6f: {  	_ =	shalt  }
0x70: {  	_ =	shalt  }
0x71: {  	_ =	shalt  }
0x72: {  	_ =	shalt  }
0x73: {  	_ =	shalt  }
0x74: {  	_ =	shalt  }
0x75: {  	_ =	shalt  }
0x76: {  	_ =	shalt  }
0x77: {  	_ =	shalt  }
0x78: {  	_ =	shalt  }
0x79: {  	_ =	shalt  }
0x7a: {  	_ =	shalt  }
0x7b: {  	_ =	shalt  }
0x7c: {  	_ =	shalt  }
0x7d: {  	_ =	shalt  }
0x7e: {  	_ =	shalt  }
0x7f: {  	_ =	shalt  }
0x80: {  	_ =	shalt  }
0x81: {  	_ =	shalt  }
0x82: {  	_ =	shalt  }
0x83: {  	_ =	shalt  }
0x84: {  	_ =	shalt  }
0x85: {  	_ =	shalt  }
0x86: {  	_ =	shalt  }
0x87: {  	_ =	shalt  }
.Lfunc_end0:
.L_simem_size_0:
called_computation.3_lowered:
.L_overlay_start_0:
0x88: {  	s2 =	sld [smem:$0x3FD9]  }
0x89: {  	s3 =	sld [smem:$0x3FFE];
	_ =	sdelay $0x1  }
0x8a: {  	s1 =	srdreg.scid  }
0x8b: {  	s0 =	sand.u32 $0x1, s1  }
0x8c: {  	s16 =	sshll.u32 s0, $0xA;
	s2 =	sadd.s32 s3, s2  }
0x8d: {  	s2 =	sadd.s32 s2, s16  }
0x8e: {  	[smem:$0x3FAE] =	sst s2  }
0x8f: {  	_ = 	snop  }
0x90: {  	(tm) =	ssettm $0x1  }
0x91: {  	s17 =	sld [smem:$0x3FFB];
	_ =	sdelay $0x3  }
0x92: {  	_ =	strace s17  }
0x93: {  	s2 =	sld [smem:$0x3FFC];
	_ =	sdelay $0x3  }
0x94: {  	_ =	strace s2  }
0x95: {  	s2 =	sld [smem:$0x3FFD];
	_ =	sdelay $0x3  }
0x96: {  	_ =	strace s2  }
0x97: {  	_ =	strace $0x8FFFFFFF  }
0x98: {  	s18 =	sld [smem:$0x3FDB];
	_ =	sdelay $0x1  }
0x99: {  	s19 =	simm.s32 $_scs_section_size  }
0x9a: {  	s4 =	simm.s32 $_size__tile_overlayer_lowered;
	s5 =	simm.s32 $_tile_overlayer_lowered  }
0x9b: {  	s22 =	simm.s32 $0x1BFF;
	s21 =	sshll.u32 s5, $0x1;
	s2 =	sadd.s32 s19, s18  }
0x9c: {  	s6 =	simm.s32 $0x0;
	s20 =	sshll.u32 s4, $0x1;
	s4 =	sadd.s32 s21, s2  }
0x9d: {  	[timem:s6], [sflag:s22] =	dma.local [hbm:s4], s20  }
0x9e: {  	_ =	swait.ge [sflag:s22], s20  }
0x9f: {  	s3 =	ssub.s32 $0x0, s20;
	[sflag:s22] =	ssyncset.done $0x0  }
0xa0: {  	[sflag:s22] =	ssyncadd.s32 s3;
	_ =	sdelay $0x1  }
0xa1: {  	s23 =	simm.s32 $0x1B8B  }
0xa2: {  	_ =	swait.ge [sflag:s23], $0x1  }
0xa3: {  	[sflag:s23] =	ssyncset.done $0x0  }
0xa4: {  	s25 =	simm.s32 $0x1B8E;
	s24 =	sld [smem:$0x3FFE];
	[sflag:s23] =	ssyncadd.s32 $0xFFFFFFFF  }
0xa5: {  	s26 =	simm.s32 $execute0_lowered;
	[smem:$0x3FD2] =	sst s25  }
0xa6: {  	s4 =	sshll.u32 s26, $0x1;
	_ =	strace $0x8000004F;
	[dreg:$0x1] =	wrdreg $0xFFFFFFFF  }
0xa7: {  	s28 =	simm.s32 $_size_execute0_lowered;
	s2 =	sadd.s32 s2, s4;
	[dreg:$0x0] =	wrdreg $0x0  }
0xa8: {  	s4 =	sshll.u32 s28, $0x1;
	[dreg:$0x2] =	wrdreg s2  }
0xa9: {  	[dreg:$0x3] =	wrdreg s4  }
0xaa: {  	[dreg:$0x4] =	wrdreg $0xC0  }
0xab: {  	_ =	task [dreg:s6], $0x5FFFF  }
0xac: {  	[dreg:$0x1] =	wrdreg $0xFFFFFFFF  }
0xad: {  	[dreg:$0x0] =	wrdreg $0x60  }
0xae: {  	[dreg:$0x2] =	wrdreg s24  }
0xaf: {  	[dreg:$0x3] =	wrdreg $0x14C800  }
0xb0: {  	[dreg:$0x4] =	wrdreg $0x9  }
0xb1: {  	_ =	task.clear_ibuf [dreg:s6], $0x5FFFF;
	_ =	strace $0x9000004F  }
0xb2: {  	s29 =	simm.s32 $0x9;
	_ =	strace $0x80000051  }
0xb3: {  	_ =	swait.ge [sflag:s29], $0x1  }
0xb4: {  	[sflag:s29] =	ssyncadd.s32 $0xFFFFFFFF  }
0xb5: {  	_ =	strace $0x90000051  }
0xb6: {  	_ =	sfence  }
0xb7: {  	s30 =	sld [smem:$0x0];
	_ =	sdelay $0x2  }
0xb8: {  	s31 =	sshll.u32 s1, $0xD;
	s1 =	sshrl.u32 s1, $0x2  }
0xb9: {  	s3 =	sand.u32 $0x4000, s31;
	s1 =	sadd.s32 s1, s30  }
0xba: {  	s0 =	sor.u32 s3, s0;
	s1 =	sshll.u32 s1, $0x11  }
0xbb: {  	s0 =	sor.u32 s1, s0  }
0xbc: {  	s0 =	sadd.s32 $0x8F2B, s0  }
0xbd: {  	[sflag:s0] =	ssyncadd.remote.s32 $0x1  }
0xbe: {  	_ =	sfence.sel $0xFFFF  }
0xbf: {  	[dreg:$0x0] =	wrdreg $0xFFFFFFFF;
	(pc) =	sbr.abs _section_cstart, $3  }
0xc0: {  	[dreg:$0x1] =	wrdreg $0xFFFFFFFF  }
0xc1: {  	_ =	task.clear_ibuf [dreg:s6], $0x2FFFF;
	_ =	strace $0x9FFFFFFF  }
0xc2: {  	(tm) =	ssettm $0x7FFFFFFF  }
0xc3: {  	_ =	shalt  }
tec
execute0_lowered:
.L_overlay_start_1:
0x0: {  	(tag) =	ssettag $0x1  }
0x1: {  	s1 =	srdreg.scid;
	s5 =	rddreg [dreg:$0x0]  }
0x2: {  	s0 =	stileid.u32;
	s2 =	rddreg [dreg:$0x1]  }
0x3: {  	s4 =	sand.u32 $0x1, s1;
	s29 =	sshll.u32 s0, $0x1;
	s8 =	smul.u32 $0x2710, s0  }
0x4: {  	s3 =	simm.s32 $0x0;
	s1 =	sor.u32 s4, s29;
	s9 =	smul.u32 $0x27100, s4  }
0x5: {  	s13 =	simm.s32 $0x0;
	[smem:$0x7FF] =	sst s3;
	s6 =	smul.u32 $0x2710, s1  }
0x6: {  	s11 =	sshll.u32 s0, $0x6;
	s4 =	ssub.s32 $0x2, s4;
	s7 =	smul.u32 $0x280, s1  }
0x7: {  	s1 =	rddreg [dreg:$0x2];
	_ =	strace $0x80000050;
	s10 =	sshrl.u32 s8, $0x3  }
0x8: {  	s30 =	sshrl.u32 s4, $0x1;
	s31 =	sadd.s32 s8, s2;
	s9 =	sadd.s32 s8, s9  }
0x9: {  	s10 =	sadd.s32 s10, s5;
	s12 =	ssub.s32 s4, s30;
	s6 =	sadd.s32 s6, s5  }
0xa: {  	s7 =	sadd.s32 s7, s5;
	s9 =	sshrl.u32 s9, $0x3;
	s4 =	sadd.s32 $0x84600, s10  }
0xb: {  	s10 =	sshrl.u32 s31, $0x3;
	s9 =	sadd.s32 s9, s5;
	s5 =	sor.u32 $0x1C01, s11  }
0xc: {  	s6 =	sadd.s32 $0x7E1600, s6;
	s7 =	sadd.s32 $0x2FA600, s7;
	s11 =	simm.s32 $0x1  }
0xd: {  	s8 =	sadd.s32 $0x5D600, s9;
	s9 =	smax.u32 s12, $0x1;
	s12 =	simm.s32 $0x7D  }
.LBB2_1:
0xe: {  	[spmem:s10], [sflag:s5] =	dma.local [hbm:s4], $0x4E2  }
0xf: {  	_ =	swait.ge [sflag:s11], $0x4E2  }
0x10: {  	[sflag:s11] =	ssyncset.done $0x0  }
0x11: {  	[sflag:s11] =	ssyncadd.s32 $0xFFFFFB1E  }
0x12: {  	s14 =	simm.s32 $0x1400;
	[bflag:$0x0] =	sbarrier.arrive $0xFFFF  }
0x13: {  	[tilespmem:s14], [sflag:$0x1] =	stream.linear.gather [hbm4b:s6+s3], $0x13880, $0x38;
	[tilespmem:$0x17390] =	vst v63  }
0x14: {  	_ =	swait.ge [sflag:s11], $0x13880  }
0x15: {  	[sflag:s11] =	ssyncset.done $0x0  }
0x16: {  	[sflag:s11] =	ssyncadd.s32 $0xFFFEC780  }
0x17: {  	[tilespmem:s3], [sflag:$0x1] =	stream.linear.gather [hbm4b:s7+s3], $0x1400, $0x38;
	[tilespmem:$0x17390] =	vst v63  }
0x18: {  	_ =	swait.ge [sflag:s11], $0x1400  }
0x19: {  	[sflag:s11] =	ssyncset.done $0x0  }
0x1a: {  	s15 =	simm.s32 $0x0;
	[sflag:s11] =	ssyncadd.s32 $0xFFFFEC00  }
0x1b: {  	[spmem:s2] =	stream.indirect.scatter.add.f32 [tilespmem:s14], [sflag:$0x1], $0x10, s15, s12, $0xb8;
	[tilespmem:$0x17390] =	vst v63  }
0x1c: {  	_ =	swait.ge [sflag:s11], $0x7D0  }
0x1d: {  	s15 =	simm.s32 $0x200;
	[sflag:s11] =	ssyncset.done $0x0  }
.LBB2_2:
0x1e: {  	s16 =	sshra.s32 s15, $0x2  }
0x1f: {  	[sflag:s11] =	ssyncadd.s32 $0xFFFFF830;
	s14 =	sadd.s32 $0x7D0, s14;
	p0 =	sne.s32 s15, $0x4E00  }
0x20: {  	[spmem:s2] =	stream.indirect.scatter.add.f32 [tilespmem:s14], [sflag:$0x1], $0x10, s16, s12, $0xb8;
	[tilespmem:$0x17390] =	vst v63  }
.Ltmp0:
0x21: {  	_ = 	snop;
	(pc) =	sbr.rel @p0 .LBB2_2-.Ltmp0, $4  }
0x22: {  	_ = 	snop  }
0x23: {  	s15 =	sadd.s32 $0x200, s15  }
0x24: {  	_ =	swait.ge [sflag:s11], $0x7D0  }
0x25: {  	[sflag:s11] =	ssyncset.done $0x0  }
0x26: {  	s13 =	sadd.s32 $0x1, s13  }
0x27: {  	[sflag:s11] =	ssyncadd.s32 $0xFFFFF830;
	p0 =	sne.s32 s13, s9  }
.Ltmp1:
0x28: {  	[bflag:$0x0] =	sbarrier.arrive $0xFFFF;
	(pc) =	sbr.rel @p0 .LBB2_1-.Ltmp1, $4  }
0x29: {  	[hbm:s8], [sflag:s5] =	dma.local [spmem:s10], $0x4E2  }
0x2a: {  	_ =	swait.ge [sflag:s11], $0x4E2  }
0x2b: {  	[sflag:s11] =	ssyncset.done $0x0  }
0x2c: {  	[sflag:s11] =	ssyncadd.s32 $0xFFFFFB1E  }
0x2d: {  	_ =	sfence.sel $0x180000  }
0x2e: {  	[bflag:$0x0] =	sbarrier.arrive $0xFFFF  }
0x2f: {  	p0 =	sne.s32 s0, $0x0;
	_ =	strace $0x90000050  }
0x30: {  	s0 =	sadd.s32 @!p0 $0x100000, s1;
	[bflag:$0x2] =	sbarrier.arrive $0xFFFF  }
0x31: {  	[sflag:s0] =	ssyncadd.tile.s32 @!p0 $0x1;
	_ =	shalt  }
.Lfunc_end2:
_tile_overlayer_lowered:
.L_overlay_start_2:
0x32: {  	(tag) =	ssettag $0x2  }
0x33: {  	s0 =	rddreg [dreg:$0x0];
	s2 =	stileid.u32  }
0x34: {  	s1 =	rddreg [dreg:$0x1];
	p0 =	sne.s32 s2, $0x0  }
0x35: {  	s3 =	rddreg [dreg:$0x2];
	[bflag:$0x3] =	sbarrier.arrive $0xFFFF;
	s2 =	simm.s32 @!p0 $0x1C01  }
0x36: {  	[timem:s3], [sflag:s2] =	dma.local @!p0 [hbm:s0], s1  }
0x37: {  	s0 =	simm.s32 @!p0 $0x1  }
0x38: {  	_ =	swait.ge @!p0 [sflag:s0], s1  }
0x39: {  	s1 =	ssub.s32 @!p0 $0x0, s1;
	[sflag:s0] =	ssyncset.done @!p0 $0x0  }
0x3a: {  	[sflag:s0] =	ssyncadd.s32 @!p0 s1  }
0x3b: {  	[bflag:$0x3] =	sbarrier.arrive $0xFFFF  }
0x3c: {  	_ =	shalt  }

// kernel: kernel.32.cloned.1.call-start
scs
__scs_entry_jumppad:
0x0: {  	(pc) =	sbr.rel $0x88, $3  }
0x1: {  	(tag) =	ssettag $0x0;
	lr =	simm.s32 $0x1  }
0x2: {  	[smem:$0x3F87] =	sst lr;
	_ =	strace $0xD0000000  }
0x3: {  	_ = 	snop  }
0x4: {  	_ = 	snop  }
0x5: {  	_ = 	snop  }
0x6: {  	_ = 	snop  }
0x7: {  	_ = 	snop  }
__scs_overlays_trampoline_lowered:
0x8: {  	[smem:$0x3F96] =	sst s0  }
0x9: {  	[smem:$0x3F97] =	sst s1  }
0xa: {  	[smem:$0x3F98] =	sst s2  }
0xb: {  	[smem:$0x3F99] =	sst s3  }
0xc: {  	[smem:$0x3F9A] =	sst s4  }
0xd: {  	[smem:$0x3F9B] =	sst s5  }
0xe: {  	[smem:$0x3F9C] =	sst s6  }
0xf: {  	[smem:$0x3F9D] =	sst s7  }
0x10: {  	[smem:$0x3F9E] =	sst s8  }
0x11: {  	[smem:$0x3F9F] =	sst s9;
	s0 =	simm.s32 @!p0 $0x0  }
0x12: {  	s1 =	sld [smem:$0x3F85];
	s0 =	simm.s32 @p0 $0x1  }
0x13: {  	[smem:$0x3FA0] =	sst s0;
	s0 =	simm.s32 @!p1 $0x0  }
0x14: {  	s2 =	sld [smem:$0x3F84];
	s0 =	simm.s32 @p1 $0x1  }
0x15: {  	[smem:$0x3FA1] =	sst s0;
	s0 =	simm.s32 @!p2 $0x0  }
0x16: {  	s3 =	sld [smem:$0x3FDB];
	s0 =	simm.s32 @p2 $0x1  }
0x17: {  	s4 =	simm.s32 $0x1BF5;
	[smem:$0x3FA3] =	sst s0  }
0x18: {  	s0 =	sld [smem:$0x3F86];
	_ =	swait.ge [sflag:s4], $0x0  }
0x19: {  	s7 =	sld [smem:$0x3F87]  }
0x1a: {  	s8 =	sadd.s32 $0xFFFFE003, lr  }
0x1b: {  	s9 =	sadd.s32 $0xFFFFFEF7, lr;
	s5 =	simm.s32 $0xFFFFFFFF;
	p2 =	slt.u32 s8, $0xFFFFF086  }
0x1c: {  	p1 =	slt.u32 s9, $0xF7A;
	s5 =	simm.s32 @!p2 $0x0  }
0x1d: {  	s5 =	simm.s32 @p1 $0x1;
	p0 =	seq.s32 s7, s2  }
0x1e: {  	s7 =	smul.u32 @!p0 $0xF7A, s2;
	p2 =	seq.s32 @!p0 s5, $0x0  }
0x1f: {  	s9 =	smul.u32 $0xF7A, s1;
	s8 =	simm.s32 @!p0 $0x1BF5;
	p2 =	por !p2, p0  }
0x20: {  	[sflag:s8] =	ssyncset.s32 @!p0 $0xFFFFF086;
	s6 =	sadd.s32 @!p0 s3, s7;
	s7 =	simm.s32 @!p0 $0x108  }
0x21: {  	s3 =	sadd.s32 s3, s9;
	s6 =	sadd.s32 @!p0 $0x88, s6;
	s7 =	simm.s32 @p2 $0x1082  }
0x22: {  	[simem:s7], [sflag:s8] =	dma.local @!p0 [hbm:s6], $0xF7A  }
0x23: {  	s9 =	sor.u32 $0xD0000000, s2;
	s6 =	simm.s32 $0x108;
	_ =	swait.ge @!p0 [sflag:s8], $0x0  }
0x24: {  	s3 =	sadd.s32 $0x88, s3;
	s6 =	simm.s32 @!p1 $0x1082;
	[sflag:s4] =	ssyncset.s32 $0xFFFFF086  }
0x25: {  	[simem:s6], [sflag:s4] =	dma.local [hbm:s3], $0xF7A  }
0x26: {  	[smem:$0x3F87] =	sst s1;
	(tag) =	ssettag s2;
	_ =	strace s9  }
0x27: {  	s1 =	sld [smem:$0x3F97]  }
0x28: {  	s2 =	sld [smem:$0x3F98]  }
0x29: {  	s4 =	sld [smem:$0x3F9A]  }
0x2a: {  	p0 =	seq.s32 s5, $0x0;
	s5 =	sld [smem:$0x3F9B]  }
0x2b: {  	s6 =	sld [smem:$0x3F9C]  }
0x2c: {  	s7 =	sld [smem:$0x3F9D]  }
0x2d: {  	s3 =	simm.s32 $0x108;
	s8 =	sld [smem:$0x3F9E]  }
0x2e: {  	s3 =	simm.s32 @!p0 $0x1082;
	s9 =	sld [smem:$0x3F9F]  }
0x2f: {  	lr =	sadd.s32 s0, s3;
	s0 =	sld [smem:$0x3F96]  }
0x30: {  	s3 =	sld [smem:$0x3F99]  }
0x31: {  	[smem:$0x3FA2] =	sst s10  }
0x32: {  	s10 =	sld [smem:$0x3FA0];
	_ =	sdelay $0x3  }
0x33: {  	p0 =	seq.s32 s10, $0x1;
	s10 =	sld [smem:$0x3FA2];
	_ =	sdelay $0x3  }
0x34: {  	[smem:$0x3FA2] =	sst s10  }
0x35: {  	s10 =	sld [smem:$0x3FA1];
	_ =	sdelay $0x3  }
0x36: {  	p1 =	seq.s32 s10, $0x1;
	s10 =	sld [smem:$0x3FA2];
	_ =	sdelay $0x3  }
0x37: {  	[smem:$0x3FA2] =	sst s10  }
0x38: {  	s10 =	sld [smem:$0x3FA3]  }
0x39: {  	_ = 	snop;
	(pc) =	sbr.ind lr, $3  }
0x3a: {  	_ = 	snop  }
0x3b: {  	_ = 	snop  }
0x3c: {  	p2 =	seq.s32 s10, $0x1;
	s10 =	sld [smem:$0x3FA2]  }
0x3d: {  	_ =	shalt  }
0x3e: {  	_ =	shalt  }
0x3f: {  	_ =	shalt  }
0x40: {  	_ =	shalt  }
0x41: {  	_ =	shalt  }
0x42: {  	_ =	shalt  }
0x43: {  	_ =	shalt  }
0x44: {  	_ =	shalt  }
0x45: {  	_ =	shalt  }
0x46: {  	_ =	shalt  }
0x47: {  	_ =	shalt  }
0x48: {  	_ =	shalt  }
0x49: {  	_ =	shalt  }
0x4a: {  	_ =	shalt  }
0x4b: {  	_ =	shalt  }
0x4c: {  	_ =	shalt  }
0x4d: {  	_ =	shalt  }
0x4e: {  	_ =	shalt  }
0x4f: {  	_ =	shalt  }
0x50: {  	_ =	shalt  }
0x51: {  	_ =	shalt  }
0x52: {  	_ =	shalt  }
0x53: {  	_ =	shalt  }
0x54: {  	_ =	shalt  }
0x55: {  	_ =	shalt  }
0x56: {  	_ =	shalt  }
0x57: {  	_ =	shalt  }
0x58: {  	_ =	shalt  }
0x59: {  	_ =	shalt  }
0x5a: {  	_ =	shalt  }
0x5b: {  	_ =	shalt  }
0x5c: {  	_ =	shalt  }
0x5d: {  	_ =	shalt  }
0x5e: {  	_ =	shalt  }
0x5f: {  	_ =	shalt  }
0x60: {  	_ =	shalt  }
0x61: {  	_ =	shalt  }
0x62: {  	_ =	shalt  }
0x63: {  	_ =	shalt  }
0x64: {  	_ =	shalt  }
0x65: {  	_ =	shalt  }
0x66: {  	_ =	shalt  }
0x67: {  	_ =	shalt  }
0x68: {  	_ =	shalt  }
0x69: {  	_ =	shalt  }
0x6a: {  	_ =	shalt  }
0x6b: {  	_ =	shalt  }
0x6c: {  	_ =	shalt  }
0x6d: {  	_ =	shalt  }
0x6e: {  	_ =	shalt  }
0x6f: {  	_ =	shalt  }
0x70: {  	_ =	shalt  }
0x71: {  	_ =	shalt  }
0x72: {  	_ =	shalt  }
0x73: {  	_ =	shalt  }
0x74: {  	_ =	shalt  }
0x75: {  	_ =	shalt  }
0x76: {  	_ =	shalt  }
0x77: {  	_ =	shalt  }
0x78: {  	_ =	shalt  }
0x79: {  	_ =	shalt  }
0x7a: {  	_ =	shalt  }
0x7b: {  	_ =	shalt  }
0x7c: {  	_ =	shalt  }
0x7d: {  	_ =	shalt  }
0x7e: {  	_ =	shalt  }
0x7f: {  	_ =	shalt  }
0x80: {  	_ =	shalt  }
0x81: {  	_ =	shalt  }
0x82: {  	_ =	shalt  }
0x83: {  	_ =	shalt  }
0x84: {  	_ =	shalt  }
0x85: {  	_ =	shalt  }
0x86: {  	_ =	shalt  }
0x87: {  	_ =	shalt  }
.Lfunc_end0:
.L_simem_size_0:
called_computation.4_lowered:
.L_overlay_start_0:
0x88: {  	s2 =	sld [smem:$0x3FD9]  }
0x89: {  	s3 =	sld [smem:$0x3FFE];
	_ =	sdelay $0x1  }
0x8a: {  	s1 =	srdreg.scid  }
0x8b: {  	s0 =	sand.u32 $0x1, s1  }
0x8c: {  	s16 =	sshll.u32 s0, $0xA;
	s2 =	sadd.s32 s3, s2  }
0x8d: {  	s2 =	sadd.s32 s2, s16  }
0x8e: {  	[smem:$0x3FAE] =	sst s2  }
0x8f: {  	_ = 	snop  }
0x90: {  	(tm) =	ssettm $0x1  }
0x91: {  	s17 =	sld [smem:$0x3FFB];
	_ =	sdelay $0x3  }
0x92: {  	_ =	strace s17  }
0x93: {  	s2 =	sld [smem:$0x3FFC];
	_ =	sdelay $0x3  }
0x94: {  	_ =	strace s2  }
0x95: {  	s2 =	sld [smem:$0x3FFD];
	_ =	sdelay $0x3  }
0x96: {  	_ =	strace s2  }
0x97: {  	_ =	strace $0x8FFFFFFF  }
0x98: {  	s18 =	sld [smem:$0x3FDB];
	_ =	sdelay $0x1  }
0x99: {  	s19 =	simm.s32 $_scs_section_size  }
0x9a: {  	s4 =	simm.s32 $_size__tile_overlayer_lowered;
	s5 =	simm.s32 $_tile_overlayer_lowered  }
0x9b: {  	s22 =	simm.s32 $0x1BFF;
	s21 =	sshll.u32 s5, $0x1;
	s2 =	sadd.s32 s19, s18  }
0x9c: {  	s6 =	simm.s32 $0x0;
	s20 =	sshll.u32 s4, $0x1;
	s4 =	sadd.s32 s21, s2  }
0x9d: {  	[timem:s6], [sflag:s22] =	dma.local [hbm:s4], s20  }
0x9e: {  	_ =	swait.ge [sflag:s22], s20  }
0x9f: {  	s3 =	ssub.s32 $0x0, s20;
	[sflag:s22] =	ssyncset.done $0x0  }
0xa0: {  	[sflag:s22] =	ssyncadd.s32 s3;
	_ =	sdelay $0x1  }
0xa1: {  	s23 =	simm.s32 $0x1B8B  }
0xa2: {  	_ =	swait.ge [sflag:s23], $0x1  }
0xa3: {  	[sflag:s23] =	ssyncset.done $0x0  }
0xa4: {  	s25 =	simm.s32 $0x1B8E;
	s24 =	sld [smem:$0x3FFE];
	[sflag:s23] =	ssyncadd.s32 $0xFFFFFFFF  }
0xa5: {  	s26 =	simm.s32 $execute0_lowered;
	[smem:$0x3FD2] =	sst s25  }
0xa6: {  	s4 =	sshll.u32 s26, $0x1;
	_ =	strace $0x80000052;
	[dreg:$0x1] =	wrdreg $0xFFFFFFFF  }
0xa7: {  	s28 =	simm.s32 $_size_execute0_lowered;
	s2 =	sadd.s32 s2, s4;
	[dreg:$0x0] =	wrdreg $0x0  }
0xa8: {  	s4 =	sshll.u32 s28, $0x1;
	[dreg:$0x2] =	wrdreg s2  }
0xa9: {  	[dreg:$0x3] =	wrdreg s4  }
0xaa: {  	[dreg:$0x4] =	wrdreg $0xC0  }
0xab: {  	_ =	task [dreg:s6], $0x5FFFF  }
0xac: {  	[dreg:$0x1] =	wrdreg $0xFFFFFFFF  }
0xad: {  	[dreg:$0x0] =	wrdreg $0x60  }
0xae: {  	[dreg:$0x2] =	wrdreg s24  }
0xaf: {  	[dreg:$0x3] =	wrdreg $0x9  }
0xb0: {  	_ =	task.clear_ibuf [dreg:s6], $0x4FFFF;
	_ =	strace $0x90000052  }
0xb1: {  	s29 =	simm.s32 $0x9;
	_ =	strace $0x80000054  }
0xb2: {  	_ =	swait.ge [sflag:s29], $0x1  }
0xb3: {  	[sflag:s29] =	ssyncadd.s32 $0xFFFFFFFF  }
0xb4: {  	_ =	strace $0x90000054  }
0xb5: {  	_ =	sfence  }
0xb6: {  	s30 =	sld [smem:$0x0];
	_ =	sdelay $0x2  }
0xb7: {  	s31 =	sshll.u32 s1, $0xD;
	s1 =	sshrl.u32 s1, $0x2  }
0xb8: {  	s3 =	sand.u32 $0x4000, s31;
	s1 =	sadd.s32 s1, s30  }
0xb9: {  	s0 =	sor.u32 s3, s0;
	s1 =	sshll.u32 s1, $0x11  }
0xba: {  	s0 =	sor.u32 s1, s0  }
0xbb: {  	s0 =	sadd.s32 $0x8F2B, s0  }
0xbc: {  	[sflag:s0] =	ssyncadd.remote.s32 $0x1  }
0xbd: {  	_ =	sfence.sel $0xFFFF  }
0xbe: {  	[dreg:$0x0] =	wrdreg $0xFFFFFFFF;
	(pc) =	sbr.abs _section_cstart, $3  }
0xbf: {  	[dreg:$0x1] =	wrdreg $0xFFFFFFFF  }
0xc0: {  	_ =	task.clear_ibuf [dreg:s6], $0x2FFFF;
	_ =	strace $0x9FFFFFFF  }
0xc1: {  	(tm) =	ssettm $0x7FFFFFFF  }
tec
execute0_lowered:
.L_overlay_start_1:
0x0: {  	(tag) =	ssettag $0x1  }
0x1: {  	s1 =	srdreg.scid;
	s0 =	stileid.u32  }
0x2: {  	s6 =	sand.u32 $0x1, s1;
	s30 =	sshll.u32 s0, $0x1  }
0x3: {  	s8 =	rddreg [dreg:$0x0];
	s7 =	sor.u32 s6, s30  }
0x4: {  	s2 =	simm.s32 $0x0;
	s1 =	rddreg [dreg:$0x1];
	s3 =	smul.u32 $0x271, s7  }
0x5: {  	[smem:$0x7FF] =	sst s2;
	s5 =	sadd.s32 $0x5D600, s8  }
0x6: {  	_ =	strace $0x80000053;
	s10 =	ssub.s32 $0x2, s6;
	s3 =	sadd.s32 s3, s8  }
0x7: {  	s6 =	simm.s32 $0x1388;
	s4 =	sadd.s32 $0xA200, s3;
	s3 =	simm.s32 $0x2  }
0x8: {  	[tilespmem:s2], [sflag:$0x2] =	stream.linear.gather [hbm4b:s4+s2], $0x1388, $0x38;
	[tilespmem:$0x14C08] =	vst v63  }
0x9: {  	s9 =	smul.u32 $0x2710, s7;
	s11 =	sshrl.u32 s10, $0x1;
	_ =	swait.ge [sflag:s3], $0x1388  }
0xa: {  	s7 =	simm.s32 $0x1;
	s31 =	ssub.s32 s10, s11;
	[sflag:s3] =	ssyncset.done $0x0  }
0xb: {  	s8 =	sadd.s32 s9, s8;
	s9 =	smax.u32 s31, $0x1;
	[sflag:s3] =	ssyncadd.s32 $0xFFFFEC78  }
0xc: {  	[tilespmem:s6], [sflag:$0x1] =	stream.indirect.gather [hbm4b:s5+s6], $0x10, s2, s6, $0xb8;
	[tilespmem:$0x14C08] =	vst v63  }
0xd: {  	p0 =	sne.s32 s9, $0x1;
	_ =	swait.ge [sflag:s7], $0x13880  }
.Ltmp0:
0xe: {  	[sflag:s7] =	ssyncset.done $0x0;
	(pc) =	sbr.rel @!p0 .LBB2_2-.Ltmp0, $4  }
0xf: {  	s8 =	sadd.s32 $0x2FF600, s8;
	[sflag:s7] =	ssyncadd.s32 $0xFFFEC780  }
0x10: {  	[hbm4b:s8+s2] =	stream.linear.scatter [tilespmem:s6], [sflag:$0x2], $0x13880, $0x38;
	[tilespmem:$0x14C08] =	vst v63  }
0x11: {  	_ =	swait.ge [sflag:s3], $0x13880  }
0x12: {  	s9 =	sadd.s32 $0xFFFFFFFF, s9;
	[sflag:s3] =	ssyncset.done $0x0  }
.LBB2_1:
0x13: {  	p0 =	sne.s32 s9, $0x1;
	s9 =	sadd.s32 $0xFFFFFFFF, s9;
	[sflag:s3] =	ssyncadd.s32 $0xFFFEC780  }
0x14: {  	[tilespmem:s2], [sflag:$0x2] =	stream.linear.gather [hbm4b:s4+s2], $0x1388, $0x38;
	[tilespmem:$0x14C08] =	vst v63  }
0x15: {  	_ =	swait.ge [sflag:s3], $0x1388  }
0x16: {  	[sflag:s3] =	ssyncset.done $0x0  }
0x17: {  	[sflag:s3] =	ssyncadd.s32 $0xFFFFEC78  }
0x18: {  	[tilespmem:s6], [sflag:$0x1] =	stream.indirect.gather [hbm4b:s5+s6], $0x10, s2, s6, $0xb8;
	[tilespmem:$0x14C08] =	vst v63  }
0x19: {  	_ =	swait.ge [sflag:s7], $0x13880  }
.Ltmp1:
0x1a: {  	[sflag:s7] =	ssyncset.done $0x0;
	(pc) =	sbr.rel @p0 .LBB2_1-.Ltmp1, $4  }
0x1b: {  	[sflag:s7] =	ssyncadd.s32 $0xFFFEC780  }
0x1c: {  	[hbm4b:s8+s2] =	stream.linear.scatter [tilespmem:s6], [sflag:$0x2], $0x13880, $0x38;
	[tilespmem:$0x14C08] =	vst v63  }
0x1d: {  	_ =	swait.ge [sflag:s3], $0x13880  }
0x1e: {  	[sflag:s3] =	ssyncset.done $0x0  }
.LBB2_2:
0x1f: {  	[sflag:s3] =	ssyncadd.s32 $0xFFFEC780  }
0x20: {  	_ =	sfence.sel $0x180000  }
0x21: {  	[bflag:$0x0] =	sbarrier.arrive $0xFFFF  }
0x22: {  	p0 =	sne.s32 s0, $0x0;
	_ =	strace $0x90000053  }
0x23: {  	s0 =	sadd.s32 @!p0 $0x100000, s1;
	[bflag:$0x2] =	sbarrier.arrive $0xFFFF  }
0x24: {  	[sflag:s0] =	ssyncadd.tile.s32 @!p0 $0x1;
	_ =	shalt  }
.Lfunc_end2:
_tile_overlayer_lowered:
.L_overlay_start_2:
0x25: {  	(tag) =	ssettag $0x2  }
0x26: {  	s0 =	rddreg [dreg:$0x0];
	s2 =	stileid.u32  }
0x27: {  	s1 =	rddreg [dreg:$0x1];
	p0 =	sne.s32 s2, $0x0  }
0x28: {  	s3 =	rddreg [dreg:$0x2];
	[bflag:$0x3] =	sbarrier.arrive $0xFFFF;
	s2 =	simm.s32 @!p0 $0x1C02  }
0x29: {  	[timem:s3], [sflag:s2] =	dma.local @!p0 [hbm:s0], s1  }
0x2a: {  	s0 =	simm.s32 @!p0 $0x2  }
0x2b: {  	_ =	swait.ge @!p0 [sflag:s0], s1  }
0x2c: {  	s1 =	ssub.s32 @!p0 $0x0, s1;
	[sflag:s0] =	ssyncset.done @!p0 $0x0  }
0x2d: {  	[sflag:s0] =	ssyncadd.s32 @!p0 s1  }
0x2e: {  	[bflag:$0x3] =	sbarrier.arrive $0xFFFF  }
0x2f: {  	_ =	shalt  }

// kernel: kernel.35.cloned.1.call-start
scs
__scs_entry_jumppad:
0x0: {  	(pc) =	sbr.rel $0x88, $3  }
0x1: {  	(tag) =	ssettag $0x0;
	lr =	simm.s32 $0x1  }
0x2: {  	[smem:$0x3F87] =	sst lr;
	_ =	strace $0xD0000000  }
0x3: {  	_ = 	snop  }
0x4: {  	_ = 	snop  }
0x5: {  	_ = 	snop  }
0x6: {  	_ = 	snop  }
0x7: {  	_ = 	snop  }
__scs_overlays_trampoline_lowered:
0x8: {  	[smem:$0x3F96] =	sst s0  }
0x9: {  	[smem:$0x3F97] =	sst s1  }
0xa: {  	[smem:$0x3F98] =	sst s2  }
0xb: {  	[smem:$0x3F99] =	sst s3  }
0xc: {  	[smem:$0x3F9A] =	sst s4  }
0xd: {  	[smem:$0x3F9B] =	sst s5  }
0xe: {  	[smem:$0x3F9C] =	sst s6  }
0xf: {  	[smem:$0x3F9D] =	sst s7  }
0x10: {  	[smem:$0x3F9E] =	sst s8  }
0x11: {  	[smem:$0x3F9F] =	sst s9;
	s0 =	simm.s32 @!p0 $0x0  }
0x12: {  	s1 =	sld [smem:$0x3F85];
	s0 =	simm.s32 @p0 $0x1  }
0x13: {  	[smem:$0x3FA0] =	sst s0;
	s0 =	simm.s32 @!p1 $0x0  }
0x14: {  	s2 =	sld [smem:$0x3F84];
	s0 =	simm.s32 @p1 $0x1  }
0x15: {  	[smem:$0x3FA1] =	sst s0;
	s0 =	simm.s32 @!p2 $0x0  }
0x16: {  	s3 =	sld [smem:$0x3FDB];
	s0 =	simm.s32 @p2 $0x1  }
0x17: {  	s4 =	simm.s32 $0x1BF5;
	[smem:$0x3FA3] =	sst s0  }
0x18: {  	s0 =	sld [smem:$0x3F86];
	_ =	swait.ge [sflag:s4], $0x0  }
0x19: {  	s7 =	sld [smem:$0x3F87]  }
0x1a: {  	s8 =	sadd.s32 $0xFFFFE003, lr  }
0x1b: {  	s9 =	sadd.s32 $0xFFFFFEF7, lr;
	s5 =	simm.s32 $0xFFFFFFFF;
	p2 =	slt.u32 s8, $0xFFFFF086  }
0x1c: {  	p1 =	slt.u32 s9, $0xF7A;
	s5 =	simm.s32 @!p2 $0x0  }
0x1d: {  	s5 =	simm.s32 @p1 $0x1;
	p0 =	seq.s32 s7, s2  }
0x1e: {  	s7 =	smul.u32 @!p0 $0xF7A, s2;
	p2 =	seq.s32 @!p0 s5, $0x0  }
0x1f: {  	s9 =	smul.u32 $0xF7A, s1;
	s8 =	simm.s32 @!p0 $0x1BF5;
	p2 =	por !p2, p0  }
0x20: {  	[sflag:s8] =	ssyncset.s32 @!p0 $0xFFFFF086;
	s6 =	sadd.s32 @!p0 s3, s7;
	s7 =	simm.s32 @!p0 $0x108  }
0x21: {  	s3 =	sadd.s32 s3, s9;
	s6 =	sadd.s32 @!p0 $0x88, s6;
	s7 =	simm.s32 @p2 $0x1082  }
0x22: {  	[simem:s7], [sflag:s8] =	dma.local @!p0 [hbm:s6], $0xF7A  }
0x23: {  	s9 =	sor.u32 $0xD0000000, s2;
	s6 =	simm.s32 $0x108;
	_ =	swait.ge @!p0 [sflag:s8], $0x0  }
0x24: {  	s3 =	sadd.s32 $0x88, s3;
	s6 =	simm.s32 @!p1 $0x1082;
	[sflag:s4] =	ssyncset.s32 $0xFFFFF086  }
0x25: {  	[simem:s6], [sflag:s4] =	dma.local [hbm:s3], $0xF7A  }
0x26: {  	[smem:$0x3F87] =	sst s1;
	(tag) =	ssettag s2;
	_ =	strace s9  }
0x27: {  	s1 =	sld [smem:$0x3F97]  }
0x28: {  	s2 =	sld [smem:$0x3F98]  }
0x29: {  	s4 =	sld [smem:$0x3F9A]  }
0x2a: {  	p0 =	seq.s32 s5, $0x0;
	s5 =	sld [smem:$0x3F9B]  }
0x2b: {  	s6 =	sld [smem:$0x3F9C]  }
0x2c: {  	s7 =	sld [smem:$0x3F9D]  }
0x2d: {  	s3 =	simm.s32 $0x108;
	s8 =	sld [smem:$0x3F9E]  }
0x2e: {  	s3 =	simm.s32 @!p0 $0x1082;
	s9 =	sld [smem:$0x3F9F]  }
0x2f: {  	lr =	sadd.s32 s0, s3;
	s0 =	sld [smem:$0x3F96]  }
0x30: {  	s3 =	sld [smem:$0x3F99]  }
0x31: {  	[smem:$0x3FA2] =	sst s10  }
0x32: {  	s10 =	sld [smem:$0x3FA0];
	_ =	sdelay $0x3  }
0x33: {  	p0 =	seq.s32 s10, $0x1;
	s10 =	sld [smem:$0x3FA2];
	_ =	sdelay $0x3  }
0x34: {  	[smem:$0x3FA2] =	sst s10  }
0x35: {  	s10 =	sld [smem:$0x3FA1];
	_ =	sdelay $0x3  }
0x36: {  	p1 =	seq.s32 s10, $0x1;
	s10 =	sld [smem:$0x3FA2];
	_ =	sdelay $0x3  }
0x37: {  	[smem:$0x3FA2] =	sst s10  }
0x38: {  	s10 =	sld [smem:$0x3FA3]  }
0x39: {  	_ = 	snop;
	(pc) =	sbr.ind lr, $3  }
0x3a: {  	_ = 	snop  }
0x3b: {  	_ = 	snop  }
0x3c: {  	p2 =	seq.s32 s10, $0x1;
	s10 =	sld [smem:$0x3FA2]  }
0x3d: {  	_ =	shalt  }
0x3e: {  	_ =	shalt  }
0x3f: {  	_ =	shalt  }
0x40: {  	_ =	shalt  }
0x41: {  	_ =	shalt  }
0x42: {  	_ =	shalt  }
0x43: {  	_ =	shalt  }
0x44: {  	_ =	shalt  }
0x45: {  	_ =	shalt  }
0x46: {  	_ =	shalt  }
0x47: {  	_ =	shalt  }
0x48: {  	_ =	shalt  }
0x49: {  	_ =	shalt  }
0x4a: {  	_ =	shalt  }
0x4b: {  	_ =	shalt  }
0x4c: {  	_ =	shalt  }
0x4d: {  	_ =	shalt  }
0x4e: {  	_ =	shalt  }
0x4f: {  	_ =	shalt  }
0x50: {  	_ =	shalt  }
0x51: {  	_ =	shalt  }
0x52: {  	_ =	shalt  }
0x53: {  	_ =	shalt  }
0x54: {  	_ =	shalt  }
0x55: {  	_ =	shalt  }
0x56: {  	_ =	shalt  }
0x57: {  	_ =	shalt  }
0x58: {  	_ =	shalt  }
0x59: {  	_ =	shalt  }
0x5a: {  	_ =	shalt  }
0x5b: {  	_ =	shalt  }
0x5c: {  	_ =	shalt  }
0x5d: {  	_ =	shalt  }
0x5e: {  	_ =	shalt  }
0x5f: {  	_ =	shalt  }
0x60: {  	_ =	shalt  }
0x61: {  	_ =	shalt  }
0x62: {  	_ =	shalt  }
0x63: {  	_ =	shalt  }
0x64: {  	_ =	shalt  }
0x65: {  	_ =	shalt  }
0x66: {  	_ =	shalt  }
0x67: {  	_ =	shalt  }
0x68: {  	_ =	shalt  }
0x69: {  	_ =	shalt  }
0x6a: {  	_ =	shalt  }
0x6b: {  	_ =	shalt  }
0x6c: {  	_ =	shalt  }
0x6d: {  	_ =	shalt  }
0x6e: {  	_ =	shalt  }
0x6f: {  	_ =	shalt  }
0x70: {  	_ =	shalt  }
0x71: {  	_ =	shalt  }
0x72: {  	_ =	shalt  }
0x73: {  	_ =	shalt  }
0x74: {  	_ =	shalt  }
0x75: {  	_ =	shalt  }
0x76: {  	_ =	shalt  }
0x77: {  	_ =	shalt  }
0x78: {  	_ =	shalt  }
0x79: {  	_ =	shalt  }
0x7a: {  	_ =	shalt  }
0x7b: {  	_ =	shalt  }
0x7c: {  	_ =	shalt  }
0x7d: {  	_ =	shalt  }
0x7e: {  	_ =	shalt  }
0x7f: {  	_ =	shalt  }
0x80: {  	_ =	shalt  }
0x81: {  	_ =	shalt  }
0x82: {  	_ =	shalt  }
0x83: {  	_ =	shalt  }
0x84: {  	_ =	shalt  }
0x85: {  	_ =	shalt  }
0x86: {  	_ =	shalt  }
0x87: {  	_ =	shalt  }
.Lfunc_end0:
.L_simem_size_0:
called_computation.5_lowered:
.L_overlay_start_0:
0x88: {  	s2 =	sld [smem:$0x3FD9]  }
0x89: {  	s3 =	sld [smem:$0x3FFE];
	_ =	sdelay $0x1  }
0x8a: {  	s1 =	srdreg.scid  }
0x8b: {  	s0 =	sand.u32 $0x1, s1  }
0x8c: {  	s16 =	sshll.u32 s0, $0xA;
	s2 =	sadd.s32 s3, s2  }
0x8d: {  	s2 =	sadd.s32 s2, s16  }
0x8e: {  	[smem:$0x3FAE] =	sst s2  }
0x8f: {  	_ = 	snop  }
0x90: {  	(tm) =	ssettm $0x1  }
0x91: {  	s17 =	sld [smem:$0x3FFB];
	_ =	sdelay $0x3  }
0x92: {  	_ =	strace s17  }
0x93: {  	s2 =	sld [smem:$0x3FFC];
	_ =	sdelay $0x3  }
0x94: {  	_ =	strace s2  }
0x95: {  	s2 =	sld [smem:$0x3FFD];
	_ =	sdelay $0x3  }
0x96: {  	_ =	strace s2  }
0x97: {  	_ =	strace $0x8FFFFFFF  }
0x98: {  	s18 =	sld [smem:$0x3FDB];
	_ =	sdelay $0x1  }
0x99: {  	s19 =	simm.s32 $_scs_section_size  }
0x9a: {  	s4 =	simm.s32 $_size__tile_overlayer_lowered;
	s5 =	simm.s32 $_tile_overlayer_lowered  }
0x9b: {  	s22 =	simm.s32 $0x1BFF;
	s21 =	sshll.u32 s5, $0x1;
	s2 =	sadd.s32 s19, s18  }
0x9c: {  	s6 =	simm.s32 $0x0;
	s20 =	sshll.u32 s4, $0x1;
	s4 =	sadd.s32 s21, s2  }
0x9d: {  	[timem:s6], [sflag:s22] =	dma.local [hbm:s4], s20  }
0x9e: {  	_ =	swait.ge [sflag:s22], s20  }
0x9f: {  	s3 =	ssub.s32 $0x0, s20;
	[sflag:s22] =	ssyncset.done $0x0  }
0xa0: {  	[sflag:s22] =	ssyncadd.s32 s3;
	_ =	sdelay $0x1  }
0xa1: {  	s23 =	simm.s32 $0x1B8B  }
0xa2: {  	_ =	swait.ge [sflag:s23], $0x1  }
0xa3: {  	[sflag:s23] =	ssyncset.done $0x0  }
0xa4: {  	s25 =	simm.s32 $0x1B8E;
	s24 =	sld [smem:$0x3FFE];
	[sflag:s23] =	ssyncadd.s32 $0xFFFFFFFF  }
0xa5: {  	s26 =	simm.s32 $execute0_lowered;
	[smem:$0x3FD2] =	sst s25  }
0xa6: {  	s4 =	sshll.u32 s26, $0x1;
	_ =	strace $0x80000055;
	[dreg:$0x1] =	wrdreg $0xFFFFFFFF  }
0xa7: {  	s28 =	simm.s32 $_size_execute0_lowered;
	s2 =	sadd.s32 s2, s4;
	[dreg:$0x0] =	wrdreg $0x0  }
0xa8: {  	s4 =	sshll.u32 s28, $0x1;
	[dreg:$0x2] =	wrdreg s2  }
0xa9: {  	[dreg:$0x3] =	wrdreg s4  }
0xaa: {  	[dreg:$0x4] =	wrdreg $0xC0  }
0xab: {  	_ =	task [dreg:s6], $0x5FFFF  }
0xac: {  	[dreg:$0x1] =	wrdreg $0xFFFFFFFF  }
0xad: {  	[dreg:$0x0] =	wrdreg $0x60  }
0xae: {  	[dreg:$0x2] =	wrdreg s24  }
0xaf: {  	[dreg:$0x3] =	wrdreg $0x14C800  }
0xb0: {  	[dreg:$0x4] =	wrdreg $0x9  }
0xb1: {  	_ =	task.clear_ibuf [dreg:s6], $0x5FFFF;
	_ =	strace $0x90000055  }
0xb2: {  	s29 =	simm.s32 $0x9;
	_ =	strace $0x80000057  }
0xb3: {  	_ =	swait.ge [sflag:s29], $0x1  }
0xb4: {  	[sflag:s29] =	ssyncadd.s32 $0xFFFFFFFF  }
0xb5: {  	_ =	strace $0x90000057  }
0xb6: {  	_ =	sfence  }
0xb7: {  	s30 =	sld [smem:$0x0];
	_ =	sdelay $0x2  }
0xb8: {  	s31 =	sshll.u32 s1, $0xD;
	s1 =	sshrl.u32 s1, $0x2  }
0xb9: {  	s3 =	sand.u32 $0x4000, s31;
	s1 =	sadd.s32 s1, s30  }
0xba: {  	s0 =	sor.u32 s3, s0;
	s1 =	sshll.u32 s1, $0x11  }
0xbb: {  	s0 =	sor.u32 s1, s0  }
0xbc: {  	s0 =	sadd.s32 $0x8F2B, s0  }
0xbd: {  	[sflag:s0] =	ssyncadd.remote.s32 $0x1  }
0xbe: {  	_ =	sfence.sel $0xFFFF  }
0xbf: {  	[dreg:$0x0] =	wrdreg $0xFFFFFFFF;
	(pc) =	sbr.abs _section_cstart, $3  }
0xc0: {  	[dreg:$0x1] =	wrdreg $0xFFFFFFFF  }
0xc1: {  	_ =	task.clear_ibuf [dreg:s6], $0x2FFFF;
	_ =	strace $0x9FFFFFFF  }
0xc2: {  	(tm) =	ssettm $0x7FFFFFFF  }
0xc3: {  	_ =	shalt  }
tec
execute0_lowered:
.L_overlay_start_1:
0x0: {  	(tag) =	ssettag $0x1  }
0x1: {  	s1 =	srdreg.scid;
	s5 =	rddreg [dreg:$0x0]  }
0x2: {  	s0 =	stileid.u32;
	s2 =	rddreg [dreg:$0x1]  }
0x3: {  	s4 =	sand.u32 $0x1, s1;
	s29 =	sshll.u32 s0, $0x1;
	s8 =	smul.u32 $0x2710, s0  }
0x4: {  	s3 =	simm.s32 $0x0;
	s1 =	sor.u32 s4, s29;
	s9 =	smul.u32 $0x27100, s4  }
0x5: {  	s13 =	simm.s32 $0x0;
	[smem:$0x7FF] =	sst s3;
	s6 =	smul.u32 $0x2710, s1  }
0x6: {  	s11 =	sshll.u32 s0, $0x6;
	s4 =	ssub.s32 $0x2, s4;
	s7 =	smul.u32 $0x280, s1  }
0x7: {  	s1 =	rddreg [dreg:$0x2];
	_ =	strace $0x80000056;
	s10 =	sshrl.u32 s8, $0x3  }
0x8: {  	s30 =	sshrl.u32 s4, $0x1;
	s31 =	sadd.s32 s8, s2;
	s9 =	sadd.s32 s8, s9  }
0x9: {  	s10 =	sadd.s32 s10, s5;
	s12 =	ssub.s32 s4, s30;
	s6 =	sadd.s32 s6, s5  }
0xa: {  	s7 =	sadd.s32 s7, s5;
	s9 =	sshrl.u32 s9, $0x3;
	s4 =	sadd.s32 $0x84600, s10  }
0xb: {  	s10 =	sshrl.u32 s31, $0x3;
	s9 =	sadd.s32 s9, s5;
	s5 =	sor.u32 $0x1C01, s11  }
0xc: {  	s6 =	sadd.s32 $0x7E1600, s6;
	s7 =	sadd.s32 $0x2FA600, s7;
	s11 =	simm.s32 $0x1  }
0xd: {  	s8 =	sadd.s32 $0x5D600, s9;
	s9 =	smax.u32 s12, $0x1;
	s12 =	simm.s32 $0x7D  }
.LBB2_1:
0xe: {  	[spmem:s10], [sflag:s5] =	dma.local [hbm:s4], $0x4E2  }
0xf: {  	_ =	swait.ge [sflag:s11], $0x4E2  }
0x10: {  	[sflag:s11] =	ssyncset.done $0x0  }
0x11: {  	[sflag:s11] =	ssyncadd.s32 $0xFFFFFB1E  }
0x12: {  	s14 =	simm.s32 $0x1400;
	[bflag:$0x0] =	sbarrier.arrive $0xFFFF  }
0x13: {  	[tilespmem:s14], [sflag:$0x1] =	stream.linear.gather [hbm4b:s6+s3], $0x13880, $0x38;
	[tilespmem:$0x17390] =	vst v63  }
0x14: {  	_ =	swait.ge [sflag:s11], $0x13880  }
0x15: {  	[sflag:s11] =	ssyncset.done $0x0  }
0x16: {  	[sflag:s11] =	ssyncadd.s32 $0xFFFEC780  }
0x17: {  	[tilespmem:s3], [sflag:$0x1] =	stream.linear.gather [hbm4b:s7+s3], $0x1400, $0x38;
	[tilespmem:$0x17390] =	vst v63  }
0x18: {  	_ =	swait.ge [sflag:s11], $0x1400  }
0x19: {  	[sflag:s11] =	ssyncset.done $0x0  }
0x1a: {  	s15 =	simm.s32 $0x0;
	[sflag:s11] =	ssyncadd.s32 $0xFFFFEC00  }
0x1b: {  	[spmem:s2] =	stream.indirect.scatter.add.f32 [tilespmem:s14], [sflag:$0x1], $0x10, s15, s12, $0xb8;
	[tilespmem:$0x17390] =	vst v63  }
0x1c: {  	_ =	swait.ge [sflag:s11], $0x7D0  }
0x1d: {  	s15 =	simm.s32 $0x200;
	[sflag:s11] =	ssyncset.done $0x0  }
.LBB2_2:
0x1e: {  	s16 =	sshra.s32 s15, $0x2  }
0x1f: {  	[sflag:s11] =	ssyncadd.s32 $0xFFFFF830;
	s14 =	sadd.s32 $0x7D0, s14;
	p0 =	sne.s32 s15, $0x4E00  }
0x20: {  	[spmem:s2] =	stream.indirect.scatter.add.f32 [tilespmem:s14], [sflag:$0x1], $0x10, s16, s12, $0xb8;
	[tilespmem:$0x17390] =	vst v63  }
.Ltmp0:
0x21: {  	_ = 	snop;
	(pc) =	sbr.rel @p0 .LBB2_2-.Ltmp0, $4  }
0x22: {  	_ = 	snop  }
0x23: {  	s15 =	sadd.s32 $0x200, s15  }
0x24: {  	_ =	swait.ge [sflag:s11], $0x7D0  }
0x25: {  	[sflag:s11] =	ssyncset.done $0x0  }
0x26: {  	s13 =	sadd.s32 $0x1, s13  }
0x27: {  	[sflag:s11] =	ssyncadd.s32 $0xFFFFF830;
	p0 =	sne.s32 s13, s9  }
.Ltmp1:
0x28: {  	[bflag:$0x0] =	sbarrier.arrive $0xFFFF;
	(pc) =	sbr.rel @p0 .LBB2_1-.Ltmp1, $4  }
0x29: {  	[hbm:s8], [sflag:s5] =	dma.local [spmem:s10], $0x4E2  }
0x2a: {  	_ =	swait.ge [sflag:s11], $0x4E2  }
0x2b: {  	[sflag:s11] =	ssyncset.done $0x0  }
0x2c: {  	[sflag:s11] =	ssyncadd.s32 $0xFFFFFB1E  }
0x2d: {  	_ =	sfence.sel $0x180000  }
0x2e: {  	[bflag:$0x0] =	sbarrier.arrive $0xFFFF  }
0x2f: {  	p0 =	sne.s32 s0, $0x0;
	_ =	strace $0x90000056  }
0x30: {  	s0 =	sadd.s32 @!p0 $0x100000, s1;
	[bflag:$0x2] =	sbarrier.arrive $0xFFFF  }
0x31: {  	[sflag:s0] =	ssyncadd.tile.s32 @!p0 $0x1;
	_ =	shalt  }
.Lfunc_end2:
_tile_overlayer_lowered:
.L_overlay_start_2:
0x32: {  	(tag) =	ssettag $0x2  }
0x33: {  	s0 =	rddreg [dreg:$0x0];
	s2 =	stileid.u32  }
0x34: {  	s1 =	rddreg [dreg:$0x1];
	p0 =	sne.s32 s2, $0x0  }
0x35: {  	s3 =	rddreg [dreg:$0x2];
	[bflag:$0x3] =	sbarrier.arrive $0xFFFF;
	s2 =	simm.s32 @!p0 $0x1C01  }
0x36: {  	[timem:s3], [sflag:s2] =	dma.local @!p0 [hbm:s0], s1  }
0x37: {  	s0 =	simm.s32 @!p0 $0x1  }
0x38: {  	_ =	swait.ge @!p0 [sflag:s0], s1  }
0x39: {  	s1 =	ssub.s32 @!p0 $0x0, s1;
	[sflag:s0] =	ssyncset.done @!p0 $0x0  }
0x3a: {  	[sflag:s0] =	ssyncadd.s32 @!p0 s1  }
0x3b: {  	[bflag:$0x3] =	sbarrier.arrive $0xFFFF  }
0x3c: {  	_ =	shalt  }

// kernel: kernel.38.cloned.1.call-start
scs
__scs_entry_jumppad:
0x0: {  	(pc) =	sbr.rel $0x88, $3  }
0x1: {  	(tag) =	ssettag $0x0;
	lr =	simm.s32 $0x1  }
0x2: {  	[smem:$0x3F87] =	sst lr;
	_ =	strace $0xD0000000  }
0x3: {  	_ = 	snop  }
0x4: {  	_ = 	snop  }
0x5: {  	_ = 	snop  }
0x6: {  	_ = 	snop  }
0x7: {  	_ = 	snop  }
__scs_overlays_trampoline_lowered:
0x8: {  	[smem:$0x3F96] =	sst s0  }
0x9: {  	[smem:$0x3F97] =	sst s1  }
0xa: {  	[smem:$0x3F98] =	sst s2  }
0xb: {  	[smem:$0x3F99] =	sst s3  }
0xc: {  	[smem:$0x3F9A] =	sst s4  }
0xd: {  	[smem:$0x3F9B] =	sst s5  }
0xe: {  	[smem:$0x3F9C] =	sst s6  }
0xf: {  	[smem:$0x3F9D] =	sst s7  }
0x10: {  	[smem:$0x3F9E] =	sst s8  }
0x11: {  	[smem:$0x3F9F] =	sst s9;
	s0 =	simm.s32 @!p0 $0x0  }
0x12: {  	s1 =	sld [smem:$0x3F85];
	s0 =	simm.s32 @p0 $0x1  }
0x13: {  	[smem:$0x3FA0] =	sst s0;
	s0 =	simm.s32 @!p1 $0x0  }
0x14: {  	s2 =	sld [smem:$0x3F84];
	s0 =	simm.s32 @p1 $0x1  }
0x15: {  	[smem:$0x3FA1] =	sst s0;
	s0 =	simm.s32 @!p2 $0x0  }
0x16: {  	s3 =	sld [smem:$0x3FDB];
	s0 =	simm.s32 @p2 $0x1  }
0x17: {  	s4 =	simm.s32 $0x1BF5;
	[smem:$0x3FA3] =	sst s0  }
0x18: {  	s0 =	sld [smem:$0x3F86];
	_ =	swait.ge [sflag:s4], $0x0  }
0x19: {  	s7 =	sld [smem:$0x3F87]  }
0x1a: {  	s8 =	sadd.s32 $0xFFFFE003, lr  }
0x1b: {  	s9 =	sadd.s32 $0xFFFFFEF7, lr;
	s5 =	simm.s32 $0xFFFFFFFF;
	p2 =	slt.u32 s8, $0xFFFFF086  }
0x1c: {  	p1 =	slt.u32 s9, $0xF7A;
	s5 =	simm.s32 @!p2 $0x0  }
0x1d: {  	s5 =	simm.s32 @p1 $0x1;
	p0 =	seq.s32 s7, s2  }
0x1e: {  	s7 =	smul.u32 @!p0 $0xF7A, s2;
	p2 =	seq.s32 @!p0 s5, $0x0  }
0x1f: {  	s9 =	smul.u32 $0xF7A, s1;
	s8 =	simm.s32 @!p0 $0x1BF5;
	p2 =	por !p2, p0  }
0x20: {  	[sflag:s8] =	ssyncset.s32 @!p0 $0xFFFFF086;
	s6 =	sadd.s32 @!p0 s3, s7;
	s7 =	simm.s32 @!p0 $0x108  }
0x21: {  	s3 =	sadd.s32 s3, s9;
	s6 =	sadd.s32 @!p0 $0x88, s6;
	s7 =	simm.s32 @p2 $0x1082  }
0x22: {  	[simem:s7], [sflag:s8] =	dma.local @!p0 [hbm:s6], $0xF7A  }
0x23: {  	s9 =	sor.u32 $0xD0000000, s2;
	s6 =	simm.s32 $0x108;
	_ =	swait.ge @!p0 [sflag:s8], $0x0  }
0x24: {  	s3 =	sadd.s32 $0x88, s3;
	s6 =	simm.s32 @!p1 $0x1082;
	[sflag:s4] =	ssyncset.s32 $0xFFFFF086  }
0x25: {  	[simem:s6], [sflag:s4] =	dma.local [hbm:s3], $0xF7A  }
0x26: {  	[smem:$0x3F87] =	sst s1;
	(tag) =	ssettag s2;
	_ =	strace s9  }
0x27: {  	s1 =	sld [smem:$0x3F97]  }
0x28: {  	s2 =	sld [smem:$0x3F98]  }
0x29: {  	s4 =	sld [smem:$0x3F9A]  }
0x2a: {  	p0 =	seq.s32 s5, $0x0;
	s5 =	sld [smem:$0x3F9B]  }
0x2b: {  	s6 =	sld [smem:$0x3F9C]  }
0x2c: {  	s7 =	sld [smem:$0x3F9D]  }
0x2d: {  	s3 =	simm.s32 $0x108;
	s8 =	sld [smem:$0x3F9E]  }
0x2e: {  	s3 =	simm.s32 @!p0 $0x1082;
	s9 =	sld [smem:$0x3F9F]  }
0x2f: {  	lr =	sadd.s32 s0, s3;
	s0 =	sld [smem:$0x3F96]  }
0x30: {  	s3 =	sld [smem:$0x3F99]  }
0x31: {  	[smem:$0x3FA2] =	sst s10  }
0x32: {  	s10 =	sld [smem:$0x3FA0];
	_ =	sdelay $0x3  }
0x33: {  	p0 =	seq.s32 s10, $0x1;
	s10 =	sld [smem:$0x3FA2];
	_ =	sdelay $0x3  }
0x34: {  	[smem:$0x3FA2] =	sst s10  }
0x35: {  	s10 =	sld [smem:$0x3FA1];
	_ =	sdelay $0x3  }
0x36: {  	p1 =	seq.s32 s10, $0x1;
	s10 =	sld [smem:$0x3FA2];
	_ =	sdelay $0x3  }
0x37: {  	[smem:$0x3FA2] =	sst s10  }
0x38: {  	s10 =	sld [smem:$0x3FA3]  }
0x39: {  	_ = 	snop;
	(pc) =	sbr.ind lr, $3  }
0x3a: {  	_ = 	snop  }
0x3b: {  	_ = 	snop  }
0x3c: {  	p2 =	seq.s32 s10, $0x1;
	s10 =	sld [smem:$0x3FA2]  }
0x3d: {  	_ =	shalt  }
0x3e: {  	_ =	shalt  }
0x3f: {  	_ =	shalt  }
0x40: {  	_ =	shalt  }
0x41: {  	_ =	shalt  }
0x42: {  	_ =	shalt  }
0x43: {  	_ =	shalt  }
0x44: {  	_ =	shalt  }
0x45: {  	_ =	shalt  }
0x46: {  	_ =	shalt  }
0x47: {  	_ =	shalt  }
0x48: {  	_ =	shalt  }
0x49: {  	_ =	shalt  }
0x4a: {  	_ =	shalt  }
0x4b: {  	_ =	shalt  }
0x4c: {  	_ =	shalt  }
0x4d: {  	_ =	shalt  }
0x4e: {  	_ =	shalt  }
0x4f: {  	_ =	shalt  }
0x50: {  	_ =	shalt  }
0x51: {  	_ =	shalt  }
0x52: {  	_ =	shalt  }
0x53: {  	_ =	shalt  }
0x54: {  	_ =	shalt  }
0x55: {  	_ =	shalt  }
0x56: {  	_ =	shalt  }
0x57: {  	_ =	shalt  }
0x58: {  	_ =	shalt  }
0x59: {  	_ =	shalt  }
0x5a: {  	_ =	shalt  }
0x5b: {  	_ =	shalt  }
0x5c: {  	_ =	shalt  }
0x5d: {  	_ =	shalt  }
0x5e: {  	_ =	shalt  }
0x5f: {  	_ =	shalt  }
0x60: {  	_ =	shalt  }
0x61: {  	_ =	shalt  }
0x62: {  	_ =	shalt  }
0x63: {  	_ =	shalt  }
0x64: {  	_ =	shalt  }
0x65: {  	_ =	shalt  }
0x66: {  	_ =	shalt  }
0x67: {  	_ =	shalt  }
0x68: {  	_ =	shalt  }
0x69: {  	_ =	shalt  }
0x6a: {  	_ =	shalt  }
0x6b: {  	_ =	shalt  }
0x6c: {  	_ =	shalt  }
0x6d: {  	_ =	shalt  }
0x6e: {  	_ =	shalt  }
0x6f: {  	_ =	shalt  }
0x70: {  	_ =	shalt  }
0x71: {  	_ =	shalt  }
0x72: {  	_ =	shalt  }
0x73: {  	_ =	shalt  }
0x74: {  	_ =	shalt  }
0x75: {  	_ =	shalt  }
0x76: {  	_ =	shalt  }
0x77: {  	_ =	shalt  }
0x78: {  	_ =	shalt  }
0x79: {  	_ =	shalt  }
0x7a: {  	_ =	shalt  }
0x7b: {  	_ =	shalt  }
0x7c: {  	_ =	shalt  }
0x7d: {  	_ =	shalt  }
0x7e: {  	_ =	shalt  }
0x7f: {  	_ =	shalt  }
0x80: {  	_ =	shalt  }
0x81: {  	_ =	shalt  }
0x82: {  	_ =	shalt  }
0x83: {  	_ =	shalt  }
0x84: {  	_ =	shalt  }
0x85: {  	_ =	shalt  }
0x86: {  	_ =	shalt  }
0x87: {  	_ =	shalt  }
.Lfunc_end0:
.L_simem_size_0:
called_computation.6_lowered:
.L_overlay_start_0:
0x88: {  	s2 =	sld [smem:$0x3FD9]  }
0x89: {  	s3 =	sld [smem:$0x3FFE];
	_ =	sdelay $0x1  }
0x8a: {  	s1 =	srdreg.scid  }
0x8b: {  	s0 =	sand.u32 $0x1, s1  }
0x8c: {  	s16 =	sshll.u32 s0, $0xA;
	s2 =	sadd.s32 s3, s2  }
0x8d: {  	s2 =	sadd.s32 s2, s16  }
0x8e: {  	[smem:$0x3FAE] =	sst s2  }
0x8f: {  	_ = 	snop  }
0x90: {  	(tm) =	ssettm $0x1  }
0x91: {  	s17 =	sld [smem:$0x3FFB];
	_ =	sdelay $0x3  }
0x92: {  	_ =	strace s17  }
0x93: {  	s2 =	sld [smem:$0x3FFC];
	_ =	sdelay $0x3  }
0x94: {  	_ =	strace s2  }
0x95: {  	s2 =	sld [smem:$0x3FFD];
	_ =	sdelay $0x3  }
0x96: {  	_ =	strace s2  }
0x97: {  	_ =	strace $0x8FFFFFFF  }
0x98: {  	s18 =	sld [smem:$0x3FDB];
	_ =	sdelay $0x1  }
0x99: {  	s19 =	simm.s32 $_scs_section_size  }
0x9a: {  	s4 =	simm.s32 $_size__tile_overlayer_lowered;
	s5 =	simm.s32 $_tile_overlayer_lowered  }
0x9b: {  	s22 =	simm.s32 $0x1BFF;
	s21 =	sshll.u32 s5, $0x1;
	s2 =	sadd.s32 s19, s18  }
0x9c: {  	s6 =	simm.s32 $0x0;
	s20 =	sshll.u32 s4, $0x1;
	s4 =	sadd.s32 s21, s2  }
0x9d: {  	[timem:s6], [sflag:s22] =	dma.local [hbm:s4], s20  }
0x9e: {  	_ =	swait.ge [sflag:s22], s20  }
0x9f: {  	s3 =	ssub.s32 $0x0, s20;
	[sflag:s22] =	ssyncset.done $0x0  }
0xa0: {  	[sflag:s22] =	ssyncadd.s32 s3;
	_ =	sdelay $0x1  }
0xa1: {  	s23 =	simm.s32 $0x1B8B  }
0xa2: {  	_ =	swait.ge [sflag:s23], $0x1  }
0xa3: {  	[sflag:s23] =	ssyncset.done $0x0  }
0xa4: {  	s25 =	simm.s32 $0x1B8E;
	s24 =	sld [smem:$0x3FFE];
	[sflag:s23] =	ssyncadd.s32 $0xFFFFFFFF  }
0xa5: {  	s26 =	simm.s32 $execute0_lowered;
	[smem:$0x3FD2] =	sst s25  }
0xa6: {  	s4 =	sshll.u32 s26, $0x1;
	_ =	strace $0x80000058;
	[dreg:$0x1] =	wrdreg $0xFFFFFFFF  }
0xa7: {  	s28 =	simm.s32 $_size_execute0_lowered;
	s2 =	sadd.s32 s2, s4;
	[dreg:$0x0] =	wrdreg $0x0  }
0xa8: {  	s4 =	sshll.u32 s28, $0x1;
	[dreg:$0x2] =	wrdreg s2  }
0xa9: {  	[dreg:$0x3] =	wrdreg s4  }
0xaa: {  	[dreg:$0x4] =	wrdreg $0xC0  }
0xab: {  	_ =	task [dreg:s6], $0x5FFFF  }
0xac: {  	[dreg:$0x1] =	wrdreg $0xFFFFFFFF  }
0xad: {  	[dreg:$0x0] =	wrdreg $0x60  }
0xae: {  	[dreg:$0x2] =	wrdreg s24  }
0xaf: {  	[dreg:$0x3] =	wrdreg $0x9  }
0xb0: {  	_ =	task.clear_ibuf [dreg:s6], $0x4FFFF;
	_ =	strace $0x90000058  }
0xb1: {  	s29 =	simm.s32 $0x9;
	_ =	strace $0x8000005A  }
0xb2: {  	_ =	swait.ge [sflag:s29], $0x1  }
0xb3: {  	[sflag:s29] =	ssyncadd.s32 $0xFFFFFFFF  }
0xb4: {  	_ =	strace $0x9000005A  }
0xb5: {  	_ =	sfence  }
0xb6: {  	s30 =	sld [smem:$0x0];
	_ =	sdelay $0x2  }
0xb7: {  	s31 =	sshll.u32 s1, $0xD;
	s1 =	sshrl.u32 s1, $0x2  }
0xb8: {  	s3 =	sand.u32 $0x4000, s31;
	s1 =	sadd.s32 s1, s30  }
0xb9: {  	s0 =	sor.u32 s3, s0;
	s1 =	sshll.u32 s1, $0x11  }
0xba: {  	s0 =	sor.u32 s1, s0  }
0xbb: {  	s0 =	sadd.s32 $0x8F2B, s0  }
0xbc: {  	[sflag:s0] =	ssyncadd.remote.s32 $0x1  }
0xbd: {  	_ =	sfence.sel $0xFFFF  }
0xbe: {  	[dreg:$0x0] =	wrdreg $0xFFFFFFFF;
	(pc) =	sbr.abs _section_cstart, $3  }
0xbf: {  	[dreg:$0x1] =	wrdreg $0xFFFFFFFF  }
0xc0: {  	_ =	task.clear_ibuf [dreg:s6], $0x2FFFF;
	_ =	strace $0x9FFFFFFF  }
0xc1: {  	(tm) =	ssettm $0x7FFFFFFF  }
tec
execute0_lowered:
.L_overlay_start_1:
0x0: {  	(tag) =	ssettag $0x1  }
0x1: {  	s1 =	srdreg.scid;
	s0 =	stileid.u32  }
0x2: {  	s6 =	sand.u32 $0x1, s1;
	s30 =	sshll.u32 s0, $0x1  }
0x3: {  	s8 =	rddreg [dreg:$0x0];
	s7 =	sor.u32 s6, s30  }
0x4: {  	s2 =	simm.s32 $0x0;
	s1 =	rddreg [dreg:$0x1];
	s3 =	smul.u32 $0x271, s7  }
0x5: {  	[smem:$0x7FF] =	sst s2;
	s5 =	sadd.s32 $0x5D600, s8  }
0x6: {  	_ =	strace $0x80000059;
	s10 =	ssub.s32 $0x2, s6;
	s3 =	sadd.s32 s3, s8  }
0x7: {  	s6 =	simm.s32 $0x1388;
	s4 =	sadd.s32 $0xA200, s3;
	s3 =	simm.s32 $0x2  }
0x8: {  	[tilespmem:s2], [sflag:$0x2] =	stream.linear.gather [hbm4b:s4+s2], $0x1388, $0x38;
	[tilespmem:$0x14C08] =	vst v63  }
0x9: {  	s9 =	smul.u32 $0x2710, s7;
	s11 =	sshrl.u32 s10, $0x1;
	_ =	swait.ge [sflag:s3], $0x1388  }
0xa: {  	s7 =	simm.s32 $0x1;
	s31 =	ssub.s32 s10, s11;
	[sflag:s3] =	ssyncset.done $0x0  }
0xb: {  	s8 =	sadd.s32 s9, s8;
	s9 =	smax.u32 s31, $0x1;
	[sflag:s3] =	ssyncadd.s32 $0xFFFFEC78  }
0xc: {  	[tilespmem:s6], [sflag:$0x1] =	stream.indirect.gather [hbm4b:s5+s6], $0x10, s2, s6, $0xb8;
	[tilespmem:$0x14C08] =	vst v63  }
0xd: {  	p0 =	sne.s32 s9, $0x1;
	_ =	swait.ge [sflag:s7], $0x13880  }
.Ltmp0:
0xe: {  	[sflag:s7] =	ssyncset.done $0x0;
	(pc) =	sbr.rel @!p0 .LBB2_2-.Ltmp0, $4  }
0xf: {  	s8 =	sadd.s32 $0x2FF600, s8;
	[sflag:s7] =	ssyncadd.s32 $0xFFFEC780  }
0x10: {  	[hbm4b:s8+s2] =	stream.linear.scatter [tilespmem:s6], [sflag:$0x2], $0x13880, $0x38;
	[tilespmem:$0x14C08] =	vst v63  }
0x11: {  	_ =	swait.ge [sflag:s3], $0x13880  }
0x12: {  	s9 =	sadd.s32 $0xFFFFFFFF, s9;
	[sflag:s3] =	ssyncset.done $0x0  }
.LBB2_1:
0x13: {  	p0 =	sne.s32 s9, $0x1;
	s9 =	sadd.s32 $0xFFFFFFFF, s9;
	[sflag:s3] =	ssyncadd.s32 $0xFFFEC780  }
0x14: {  	[tilespmem:s2], [sflag:$0x2] =	stream.linear.gather [hbm4b:s4+s2], $0x1388, $0x38;
	[tilespmem:$0x14C08] =	vst v63  }
0x15: {  	_ =	swait.ge [sflag:s3], $0x1388  }
0x16: {  	[sflag:s3] =	ssyncset.done $0x0  }
0x17: {  	[sflag:s3] =	ssyncadd.s32 $0xFFFFEC78  }
0x18: {  	[tilespmem:s6], [sflag:$0x1] =	stream.indirect.gather [hbm4b:s5+s6], $0x10, s2, s6, $0xb8;
	[tilespmem:$0x14C08] =	vst v63  }
0x19: {  	_ =	swait.ge [sflag:s7], $0x13880  }
.Ltmp1:
0x1a: {  	[sflag:s7] =	ssyncset.done $0x0;
	(pc) =	sbr.rel @p0 .LBB2_1-.Ltmp1, $4  }
0x1b: {  	[sflag:s7] =	ssyncadd.s32 $0xFFFEC780  }
0x1c: {  	[hbm4b:s8+s2] =	stream.linear.scatter [tilespmem:s6], [sflag:$0x2], $0x13880, $0x38;
	[tilespmem:$0x14C08] =	vst v63  }
0x1d: {  	_ =	swait.ge [sflag:s3], $0x13880  }
0x1e: {  	[sflag:s3] =	ssyncset.done $0x0  }
.LBB2_2:
0x1f: {  	[sflag:s3] =	ssyncadd.s32 $0xFFFEC780  }
0x20: {  	_ =	sfence.sel $0x180000  }
0x21: {  	[bflag:$0x0] =	sbarrier.arrive $0xFFFF  }
0x22: {  	p0 =	sne.s32 s0, $0x0;
	_ =	strace $0x90000059  }
0x23: {  	s0 =	sadd.s32 @!p0 $0x100000, s1;
	[bflag:$0x2] =	sbarrier.arrive $0xFFFF  }
0x24: {  	[sflag:s0] =	ssyncadd.tile.s32 @!p0 $0x1;
	_ =	shalt  }
.Lfunc_end2:
_tile_overlayer_lowered:
.L_overlay_start_2:
0x25: {  	(tag) =	ssettag $0x2  }
0x26: {  	s0 =	rddreg [dreg:$0x0];
	s2 =	stileid.u32  }
0x27: {  	s1 =	rddreg [dreg:$0x1];
	p0 =	sne.s32 s2, $0x0  }
0x28: {  	s3 =	rddreg [dreg:$0x2];
	[bflag:$0x3] =	sbarrier.arrive $0xFFFF;
	s2 =	simm.s32 @!p0 $0x1C02  }
0x29: {  	[timem:s3], [sflag:s2] =	dma.local @!p0 [hbm:s0], s1  }
0x2a: {  	s0 =	simm.s32 @!p0 $0x2  }
0x2b: {  	_ =	swait.ge @!p0 [sflag:s0], s1  }
0x2c: {  	s1 =	ssub.s32 @!p0 $0x0, s1;
	[sflag:s0] =	ssyncset.done @!p0 $0x0  }
0x2d: {  	[sflag:s0] =	ssyncadd.s32 @!p0 s1  }
0x2e: {  	[bflag:$0x3] =	sbarrier.arrive $0xFFFF  }
0x2f: {  	_ =	shalt  }

// kernel: kernel.41.cloned.1.call-start
scs
__scs_entry_jumppad:
0x0: {  	(pc) =	sbr.rel $0x88, $3  }
0x1: {  	(tag) =	ssettag $0x0;
	lr =	simm.s32 $0x1  }
0x2: {  	[smem:$0x3F87] =	sst lr;
	_ =	strace $0xD0000000  }
0x3: {  	_ = 	snop  }
0x4: {  	_ = 	snop  }
0x5: {  	_ = 	snop  }
0x6: {  	_ = 	snop  }
0x7: {  	_ = 	snop  }
__scs_overlays_trampoline_lowered:
0x8: {  	[smem:$0x3F96] =	sst s0  }
0x9: {  	[smem:$0x3F97] =	sst s1  }
0xa: {  	[smem:$0x3F98] =	sst s2  }
0xb: {  	[smem:$0x3F99] =	sst s3  }
0xc: {  	[smem:$0x3F9A] =	sst s4  }
0xd: {  	[smem:$0x3F9B] =	sst s5  }
0xe: {  	[smem:$0x3F9C] =	sst s6  }
0xf: {  	[smem:$0x3F9D] =	sst s7  }
0x10: {  	[smem:$0x3F9E] =	sst s8  }
0x11: {  	[smem:$0x3F9F] =	sst s9;
	s0 =	simm.s32 @!p0 $0x0  }
0x12: {  	s1 =	sld [smem:$0x3F85];
	s0 =	simm.s32 @p0 $0x1  }
0x13: {  	[smem:$0x3FA0] =	sst s0;
	s0 =	simm.s32 @!p1 $0x0  }
0x14: {  	s2 =	sld [smem:$0x3F84];
	s0 =	simm.s32 @p1 $0x1  }
0x15: {  	[smem:$0x3FA1] =	sst s0;
	s0 =	simm.s32 @!p2 $0x0  }
0x16: {  	s3 =	sld [smem:$0x3FDB];
	s0 =	simm.s32 @p2 $0x1  }
0x17: {  	s4 =	simm.s32 $0x1BF5;
	[smem:$0x3FA3] =	sst s0  }
0x18: {  	s0 =	sld [smem:$0x3F86];
	_ =	swait.ge [sflag:s4], $0x0  }
0x19: {  	s7 =	sld [smem:$0x3F87]  }
0x1a: {  	s8 =	sadd.s32 $0xFFFFE003, lr  }
0x1b: {  	s9 =	sadd.s32 $0xFFFFFEF7, lr;
	s5 =	simm.s32 $0xFFFFFFFF;
	p2 =	slt.u32 s8, $0xFFFFF086  }
0x1c: {  	p1 =	slt.u32 s9, $0xF7A;
	s5 =	simm.s32 @!p2 $0x0  }
0x1d: {  	s5 =	simm.s32 @p1 $0x1;
	p0 =	seq.s32 s7, s2  }
0x1e: {  	s7 =	smul.u32 @!p0 $0xF7A, s2;
	p2 =	seq.s32 @!p0 s5, $0x0  }
0x1f: {  	s9 =	smul.u32 $0xF7A, s1;
	s8 =	simm.s32 @!p0 $0x1BF5;
	p2 =	por !p2, p0  }
0x20: {  	[sflag:s8] =	ssyncset.s32 @!p0 $0xFFFFF086;
	s6 =	sadd.s32 @!p0 s3, s7;
	s7 =	simm.s32 @!p0 $0x108  }
0x21: {  	s3 =	sadd.s32 s3, s9;
	s6 =	sadd.s32 @!p0 $0x88, s6;
	s7 =	simm.s32 @p2 $0x1082  }
0x22: {  	[simem:s7], [sflag:s8] =	dma.local @!p0 [hbm:s6], $0xF7A  }
0x23: {  	s9 =	sor.u32 $0xD0000000, s2;
	s6 =	simm.s32 $0x108;
	_ =	swait.ge @!p0 [sflag:s8], $0x0  }
0x24: {  	s3 =	sadd.s32 $0x88, s3;
	s6 =	simm.s32 @!p1 $0x1082;
	[sflag:s4] =	ssyncset.s32 $0xFFFFF086  }
0x25: {  	[simem:s6], [sflag:s4] =	dma.local [hbm:s3], $0xF7A  }
0x26: {  	[smem:$0x3F87] =	sst s1;
	(tag) =	ssettag s2;
	_ =	strace s9  }
0x27: {  	s1 =	sld [smem:$0x3F97]  }
0x28: {  	s2 =	sld [smem:$0x3F98]  }
0x29: {  	s4 =	sld [smem:$0x3F9A]  }
0x2a: {  	p0 =	seq.s32 s5, $0x0;
	s5 =	sld [smem:$0x3F9B]  }
0x2b: {  	s6 =	sld [smem:$0x3F9C]  }
0x2c: {  	s7 =	sld [smem:$0x3F9D]  }
0x2d: {  	s3 =	simm.s32 $0x108;
	s8 =	sld [smem:$0x3F9E]  }
0x2e: {  	s3 =	simm.s32 @!p0 $0x1082;
	s9 =	sld [smem:$0x3F9F]  }
0x2f: {  	lr =	sadd.s32 s0, s3;
	s0 =	sld [smem:$0x3F96]  }
0x30: {  	s3 =	sld [smem:$0x3F99]  }
0x31: {  	[smem:$0x3FA2] =	sst s10  }
0x32: {  	s10 =	sld [smem:$0x3FA0];
	_ =	sdelay $0x3  }
0x33: {  	p0 =	seq.s32 s10, $0x1;
	s10 =	sld [smem:$0x3FA2];
	_ =	sdelay $0x3  }
0x34: {  	[smem:$0x3FA2] =	sst s10  }
0x35: {  	s10 =	sld [smem:$0x3FA1];
	_ =	sdelay $0x3  }
0x36: {  	p1 =	seq.s32 s10, $0x1;
	s10 =	sld [smem:$0x3FA2];
	_ =	sdelay $0x3  }
0x37: {  	[smem:$0x3FA2] =	sst s10  }
0x38: {  	s10 =	sld [smem:$0x3FA3]  }
0x39: {  	_ = 	snop;
	(pc) =	sbr.ind lr, $3  }
0x3a: {  	_ = 	snop  }
0x3b: {  	_ = 	snop  }
0x3c: {  	p2 =	seq.s32 s10, $0x1;
	s10 =	sld [smem:$0x3FA2]  }
0x3d: {  	_ =	shalt  }
0x3e: {  	_ =	shalt  }
0x3f: {  	_ =	shalt  }
0x40: {  	_ =	shalt  }
0x41: {  	_ =	shalt  }
0x42: {  	_ =	shalt  }
0x43: {  	_ =	shalt  }
0x44: {  	_ =	shalt  }
0x45: {  	_ =	shalt  }
0x46: {  	_ =	shalt  }
0x47: {  	_ =	shalt  }
0x48: {  	_ =	shalt  }
0x49: {  	_ =	shalt  }
0x4a: {  	_ =	shalt  }
0x4b: {  	_ =	shalt  }
0x4c: {  	_ =	shalt  }
0x4d: {  	_ =	shalt  }
0x4e: {  	_ =	shalt  }
0x4f: {  	_ =	shalt  }
0x50: {  	_ =	shalt  }
0x51: {  	_ =	shalt  }
0x52: {  	_ =	shalt  }
0x53: {  	_ =	shalt  }
0x54: {  	_ =	shalt  }
0x55: {  	_ =	shalt  }
0x56: {  	_ =	shalt  }
0x57: {  	_ =	shalt  }
0x58: {  	_ =	shalt  }
0x59: {  	_ =	shalt  }
0x5a: {  	_ =	shalt  }
0x5b: {  	_ =	shalt  }
0x5c: {  	_ =	shalt  }
0x5d: {  	_ =	shalt  }
0x5e: {  	_ =	shalt  }
0x5f: {  	_ =	shalt  }
0x60: {  	_ =	shalt  }
0x61: {  	_ =	shalt  }
0x62: {  	_ =	shalt  }
0x63: {  	_ =	shalt  }
0x64: {  	_ =	shalt  }
0x65: {  	_ =	shalt  }
0x66: {  	_ =	shalt  }
0x67: {  	_ =	shalt  }
0x68: {  	_ =	shalt  }
0x69: {  	_ =	shalt  }
0x6a: {  	_ =	shalt  }
0x6b: {  	_ =	shalt  }
0x6c: {  	_ =	shalt  }
0x6d: {  	_ =	shalt  }
0x6e: {  	_ =	shalt  }
0x6f: {  	_ =	shalt  }
0x70: {  	_ =	shalt  }
0x71: {  	_ =	shalt  }
0x72: {  	_ =	shalt  }
0x73: {  	_ =	shalt  }
0x74: {  	_ =	shalt  }
0x75: {  	_ =	shalt  }
0x76: {  	_ =	shalt  }
0x77: {  	_ =	shalt  }
0x78: {  	_ =	shalt  }
0x79: {  	_ =	shalt  }
0x7a: {  	_ =	shalt  }
0x7b: {  	_ =	shalt  }
0x7c: {  	_ =	shalt  }
0x7d: {  	_ =	shalt  }
0x7e: {  	_ =	shalt  }
0x7f: {  	_ =	shalt  }
0x80: {  	_ =	shalt  }
0x81: {  	_ =	shalt  }
0x82: {  	_ =	shalt  }
0x83: {  	_ =	shalt  }
0x84: {  	_ =	shalt  }
0x85: {  	_ =	shalt  }
0x86: {  	_ =	shalt  }
0x87: {  	_ =	shalt  }
.Lfunc_end0:
.L_simem_size_0:
called_computation.7_lowered:
.L_overlay_start_0:
0x88: {  	s2 =	sld [smem:$0x3FD9]  }
0x89: {  	s3 =	sld [smem:$0x3FFE];
	_ =	sdelay $0x1  }
0x8a: {  	s1 =	srdreg.scid  }
0x8b: {  	s0 =	sand.u32 $0x1, s1  }
0x8c: {  	s16 =	sshll.u32 s0, $0xA;
	s2 =	sadd.s32 s3, s2  }
0x8d: {  	s2 =	sadd.s32 s2, s16  }
0x8e: {  	[smem:$0x3FAE] =	sst s2  }
0x8f: {  	_ = 	snop  }
0x90: {  	(tm) =	ssettm $0x1  }
0x91: {  	s17 =	sld [smem:$0x3FFB];
	_ =	sdelay $0x3  }
0x92: {  	_ =	strace s17  }
0x93: {  	s2 =	sld [smem:$0x3FFC];
	_ =	sdelay $0x3  }
0x94: {  	_ =	strace s2  }
0x95: {  	s2 =	sld [smem:$0x3FFD];
	_ =	sdelay $0x3  }
0x96: {  	_ =	strace s2  }
0x97: {  	_ =	strace $0x8FFFFFFF  }
0x98: {  	s18 =	sld [smem:$0x3FDB];
	_ =	sdelay $0x1  }
0x99: {  	s19 =	simm.s32 $_scs_section_size  }
0x9a: {  	s4 =	simm.s32 $_size__tile_overlayer_lowered;
	s5 =	simm.s32 $_tile_overlayer_lowered  }
0x9b: {  	s22 =	simm.s32 $0x1BFF;
	s21 =	sshll.u32 s5, $0x1;
	s2 =	sadd.s32 s19, s18  }
0x9c: {  	s6 =	simm.s32 $0x0;
	s20 =	sshll.u32 s4, $0x1;
	s4 =	sadd.s32 s21, s2  }
0x9d: {  	[timem:s6], [sflag:s22] =	dma.local [hbm:s4], s20  }
0x9e: {  	_ =	swait.ge [sflag:s22], s20  }
0x9f: {  	s3 =	ssub.s32 $0x0, s20;
	[sflag:s22] =	ssyncset.done $0x0  }
0xa0: {  	[sflag:s22] =	ssyncadd.s32 s3;
	_ =	sdelay $0x1  }
0xa1: {  	s23 =	simm.s32 $0x1B8B  }
0xa2: {  	_ =	swait.ge [sflag:s23], $0x1  }
0xa3: {  	[sflag:s23] =	ssyncset.done $0x0  }
0xa4: {  	s25 =	simm.s32 $0x1B8E;
	s24 =	sld [smem:$0x3FFE];
	[sflag:s23] =	ssyncadd.s32 $0xFFFFFFFF  }
0xa5: {  	s26 =	simm.s32 $execute0_lowered;
	[smem:$0x3FD2] =	sst s25  }
0xa6: {  	s4 =	sshll.u32 s26, $0x1;
	_ =	strace $0x8000005B;
	[dreg:$0x1] =	wrdreg $0xFFFFFFFF  }
0xa7: {  	s28 =	simm.s32 $_size_execute0_lowered;
	s2 =	sadd.s32 s2, s4;
	[dreg:$0x0] =	wrdreg $0x0  }
0xa8: {  	s4 =	sshll.u32 s28, $0x1;
	[dreg:$0x2] =	wrdreg s2  }
0xa9: {  	[dreg:$0x3] =	wrdreg s4  }
0xaa: {  	[dreg:$0x4] =	wrdreg $0xC0  }
0xab: {  	_ =	task [dreg:s6], $0x5FFFF  }
0xac: {  	[dreg:$0x1] =	wrdreg $0xFFFFFFFF  }
0xad: {  	[dreg:$0x0] =	wrdreg $0x60  }
0xae: {  	[dreg:$0x2] =	wrdreg s24  }
0xaf: {  	[dreg:$0x3] =	wrdreg $0x14C800  }
0xb0: {  	[dreg:$0x4] =	wrdreg $0x9  }
0xb1: {  	_ =	task.clear_ibuf [dreg:s6], $0x5FFFF;
	_ =	strace $0x9000005B  }
0xb2: {  	s29 =	simm.s32 $0x9;
	_ =	strace $0x8000005D  }
0xb3: {  	_ =	swait.ge [sflag:s29], $0x1  }
0xb4: {  	[sflag:s29] =	ssyncadd.s32 $0xFFFFFFFF  }
0xb5: {  	_ =	strace $0x9000005D  }
0xb6: {  	_ =	sfence  }
0xb7: {  	s30 =	sld [smem:$0x0];
	_ =	sdelay $0x2  }
0xb8: {  	s31 =	sshll.u32 s1, $0xD;
	s1 =	sshrl.u32 s1, $0x2  }
0xb9: {  	s3 =	sand.u32 $0x4000, s31;
	s1 =	sadd.s32 s1, s30  }
0xba: {  	s0 =	sor.u32 s3, s0;
	s1 =	sshll.u32 s1, $0x11  }
0xbb: {  	s0 =	sor.u32 s1, s0  }
0xbc: {  	s0 =	sadd.s32 $0x8F2B, s0  }
0xbd: {  	[sflag:s0] =	ssyncadd.remote.s32 $0x1  }
0xbe: {  	_ =	sfence.sel $0xFFFF  }
0xbf: {  	[dreg:$0x0] =	wrdreg $0xFFFFFFFF;
	(pc) =	sbr.abs _section_cstart, $3  }
0xc0: {  	[dreg:$0x1] =	wrdreg $0xFFFFFFFF  }
0xc1: {  	_ =	task.clear_ibuf [dreg:s6], $0x2FFFF;
	_ =	strace $0x9FFFFFFF  }
0xc2: {  	(tm) =	ssettm $0x7FFFFFFF  }
0xc3: {  	_ =	shalt  }
tec
execute0_lowered:
.L_overlay_start_1:
0x0: {  	(tag) =	ssettag $0x1  }
0x1: {  	s1 =	srdreg.scid;
	s5 =	rddreg [dreg:$0x0]  }
0x2: {  	s0 =	stileid.u32;
	s2 =	rddreg [dreg:$0x1]  }
0x3: {  	s4 =	sand.u32 $0x1, s1;
	s30 =	sshll.u32 s0, $0x1;
	s8 =	smul.u32 $0x2710, s0  }
0x4: {  	s3 =	simm.s32 $0x0;
	s1 =	sor.u32 s4, s30;
	s9 =	smul.u32 $0x27100, s4  }
0x5: {  	s13 =	simm.s32 $0x0;
	[smem:$0x7FF] =	sst s3;
	s6 =	smul.u32 $0x2710, s1  }
0x6: {  	s31 =	sshll.u32 s0, $0x6;
	s4 =	ssub.s32 $0x2, s4;
	s7 =	smul.u32 $0x280, s1  }
0x7: {  	s1 =	rddreg [dreg:$0x2];
	_ =	strace $0x8000005C;
	s10 =	sshrl.u32 s8, $0x3  }
0x8: {  	s11 =	sshrl.u32 s4, $0x1;
	s12 =	sadd.s32 s8, s2;
	s9 =	sadd.s32 s8, s9  }
0x9: {  	s10 =	sadd.s32 s10, s5;
	s11 =	ssub.s32 s4, s11;
	s6 =	sadd.s32 s6, s5  }
0xa: {  	s7 =	sadd.s32 s7, s5;
	s9 =	sshrl.u32 s9, $0x3;
	s4 =	sadd.s32 $0x84600, s10  }
0xb: {  	s10 =	sshrl.u32 s12, $0x3;
	s12 =	simm.s32 $0x7D;
	s9 =	sadd.s32 s9, s5  }
0xc: {  	s5 =	sor.u32 $0x1C01, s31;
	s6 =	sadd.s32 $0x89600, s6;
	s7 =	sadd.s32 $0x2FA600, s7  }
0xd: {  	s8 =	sadd.s32 $0x5D600, s9;
	s9 =	smax.u32 s11, $0x1;
	s11 =	simm.s32 $0x1  }
.LBB2_1:
0xe: {  	[spmem:s10], [sflag:s5] =	dma.local [hbm:s4], $0x4E2  }
0xf: {  	_ =	swait.ge [sflag:s11], $0x4E2  }
0x10: {  	[sflag:s11] =	ssyncset.done $0x0  }
0x11: {  	[sflag:s11] =	ssyncadd.s32 $0xFFFFFB1E  }
0x12: {  	s14 =	simm.s32 $0x1400;
	[bflag:$0x0] =	sbarrier.arrive $0xFFFF  }
0x13: {  	[tilespmem:s14], [sflag:$0x1] =	stream.linear.gather [hbm4b:s6+s3], $0x13880, $0x38;
	[tilespmem:$0x17390] =	vst v63  }
0x14: {  	_ =	swait.ge [sflag:s11], $0x13880  }
0x15: {  	[sflag:s11] =	ssyncset.done $0x0  }
0x16: {  	[sflag:s11] =	ssyncadd.s32 $0xFFFEC780  }
0x17: {  	[tilespmem:s3], [sflag:$0x1] =	stream.linear.gather [hbm4b:s7+s3], $0x1400, $0x38;
	[tilespmem:$0x17390] =	vst v63  }
0x18: {  	_ =	swait.ge [sflag:s11], $0x1400  }
0x19: {  	[sflag:s11] =	ssyncset.done $0x0  }
0x1a: {  	s15 =	simm.s32 $0x0;
	[sflag:s11] =	ssyncadd.s32 $0xFFFFEC00  }
0x1b: {  	[spmem:s2] =	stream.indirect.scatter.add.f32 [tilespmem:s14], [sflag:$0x1], $0x10, s15, s12, $0xb8;
	[tilespmem:$0x17390] =	vst v63  }
0x1c: {  	_ =	swait.ge [sflag:s11], $0x7D0  }
0x1d: {  	s15 =	simm.s32 $0x200;
	[sflag:s11] =	ssyncset.done $0x0  }
.LBB2_2:
0x1e: {  	s16 =	sshra.s32 s15, $0x2  }
0x1f: {  	[sflag:s11] =	ssyncadd.s32 $0xFFFFF830;
	s14 =	sadd.s32 $0x7D0, s14;
	p0 =	sne.s32 s15, $0x4E00  }
0x20: {  	[spmem:s2] =	stream.indirect.scatter.add.f32 [tilespmem:s14], [sflag:$0x1], $0x10, s16, s12, $0xb8;
	[tilespmem:$0x17390] =	vst v63  }
.Ltmp0:
0x21: {  	_ = 	snop;
	(pc) =	sbr.rel @p0 .LBB2_2-.Ltmp0, $4  }
0x22: {  	_ = 	snop  }
0x23: {  	s15 =	sadd.s32 $0x200, s15  }
0x24: {  	_ =	swait.ge [sflag:s11], $0x7D0  }
0x25: {  	[sflag:s11] =	ssyncset.done $0x0  }
0x26: {  	s13 =	sadd.s32 $0x1, s13  }
0x27: {  	[sflag:s11] =	ssyncadd.s32 $0xFFFFF830;
	p0 =	sne.s32 s13, s9  }
.Ltmp1:
0x28: {  	[bflag:$0x0] =	sbarrier.arrive $0xFFFF;
	(pc) =	sbr.rel @p0 .LBB2_1-.Ltmp1, $4  }
0x29: {  	[hbm:s8], [sflag:s5] =	dma.local [spmem:s10], $0x4E2  }
0x2a: {  	_ =	swait.ge [sflag:s11], $0x4E2  }
0x2b: {  	[sflag:s11] =	ssyncset.done $0x0  }
0x2c: {  	[sflag:s11] =	ssyncadd.s32 $0xFFFFFB1E  }
0x2d: {  	_ =	sfence.sel $0x180000  }
0x2e: {  	[bflag:$0x0] =	sbarrier.arrive $0xFFFF  }
0x2f: {  	p0 =	sne.s32 s0, $0x0;
	_ =	strace $0x9000005C  }
0x30: {  	s0 =	sadd.s32 @!p0 $0x100000, s1;
	[bflag:$0x2] =	sbarrier.arrive $0xFFFF  }
0x31: {  	[sflag:s0] =	ssyncadd.tile.s32 @!p0 $0x1;
	_ =	shalt  }
.Lfunc_end2:
_tile_overlayer_lowered:
.L_overlay_start_2:
0x32: {  	(tag) =	ssettag $0x2  }
0x33: {  	s0 =	rddreg [dreg:$0x0];
	s2 =	stileid.u32  }
0x34: {  	s1 =	rddreg [dreg:$0x1];
	p0 =	sne.s32 s2, $0x0  }
0x35: {  	s3 =	rddreg [dreg:$0x2];
	[bflag:$0x3] =	sbarrier.arrive $0xFFFF;
	s2 =	simm.s32 @!p0 $0x1C01  }
0x36: {  	[timem:s3], [sflag:s2] =	dma.local @!p0 [hbm:s0], s1  }
0x37: {  	s0 =	simm.s32 @!p0 $0x1  }
0x38: {  	_ =	swait.ge @!p0 [sflag:s0], s1  }
0x39: {  	s1 =	ssub.s32 @!p0 $0x0, s1;
	[sflag:s0] =	ssyncset.done @!p0 $0x0  }
0x3a: {  	[sflag:s0] =	ssyncadd.s32 @!p0 s1  }
0x3b: {  	[bflag:$0x3] =	sbarrier.arrive $0xFFFF  }
0x3c: {  	_ =	shalt  }

</sc_bundles>
